<compile_context>
chip_gen: v7x
topology: tpu7x:2x2x1
jax: 0.10.2.dev20260603
libtpu: 0.0.44.dev20260713+nightly
codegen_flags: <defaults>
</compile_context>

<pallas_src>
import jax
import jax.numpy as jnp
from jax import lax
from jax.experimental import pallas as pl
from jax.experimental.pallas import tpu as pltpu
from jax.experimental.pallas import tpu_sc as plsc

D = 128
NC = 2
NS = 16
NW = NC * NS
L = 16



def _mm_body(h_ref, ws_ref, bs_ref, wt_ref, bt_ref, zs_ref, zt_ref):
    h = h_ref[...]
    dn = (((1,), (1,)), ((), ()))
    zs_ref[...] = lax.dot_general(
        h, ws_ref[...], dn, preferred_element_type=jnp.float32) + bs_ref[...]
    zt_ref[...] = lax.dot_general(
        h, wt_ref[...], dn, preferred_element_type=jnp.float32) + bt_ref[...]


def _project(hidden, Ws, bs2, Wt, bt2):
    n = hidden.shape[0]
    blk = 2000
    return pl.pallas_call(
        _mm_body,
        grid=(n // blk,),
        in_specs=[
            pl.BlockSpec((blk, D), lambda i: (i, 0)),
            pl.BlockSpec((D, D), lambda i: (0, 0)),
            pl.BlockSpec((1, D), lambda i: (0, 0)),
            pl.BlockSpec((D, D), lambda i: (0, 0)),
            pl.BlockSpec((1, D), lambda i: (0, 0)),
        ],
        out_specs=[pl.BlockSpec((blk, D), lambda i: (i, 0))] * 2,
        out_shape=[jax.ShapeDtypeStruct((n, D), jnp.float32)] * 2,
    )(hidden, Ws, bs2, Wt, bt2)



def _edge_scores(zs, zt, src, dst, n_nodes):
    wd = zs.shape[1]
    e = src.shape[0]
    epw = e // NW
    C = 16
    nch = epw // C
    ng = C // L

    NB = 4

    def body(zs_h, zt_h, src_h, dst_h, z_h, pmax_h,
             sidx, didx, rows_s, rows_t, zbuf, segmax,
             sem_s, sem_t, sem_z):
        wid = lax.axis_index("s") * NC + lax.axis_index("c")
        base = wid * epw

        neg = jnp.full((L,), -3.0e38, jnp.float32)

        def init(i, carry):
            segmax[pl.ds(i * L, L)] = neg
            return carry
        lax.fori_loop(0, n_nodes // L, init, 0)

        pltpu.sync_copy(src_h.at[pl.ds(base, epw)], sidx)
        pltpu.sync_copy(dst_h.at[pl.ds(base, epw)], didx)

        eiota = lax.iota(jnp.int32, L)

        def fire(c, par):
            off = c * C
            pltpu.async_copy(zs_h.at[sidx.at[pl.ds(off, C)]],
                             rows_s.at[pl.ds(par * C, C)], sem_s)
            pltpu.async_copy(zt_h.at[didx.at[pl.ds(off, C)]],
                             rows_t.at[pl.ds(par * C, C)], sem_t)

        def drain(par):
            pltpu.make_async_copy(zs_h.at[sidx.at[pl.ds(0, C)]],
                                  rows_s.at[pl.ds(par * C, C)], sem_s).wait()
            pltpu.make_async_copy(zt_h.at[didx.at[pl.ds(0, C)]],
                                  rows_t.at[pl.ds(par * C, C)], sem_t).wait()

        for p in range(NB - 1):
            fire(p, p)

        def chunk(c, carry):
            par = c % NB
            more = c + (NB - 1) < nch

            @pl.when(more)
            def _():
                fire(c + (NB - 1), (c + (NB - 1)) % NB)

            drain(par)

            @pl.when(c >= NB)
            def _():
                pltpu.make_async_copy(zbuf.at[pl.ds(0, C)],
                                      z_h.at[pl.ds(base, C)], sem_z).wait()

            row0 = par * C
            for g in range(ng):
                acc = jnp.zeros((L,), jnp.float32)
                for e16 in range(L):
                    er = row0 + g * L + e16
                    ps = [rows_s[er, pl.ds(j * L, L)] *
                          rows_t[er, pl.ds(j * L, L)] for j in range(D // L)]
                    tot = ((ps[0] + ps[1]) + (ps[2] + ps[3])) + \
                          ((ps[4] + ps[5]) + (ps[6] + ps[7]))
                    acc = jnp.where(eiota == e16, jnp.sum(tot), acc)
                zbuf[pl.ds(par * C + g * L, L)] = acc
                src16 = sidx[pl.ds(c * C + g * L, L)]

                def cond(carry2):
                    return jnp.any(carry2[0])

                def upd(carry2):
                    pend = carry2[0]
                    cur = plsc.load_gather(segmax, [src16])
                    new = jnp.maximum(cur, acc)
                    plsc.store_scatter(segmax, [src16], new, mask=pend)
                    chk = plsc.load_gather(segmax, [src16])
                    return (chk < new,)

                lax.while_loop(cond, upd, (jnp.ones((L,), jnp.bool_),))
            pltpu.async_copy(zbuf.at[pl.ds(par * C, C)],
                             z_h.at[pl.ds(base + c * C, C)], sem_z)
            return carry
        lax.fori_loop(0, nch, chunk, 0)
        for _k in range(NB):
            pltpu.make_async_copy(zbuf.at[pl.ds(0, C)],
                                  z_h.at[pl.ds(base, C)], sem_z).wait()
        pltpu.sync_copy(segmax, pmax_h.at[wid])

    mesh = plsc.VectorSubcoreMesh(core_axis_name="c", subcore_axis_name="s")
    return pl.kernel(
        body,
        out_type=[
            jax.ShapeDtypeStruct((e,), jnp.float32),
            jax.ShapeDtypeStruct((NW, n_nodes), jnp.float32),
        ],
        mesh=mesh,
        compiler_params=pltpu.CompilerParams(needs_layout_passes=False),
        scratch_types=[
            pltpu.VMEM((epw,), jnp.int32),
            pltpu.VMEM((epw,), jnp.int32),
            pltpu.VMEM((NB * C, wd), jnp.float32),
            pltpu.VMEM((NB * C, wd), jnp.float32),
            pltpu.VMEM((NB * C,), jnp.float32),
            pltpu.VMEM((n_nodes,), jnp.float32),
            pltpu.SemaphoreType.DMA,
            pltpu.SemaphoreType.DMA,
            pltpu.SemaphoreType.DMA,
        ],
    )(zs, zt, src, dst)



def _colmax_body(x_ref, o_ref):
    o_ref[...] = jnp.max(x_ref[...], axis=0, keepdims=True)


def _logsum_body(x_ref, o_ref):
    o_ref[...] = jnp.log(jnp.sum(x_ref[...], axis=0, keepdims=True))


def _merge_cols(parts, body):
    n = parts.shape[1]
    return pl.pallas_call(
        body,
        out_shape=jax.ShapeDtypeStruct((1, n), jnp.float32),
    )(parts)



def _seg_denom(z, src, smax_g, n_nodes):
    e = z.shape[0]
    epw = e // NW
    C2 = 2000
    nch = epw // C2
    ng = C2 // L

    def body(z_h, src_h, smax_h, pden_h, sidx, zch, segl, den, sem):
        wid = lax.axis_index("s") * NC + lax.axis_index("c")
        base = wid * epw

        zero = jnp.zeros((L,), jnp.float32)

        def init(i, carry):
            den[pl.ds(i * L, L)] = zero
            return carry
        lax.fori_loop(0, n_nodes // L, init, 0)
        pltpu.sync_copy(smax_h, segl)

        def chunk(c, carry):
            eb = base + c * C2
            pltpu.sync_copy(src_h.at[pl.ds(eb, C2)], sidx)
            pltpu.sync_copy(z_h.at[pl.ds(eb, C2)], zch)

            def grp(j, carry2):
                s16 = sidx[pl.ds(j * L, L)]
                zv = zch[pl.ds(j * L, L)]
                mx = plsc.load_gather(segl, [s16])
                w = jnp.exp(zv - mx)
                plsc.addupdate_scatter(den, [s16], w)
                return carry2
            lax.fori_loop(0, ng, grp, 0)
            return carry
        lax.fori_loop(0, nch, chunk, 0)
        pltpu.sync_copy(den, pden_h.at[wid])

    mesh = plsc.VectorSubcoreMesh(core_axis_name="c", subcore_axis_name="s")
    return pl.kernel(
        body,
        out_type=jax.ShapeDtypeStruct((NW, n_nodes), jnp.float32),
        mesh=mesh,
        compiler_params=pltpu.CompilerParams(needs_layout_passes=False),
        scratch_types=[
            pltpu.VMEM((C2,), jnp.int32),
            pltpu.VMEM((C2,), jnp.float32),
            pltpu.VMEM((n_nodes,), jnp.float32),
            pltpu.VMEM((n_nodes,), jnp.float32),
            pltpu.SemaphoreType.DMA,
        ],
    )(z, src, smax_g)



def _final(z, src, smax_g, logden_g, n_nodes):
    e = z.shape[0]
    epw = e // NW
    C2 = 2000
    nch = epw // C2
    ng = C2 // L

    def body(z_h, src_h, smax_h, logd_h, out_h, sidx, zch, obuf, segl, logl, sem):
        wid = lax.axis_index("s") * NC + lax.axis_index("c")
        base = wid * epw
        pltpu.sync_copy(smax_h, segl)
        pltpu.sync_copy(logd_h, logl)

        def chunk(c, carry):
            eb = base + c * C2
            pltpu.sync_copy(src_h.at[pl.ds(eb, C2)], sidx)
            pltpu.sync_copy(z_h.at[pl.ds(eb, C2)], zch)

            def grp(j, carry2):
                s16 = sidx[pl.ds(j * L, L)]
                zv = zch[pl.ds(j * L, L)]
                mx = plsc.load_gather(segl, [s16])
                ld = plsc.load_gather(logl, [s16])
                obuf[pl.ds(j * L, L)] = (zv - mx) - ld
                return carry2
            lax.fori_loop(0, ng, grp, 0)
            pltpu.sync_copy(obuf, out_h.at[pl.ds(eb, C2)])
            return carry
        lax.fori_loop(0, nch, chunk, 0)

    mesh = plsc.VectorSubcoreMesh(core_axis_name="c", subcore_axis_name="s")
    return pl.kernel(
        body,
        out_type=jax.ShapeDtypeStruct((e,), jnp.float32),
        mesh=mesh,
        compiler_params=pltpu.CompilerParams(needs_layout_passes=False),
        scratch_types=[
            pltpu.VMEM((C2,), jnp.int32),
            pltpu.VMEM((C2,), jnp.float32),
            pltpu.VMEM((C2,), jnp.float32),
            pltpu.VMEM((n_nodes,), jnp.float32),
            pltpu.VMEM((n_nodes,), jnp.float32),
            pltpu.SemaphoreType.DMA,
        ],
    )(z, src, smax_g, logden_g)



def kernel(hidden, edge_index, Ws, bs, Wt, bt):
    n = hidden.shape[0]
    zs, zt = _project(hidden, Ws, bs.reshape(1, D), Wt, bt.reshape(1, D))
    src = edge_index[0]
    dst = edge_index[1]
    z, pmax = _edge_scores(zs, zt, src, dst, n)
    smax = _merge_cols(pmax, _colmax_body).reshape(-1)
    pden = _seg_denom(z, src, smax, n)
    logden = _merge_cols(pden, _logsum_body).reshape(-1)
    return _final(z, src, smax, logden, n)

# --- scband reference (transcript-rebuilt; emitter-appended) ---
"""Pipeline reference for scband-decoder-16604343566357 (READ-ONLY COPY).

The authoritative reference and input builder live on the scoring server;
editing this copy changes nothing except your own understanding.
"""

import jax, jax.numpy as jnp
import numpy as np

N = 10000
E = 320000
D = 128

def setup_inputs(seed: int = 0) -> dict:
    key = jax.random.key(seed)
    k1, k2, k3, k4, k5, k6 = jax.random.split(key, 6)
    hidden = jax.random.normal(k1, (N, D), dtype=jnp.float32)
    edge_index = jax.random.randint(k2, (2, E), 0, N, dtype=jnp.int32)
    scale = 1.0 / np.sqrt(D)
    Ws = jax.random.uniform(k3, (D, D), dtype=jnp.float32, minval=-scale, maxval=scale)
    bs = jax.random.uniform(k4, (D,), dtype=jnp.float32, minval=-scale, maxval=scale)
    Wt = jax.random.uniform(k5, (D, D), dtype=jnp.float32, minval=-scale, maxval=scale)
    bt = jax.random.uniform(k6, (D,), dtype=jnp.float32, minval=-scale, maxval=scale)
    return {"hidden": hidden, "edge_index": edge_index, "Ws": Ws, "bs": bs, "Wt": Wt, "bt": bt}

def reference(hidden, edge_index, Ws, bs, Wt, bt):
    # NodePointerDecoder: BaseEdgeDecoder bilinear edge score + scatter_log_softmax over src nodes
    zs = hidden @ Ws.T + bs  # source_lin
    zt = hidden @ Wt.T + bt  # target_lin
    src = edge_index[0]
    dst = edge_index[1]
    z = jnp.sum(zs[src] * zt[dst], axis=-1)  # [E]
    # scatter_log_softmax(z, src, dim=0)
    seg_max = jax.ops.segment_max(z, src, num_segments=N)
    z_shift = z - seg_max[src]
    denom = jax.ops.segment_sum(jnp.exp(z_shift), src, num_segments=N)
    out = z_shift - jnp.log(denom)[src]
    return out

if __name__ == "__main__":
    import jax
    _d = setup_inputs()
    print(jax.jit(kernel)(*tuple(_d.values())))

</pallas_src>

<mosaic_0001>
#map = affine_map<(d0, d1) -> (0)>
module attributes {stable_mosaic.version = 14 : i64} {
  func.func @body(%arg0: i32, %arg1: i32, %arg2: memref<320000xf32, #tpu.memory_space<hbm>>, %arg3: memref<320000xi32, #tpu.memory_space<hbm>>, %arg4: memref<10000xf32, #tpu.memory_space<hbm>>, %arg5: memref<10000xf32, #tpu.memory_space<hbm>>, %arg6: memref<320000xf32, #tpu.memory_space<hbm>>, %arg7: memref<2000xi32, #tpu.memory_space<vmem>>, %arg8: memref<2000xf32, #tpu.memory_space<vmem>>, %arg9: memref<2000xf32, #tpu.memory_space<vmem>>, %arg10: memref<10000xf32, #tpu.memory_space<vmem>>, %arg11: memref<10000xf32, #tpu.memory_space<vmem>>, %arg12: memref<!tpu.dma_semaphore, #tpu.memory_space<semaphore_mem>>) attributes {dimension_semantics = [#tpu.dimension_semantics<core_parallel>, #tpu.dimension_semantics<subcore_parallel>], iteration_bounds = array<i64: 2, 16>, scalar_prefetch = 0 : i64, scratch_operands = 6 : i64, tpu.core_type = #tpu.core_type<sc_vector_subcore>, window_params = [{transform_indices = #map}, {transform_indices = #map}, {transform_indices = #map}, {transform_indices = #map}, {transform_indices = #map}]} {
    %mul3A = arith.constant 2 : i32
    %mul3A_0 = arith.muli %arg1, %mul3A : i32
    %add3A = arith.addi %mul3A_0, %arg0 : i32
    %mul3A_1 = arith.constant 10000 : i32
    %mul3A_2 = arith.muli %add3A, %mul3A_1 : i32
    "tpu.region"() ({
      %run_scoped3A = tpu.sem_alloc : memref<!tpu.dma_semaphore, #tpu.memory_space<semaphore_mem>>
      tpu.enqueue_dma source(%arg4 : memref<10000xf32, #tpu.memory_space<hbm>>) target(%arg10 : memref<10000xf32, #tpu.memory_space<vmem>>) target_semaphore(%run_scoped3A : memref<!tpu.dma_semaphore, #tpu.memory_space<semaphore_mem>>)
      tpu.wait_dma2 semaphore(%run_scoped3A : memref<!tpu.dma_semaphore, #tpu.memory_space<semaphore_mem>>) src(%arg4 : memref<10000xf32, #tpu.memory_space<hbm>>) dst(%arg10 : memref<10000xf32, #tpu.memory_space<vmem>>)
      tpu.yield
    }) : () -> ()
    "tpu.region"() ({
      %run_scoped3A = tpu.sem_alloc : memref<!tpu.dma_semaphore, #tpu.memory_space<semaphore_mem>>
      tpu.enqueue_dma source(%arg5 : memref<10000xf32, #tpu.memory_space<hbm>>) target(%arg11 : memref<10000xf32, #tpu.memory_space<vmem>>) target_semaphore(%run_scoped3A : memref<!tpu.dma_semaphore, #tpu.memory_space<semaphore_mem>>)
      tpu.wait_dma2 semaphore(%run_scoped3A : memref<!tpu.dma_semaphore, #tpu.memory_space<semaphore_mem>>) src(%arg5 : memref<10000xf32, #tpu.memory_space<hbm>>) dst(%arg11 : memref<10000xf32, #tpu.memory_space<vmem>>)
      tpu.yield
    }) : () -> ()
    %scan3A = arith.constant 0 : i32
    %scan3A_3 = arith.constant 0 : i32
    %scan3A_4 = arith.constant 5 : i32
    %scan3A_5 = arith.addi %scan3A_3, %scan3A_4 : i32
    %scan3A_6 = arith.constant 1 : i32
    scf.for %scan3A_8 = %scan3A_3 to %scan3A_5 step %scan3A_6  : i32 {
      %mul3A_9 = arith.constant 2000 : i32
      %mul3A_10 = arith.muli %scan3A_8, %mul3A_9 : i32
      %add3A_11 = arith.addi %mul3A_2, %mul3A_10 : i32
      "tpu.region"() ({
        %run_scoped3A = tpu.sem_alloc : memref<!tpu.dma_semaphore, #tpu.memory_space<semaphore_mem>>
        %dma_start3A = tpu.memref_slice %arg3[%add3A_11] : memref<320000xi32, #tpu.memory_space<hbm>> -> memref<2000xi32, #tpu.memory_space<hbm>>
        %dma_start3A_18 = tpu.memref_slice %arg3[%add3A_11] : memref<320000xi32, #tpu.memory_space<hbm>> -> memref<2000xi32, #tpu.memory_space<hbm>>
        tpu.enqueue_dma source(%dma_start3A_18 : memref<2000xi32, #tpu.memory_space<hbm>>) target(%arg7 : memref<2000xi32, #tpu.memory_space<vmem>>) target_semaphore(%run_scoped3A : memref<!tpu.dma_semaphore, #tpu.memory_space<semaphore_mem>>)
        %dma_wait3A = tpu.memref_slice %arg3[%add3A_11] : memref<320000xi32, #tpu.memory_space<hbm>> -> memref<2000xi32, #tpu.memory_space<hbm>>
        %dma_wait3A_19 = tpu.memref_slice %arg3[%add3A_11] : memref<320000xi32, #tpu.memory_space<hbm>> -> memref<2000xi32, #tpu.memory_space<hbm>>
        tpu.wait_dma2 semaphore(%run_scoped3A : memref<!tpu.dma_semaphore, #tpu.memory_space<semaphore_mem>>) src(%dma_wait3A_19 : memref<2000xi32, #tpu.memory_space<hbm>>) dst(%arg7 : memref<2000xi32, #tpu.memory_space<vmem>>)
        tpu.yield
      }) : () -> ()
      "tpu.region"() ({
        %run_scoped3A = tpu.sem_alloc : memref<!tpu.dma_semaphore, #tpu.memory_space<semaphore_mem>>
        %dma_start3A = tpu.memref_slice %arg2[%add3A_11] : memref<320000xf32, #tpu.memory_space<hbm>> -> memref<2000xf32, #tpu.memory_space<hbm>>
        %dma_start3A_18 = tpu.memref_slice %arg2[%add3A_11] : memref<320000xf32, #tpu.memory_space<hbm>> -> memref<2000xf32, #tpu.memory_space<hbm>>
        tpu.enqueue_dma source(%dma_start3A_18 : memref<2000xf32, #tpu.memory_space<hbm>>) target(%arg8 : memref<2000xf32, #tpu.memory_space<vmem>>) target_semaphore(%run_scoped3A : memref<!tpu.dma_semaphore, #tpu.memory_space<semaphore_mem>>)
        %dma_wait3A = tpu.memref_slice %arg2[%add3A_11] : memref<320000xf32, #tpu.memory_space<hbm>> -> memref<2000xf32, #tpu.memory_space<hbm>>
        %dma_wait3A_19 = tpu.memref_slice %arg2[%add3A_11] : memref<320000xf32, #tpu.memory_space<hbm>> -> memref<2000xf32, #tpu.memory_space<hbm>>
        tpu.wait_dma2 semaphore(%run_scoped3A : memref<!tpu.dma_semaphore, #tpu.memory_space<semaphore_mem>>) src(%dma_wait3A_19 : memref<2000xf32, #tpu.memory_space<hbm>>) dst(%arg8 : memref<2000xf32, #tpu.memory_space<vmem>>)
        tpu.yield
      }) : () -> ()
      %scan3A_12 = arith.constant 0 : i32
      %scan3A_13 = arith.constant 0 : i32
      %scan3A_14 = arith.constant 125 : i32
      %scan3A_15 = arith.addi %scan3A_13, %scan3A_14 : i32
      %scan3A_16 = arith.constant 1 : i32
      scf.for %scan3A_18 = %scan3A_13 to %scan3A_15 step %scan3A_16  : i32 {
        %mul3A_19 = arith.constant 16 : i32
        %mul3A_20 = arith.muli %scan3A_18, %mul3A_19 : i32
        %get3A = arith.index_cast %mul3A_20 : i32 to index
        %get3A_21 = tpu.vector_load %arg7[%get3A] {strides = array<i32>} : memref<2000xi32, #tpu.memory_space<vmem>>, vector<16xi32>,
        %mul3A_22 = arith.constant 16 : i32
        %mul3A_23 = arith.muli %scan3A_18, %mul3A_22 : i32
        %get3A_24 = arith.index_cast %mul3A_23 : i32 to index
        %get3A_25 = tpu.vector_load %arg8[%get3A_24] {strides = array<i32>} : memref<2000xf32, #tpu.memory_space<vmem>>, vector<16xf32>,
        %gather3A = tpu.vector_load_idx %arg10[%get3A_21] : memref<10000xf32, #tpu.memory_space<vmem>>[vector<16xi32>], vector<16xf32>,
        %gather3A_26 = tpu.vector_load_idx %arg11[%get3A_21] : memref<10000xf32, #tpu.memory_space<vmem>>[vector<16xi32>], vector<16xf32>,
        %sub3A = arith.subf %get3A_25, %gather3A : vector<16xf32>
        %sub3A_27 = arith.subf %sub3A, %gather3A_26 : vector<16xf32>
        %mul3A_28 = arith.constant 16 : i32
        %mul3A_29 = arith.muli %scan3A_18, %mul3A_28 : i32
        %swap3A = arith.index_cast %mul3A_29 : i32 to index
        %swap3A_30 = tpu.vector_load %arg9[%swap3A] {strides = array<i32>} : memref<2000xf32, #tpu.memory_space<vmem>>, vector<16xf32>,
        tpu.vector_store %arg9[%swap3A], %sub3A_27 {strides = array<i32>} : memref<2000xf32, #tpu.memory_space<vmem>>, vector<16xf32>,
      }
      %scan3A_17 = arith.constant 125 : i32
      "tpu.region"() ({
        %run_scoped3A = tpu.sem_alloc : memref<!tpu.dma_semaphore, #tpu.memory_space<semaphore_mem>>
        %dma_start3A = tpu.memref_slice %arg6[%add3A_11] : memref<320000xf32, #tpu.memory_space<hbm>> -> memref<2000xf32, #tpu.memory_space<hbm>>
        %dma_start3A_18 = tpu.memref_slice %arg6[%add3A_11] : memref<320000xf32, #tpu.memory_space<hbm>> -> memref<2000xf32, #tpu.memory_space<hbm>>
        tpu.enqueue_dma source(%arg9 : memref<2000xf32, #tpu.memory_space<vmem>>) target(%dma_start3A_18 : memref<2000xf32, #tpu.memory_space<hbm>>) target_semaphore(%run_scoped3A : memref<!tpu.dma_semaphore, #tpu.memory_space<semaphore_mem>>)
        %dma_wait3A = tpu.memref_slice %arg6[%add3A_11] : memref<320000xf32, #tpu.memory_space<hbm>> -> memref<2000xf32, #tpu.memory_space<hbm>>
        %dma_wait3A_19 = tpu.memref_slice %arg6[%add3A_11] : memref<320000xf32, #tpu.memory_space<hbm>> -> memref<2000xf32, #tpu.memory_space<hbm>>
        tpu.wait_dma2 semaphore(%run_scoped3A : memref<!tpu.dma_semaphore, #tpu.memory_space<semaphore_mem>>) src(%arg9 : memref<2000xf32, #tpu.memory_space<vmem>>) dst(%dma_wait3A_19 : memref<2000xf32, #tpu.memory_space<hbm>>)
        tpu.yield
      }) : () -> ()
    }
    %scan3A_7 = arith.constant 5 : i32
    return
  }
}

#map = affine_map<(d0, d1) -> (0)>
#map1 = affine_map<(d0, d1) -> (0, 0)>
module attributes {stable_mosaic.version = 14 : i64} {
  func.func @body(%arg0: i32, %arg1: i32, %arg2: memref<320000xf32, #tpu.memory_space<hbm>>, %arg3: memref<320000xi32, #tpu.memory_space<hbm>>, %arg4: memref<10000xf32, #tpu.memory_space<hbm>>, %arg5: memref<32x10000xf32, #tpu.memory_space<hbm>>, %arg6: memref<2000xi32, #tpu.memory_space<vmem>>, %arg7: memref<2000xf32, #tpu.memory_space<vmem>>, %arg8: memref<10000xf32, #tpu.memory_space<vmem>>, %arg9: memref<10000xf32, #tpu.memory_space<vmem>>, %arg10: memref<!tpu.dma_semaphore, #tpu.memory_space<semaphore_mem>>) attributes {dimension_semantics = [#tpu.dimension_semantics<core_parallel>, #tpu.dimension_semantics<subcore_parallel>], iteration_bounds = array<i64: 2, 16>, scalar_prefetch = 0 : i64, scratch_operands = 5 : i64, tpu.core_type = #tpu.core_type<sc_vector_subcore>, window_params = [{transform_indices = #map}, {transform_indices = #map}, {transform_indices = #map}, {transform_indices = #map1}]} {
    %mul3A = arith.constant 2 : i32
    %mul3A_0 = arith.muli %arg1, %mul3A : i32
    %add3A = arith.addi %mul3A_0, %arg0 : i32
    %mul3A_1 = arith.constant 10000 : i32
    %mul3A_2 = arith.muli %add3A, %mul3A_1 : i32
    %broadcast_in_dim3A = arith.constant 0.000000e+00 : f32
    %broadcast_in_dim3A_3 = vector.broadcast %broadcast_in_dim3A : f32 to vector<16xf32>
    %scan3A = arith.constant 0 : i32
    %scan3A_4 = arith.constant 0 : i32
    %scan3A_5 = arith.constant 625 : i32
    %scan3A_6 = arith.addi %scan3A_4, %scan3A_5 : i32
    %scan3A_7 = arith.constant 1 : i32
    scf.for %scan3A_15 = %scan3A_4 to %scan3A_6 step %scan3A_7  : i32 {
      %mul3A_16 = arith.constant 16 : i32
      %mul3A_17 = arith.muli %scan3A_15, %mul3A_16 : i32
      %swap3A = arith.index_cast %mul3A_17 : i32 to index
      %swap3A_18 = tpu.vector_load %arg9[%swap3A] {strides = array<i32>} : memref<10000xf32, #tpu.memory_space<vmem>>, vector<16xf32>,
      tpu.vector_store %arg9[%swap3A], %broadcast_in_dim3A_3 {strides = array<i32>} : memref<10000xf32, #tpu.memory_space<vmem>>, vector<16xf32>,
    }
    %scan3A_8 = arith.constant 625 : i32
    "tpu.region"() ({
      %run_scoped3A = tpu.sem_alloc : memref<!tpu.dma_semaphore, #tpu.memory_space<semaphore_mem>>
      tpu.enqueue_dma source(%arg4 : memref<10000xf32, #tpu.memory_space<hbm>>) target(%arg8 : memref<10000xf32, #tpu.memory_space<vmem>>) target_semaphore(%run_scoped3A : memref<!tpu.dma_semaphore, #tpu.memory_space<semaphore_mem>>)
      tpu.wait_dma2 semaphore(%run_scoped3A : memref<!tpu.dma_semaphore, #tpu.memory_space<semaphore_mem>>) src(%arg4 : memref<10000xf32, #tpu.memory_space<hbm>>) dst(%arg8 : memref<10000xf32, #tpu.memory_space<vmem>>)
      tpu.yield
    }) : () -> ()
    %scan3A_9 = arith.constant 0 : i32
    %scan3A_10 = arith.constant 0 : i32
    %scan3A_11 = arith.constant 5 : i32
    %scan3A_12 = arith.addi %scan3A_10, %scan3A_11 : i32
    %scan3A_13 = arith.constant 1 : i32
    scf.for %scan3A_15 = %scan3A_10 to %scan3A_12 step %scan3A_13  : i32 {
      %mul3A_16 = arith.constant 2000 : i32
      %mul3A_17 = arith.muli %scan3A_15, %mul3A_16 : i32
      %add3A_18 = arith.addi %mul3A_2, %mul3A_17 : i32
      "tpu.region"() ({
        %run_scoped3A = tpu.sem_alloc : memref<!tpu.dma_semaphore, #tpu.memory_space<semaphore_mem>>
        %dma_start3A = tpu.memref_slice %arg3[%add3A_18] : memref<320000xi32, #tpu.memory_space<hbm>> -> memref<2000xi32, #tpu.memory_space<hbm>>
        %dma_start3A_25 = tpu.memref_slice %arg3[%add3A_18] : memref<320000xi32, #tpu.memory_space<hbm>> -> memref<2000xi32, #tpu.memory_space<hbm>>
        tpu.enqueue_dma source(%dma_start3A_25 : memref<2000xi32, #tpu.memory_space<hbm>>) target(%arg6 : memref<2000xi32, #tpu.memory_space<vmem>>) target_semaphore(%run_scoped3A : memref<!tpu.dma_semaphore, #tpu.memory_space<semaphore_mem>>)
        %dma_wait3A = tpu.memref_slice %arg3[%add3A_18] : memref<320000xi32, #tpu.memory_space<hbm>> -> memref<2000xi32, #tpu.memory_space<hbm>>
        %dma_wait3A_26 = tpu.memref_slice %arg3[%add3A_18] : memref<320000xi32, #tpu.memory_space<hbm>> -> memref<2000xi32, #tpu.memory_space<hbm>>
        tpu.wait_dma2 semaphore(%run_scoped3A : memref<!tpu.dma_semaphore, #tpu.memory_space<semaphore_mem>>) src(%dma_wait3A_26 : memref<2000xi32, #tpu.memory_space<hbm>>) dst(%arg6 : memref<2000xi32, #tpu.memory_space<vmem>>)
        tpu.yield
      }) : () -> ()
      "tpu.region"() ({
        %run_scoped3A = tpu.sem_alloc : memref<!tpu.dma_semaphore, #tpu.memory_space<semaphore_mem>>
        %dma_start3A = tpu.memref_slice %arg2[%add3A_18] : memref<320000xf32, #tpu.memory_space<hbm>> -> memref<2000xf32, #tpu.memory_space<hbm>>
        %dma_start3A_25 = tpu.memref_slice %arg2[%add3A_18] : memref<320000xf32, #tpu.memory_space<hbm>> -> memref<2000xf32, #tpu.memory_space<hbm>>
        tpu.enqueue_dma source(%dma_start3A_25 : memref<2000xf32, #tpu.memory_space<hbm>>) target(%arg7 : memref<2000xf32, #tpu.memory_space<vmem>>) target_semaphore(%run_scoped3A : memref<!tpu.dma_semaphore, #tpu.memory_space<semaphore_mem>>)
        %dma_wait3A = tpu.memref_slice %arg2[%add3A_18] : memref<320000xf32, #tpu.memory_space<hbm>> -> memref<2000xf32, #tpu.memory_space<hbm>>
        %dma_wait3A_26 = tpu.memref_slice %arg2[%add3A_18] : memref<320000xf32, #tpu.memory_space<hbm>> -> memref<2000xf32, #tpu.memory_space<hbm>>
        tpu.wait_dma2 semaphore(%run_scoped3A : memref<!tpu.dma_semaphore, #tpu.memory_space<semaphore_mem>>) src(%dma_wait3A_26 : memref<2000xf32, #tpu.memory_space<hbm>>) dst(%arg7 : memref<2000xf32, #tpu.memory_space<vmem>>)
        tpu.yield
      }) : () -> ()
      %scan3A_19 = arith.constant 0 : i32
      %scan3A_20 = arith.constant 0 : i32
      %scan3A_21 = arith.constant 125 : i32
      %scan3A_22 = arith.addi %scan3A_20, %scan3A_21 : i32
      %scan3A_23 = arith.constant 1 : i32
      scf.for %scan3A_25 = %scan3A_20 to %scan3A_22 step %scan3A_23  : i32 {
        %mul3A_26 = arith.constant 16 : i32
        %mul3A_27 = arith.muli %scan3A_25, %mul3A_26 : i32
        %get3A = arith.index_cast %mul3A_27 : i32 to index
        %get3A_28 = tpu.vector_load %arg6[%get3A] {strides = array<i32>} : memref<2000xi32, #tpu.memory_space<vmem>>, vector<16xi32>,
        %mul3A_29 = arith.constant 16 : i32
        %mul3A_30 = arith.muli %scan3A_25, %mul3A_29 : i32
        %get3A_31 = arith.index_cast %mul3A_30 : i32 to index
        %get3A_32 = tpu.vector_load %arg7[%get3A_31] {strides = array<i32>} : memref<2000xf32, #tpu.memory_space<vmem>>, vector<16xf32>,
        %gather3A = tpu.vector_load_idx %arg8[%get3A_28] : memref<10000xf32, #tpu.memory_space<vmem>>[vector<16xi32>], vector<16xf32>,
        %sub3A = arith.subf %get3A_32, %gather3A : vector<16xf32>
        %exp3A = math.exp %sub3A : vector<16xf32>
        tpu.vector_store_idx %arg9[%get3A_28], %exp3A {add = true} : memref<10000xf32, #tpu.memory_space<vmem>>[vector<16xi32>], vector<16xf32>,
      }
      %scan3A_24 = arith.constant 125 : i32
    }
    %scan3A_14 = arith.constant 5 : i32
    "tpu.region"() ({
      %run_scoped3A = tpu.sem_alloc : memref<!tpu.dma_semaphore, #tpu.memory_space<semaphore_mem>>
      %dma_start3A = arith.constant 0 : i32
      %dma_start3A_15 = tpu.memref_slice %arg5[%add3A, %dma_start3A] : memref<32x10000xf32, #tpu.memory_space<hbm>> -> memref<1x10000xf32, #tpu.memory_space<hbm>>
      %dma_start3A_16 = tpu.memref_squeeze %dma_start3A_15 : memref<1x10000xf32, #tpu.memory_space<hbm>> -> memref<10000xf32, #tpu.memory_space<hbm>>
      %dma_start3A_17 = arith.constant 0 : i32
      %dma_start3A_18 = tpu.memref_slice %arg5[%add3A, %dma_start3A_17] : memref<32x10000xf32, #tpu.memory_space<hbm>> -> memref<1x10000xf32, #tpu.memory_space<hbm>>
      %dma_start3A_19 = tpu.memref_squeeze %dma_start3A_18 : memref<1x10000xf32, #tpu.memory_space<hbm>> -> memref<10000xf32, #tpu.memory_space<hbm>>
      tpu.enqueue_dma source(%arg9 : memref<10000xf32, #tpu.memory_space<vmem>>) target(%dma_start3A_19 : memref<10000xf32, #tpu.memory_space<hbm>>) target_semaphore(%run_scoped3A : memref<!tpu.dma_semaphore, #tpu.memory_space<semaphore_mem>>)
      %dma_wait3A = arith.constant 0 : i32
      %dma_wait3A_20 = tpu.memref_slice %arg5[%add3A, %dma_wait3A] : memref<32x10000xf32, #tpu.memory_space<hbm>> -> memref<1x10000xf32, #tpu.memory_space<hbm>>
      %dma_wait3A_21 = tpu.memref_squeeze %dma_wait3A_20 : memref<1x10000xf32, #tpu.memory_space<hbm>> -> memref<10000xf32, #tpu.memory_space<hbm>>
      %dma_wait3A_22 = arith.constant 0 : i32
      %dma_wait3A_23 = tpu.memref_slice %arg5[%add3A, %dma_wait3A_22] : memref<32x10000xf32, #tpu.memory_space<hbm>> -> memref<1x10000xf32, #tpu.memory_space<hbm>>
      %dma_wait3A_24 = tpu.memref_squeeze %dma_wait3A_23 : memref<1x10000xf32, #tpu.memory_space<hbm>> -> memref<10000xf32, #tpu.memory_space<hbm>>
      tpu.wait_dma2 semaphore(%run_scoped3A : memref<!tpu.dma_semaphore, #tpu.memory_space<semaphore_mem>>) src(%arg9 : memref<10000xf32, #tpu.memory_space<vmem>>) dst(%dma_wait3A_24 : memref<10000xf32, #tpu.memory_space<hbm>>)
      tpu.yield
    }) : () -> ()
    return
  }
}

#map = affine_map<(d0, d1) -> (0, 0)>
#map1 = affine_map<(d0, d1) -> (0)>
module attributes {stable_mosaic.version = 14 : i64} {
  func.func @body(%arg0: i32, %arg1: i32, %arg2: memref<10000x128xf32, #tpu.memory_space<hbm>>, %arg3: memref<10000x128xf32, #tpu.memory_space<hbm>>, %arg4: memref<320000xi32, #tpu.memory_space<hbm>>, %arg5: memref<320000xi32, #tpu.memory_space<hbm>>, %arg6: memref<320000xf32, #tpu.memory_space<hbm>>, %arg7: memref<32x10000xf32, #tpu.memory_space<hbm>>, %arg8: memref<10000xi32, #tpu.memory_space<vmem>>, %arg9: memref<10000xi32, #tpu.memory_space<vmem>>, %arg10: memref<64x128xf32, #tpu.memory_space<vmem>>, %arg11: memref<64x128xf32, #tpu.memory_space<vmem>>, %arg12: memref<64xf32, #tpu.memory_space<vmem>>, %arg13: memref<10000xf32, #tpu.memory_space<vmem>>, %arg14: memref<!tpu.dma_semaphore, #tpu.memory_space<semaphore_mem>>, %arg15: memref<!tpu.dma_semaphore, #tpu.memory_space<semaphore_mem>>, %arg16: memref<!tpu.dma_semaphore, #tpu.memory_space<semaphore_mem>>) attributes {dimension_semantics = [#tpu.dimension_semantics<core_parallel>, #tpu.dimension_semantics<subcore_parallel>], iteration_bounds = array<i64: 2, 16>, scalar_prefetch = 0 : i64, scratch_operands = 9 : i64, tpu.core_type = #tpu.core_type<sc_vector_subcore>, window_params = [{transform_indices = #map}, {transform_indices = #map}, {transform_indices = #map1}, {transform_indices = #map1}, {transform_indices = #map1}, {transform_indices = #map}]} {
    %mul3A = arith.constant 2 : i32
    %mul3A_0 = arith.muli %arg1, %mul3A : i32
    %add3A = arith.addi %mul3A_0, %arg0 : i32
    %mul3A_1 = arith.constant 10000 : i32
    %mul3A_2 = arith.muli %add3A, %mul3A_1 : i32
    %broadcast_in_dim3A = arith.constant -3.000000e+38 : f32
    %broadcast_in_dim3A_3 = vector.broadcast %broadcast_in_dim3A : f32 to vector<16xf32>
    %scan3A = arith.constant 0 : i32
    %scan3A_4 = arith.constant 0 : i32
    %scan3A_5 = arith.constant 625 : i32
    %scan3A_6 = arith.addi %scan3A_4, %scan3A_5 : i32
    %scan3A_7 = arith.constant 1 : i32
    scf.for %scan3A_85 = %scan3A_4 to %scan3A_6 step %scan3A_7  : i32 {
      %mul3A_86 = arith.constant 16 : i32
      %mul3A_87 = arith.muli %scan3A_85, %mul3A_86 : i32
      %swap3A = arith.index_cast %mul3A_87 : i32 to index
      %swap3A_88 = tpu.vector_load %arg13[%swap3A] {strides = array<i32>} : memref<10000xf32, #tpu.memory_space<vmem>>, vector<16xf32>,
      tpu.vector_store %arg13[%swap3A], %broadcast_in_dim3A_3 {strides = array<i32>} : memref<10000xf32, #tpu.memory_space<vmem>>, vector<16xf32>,
    }
    %scan3A_8 = arith.constant 625 : i32
    "tpu.region"() ({
      %run_scoped3A = tpu.sem_alloc : memref<!tpu.dma_semaphore, #tpu.memory_space<semaphore_mem>>
      %dma_start3A_85 = tpu.memref_slice %arg4[%mul3A_2] : memref<320000xi32, #tpu.memory_space<hbm>> -> memref<10000xi32, #tpu.memory_space<hbm>>
      %dma_start3A_86 = tpu.memref_slice %arg4[%mul3A_2] : memref<320000xi32, #tpu.memory_space<hbm>> -> memref<10000xi32, #tpu.memory_space<hbm>>
      tpu.enqueue_dma source(%dma_start3A_86 : memref<10000xi32, #tpu.memory_space<hbm>>) target(%arg8 : memref<10000xi32, #tpu.memory_space<vmem>>) target_semaphore(%run_scoped3A : memref<!tpu.dma_semaphore, #tpu.memory_space<semaphore_mem>>)
      %dma_wait3A_87 = tpu.memref_slice %arg4[%mul3A_2] : memref<320000xi32, #tpu.memory_space<hbm>> -> memref<10000xi32, #tpu.memory_space<hbm>>
      %dma_wait3A_88 = tpu.memref_slice %arg4[%mul3A_2] : memref<320000xi32, #tpu.memory_space<hbm>> -> memref<10000xi32, #tpu.memory_space<hbm>>
      tpu.wait_dma2 semaphore(%run_scoped3A : memref<!tpu.dma_semaphore, #tpu.memory_space<semaphore_mem>>) src(%dma_wait3A_88 : memref<10000xi32, #tpu.memory_space<hbm>>) dst(%arg8 : memref<10000xi32, #tpu.memory_space<vmem>>)
      tpu.yield
    }) : () -> ()
    "tpu.region"() ({
      %run_scoped3A = tpu.sem_alloc : memref<!tpu.dma_semaphore, #tpu.memory_space<semaphore_mem>>
      %dma_start3A_85 = tpu.memref_slice %arg5[%mul3A_2] : memref<320000xi32, #tpu.memory_space<hbm>> -> memref<10000xi32, #tpu.memory_space<hbm>>
      %dma_start3A_86 = tpu.memref_slice %arg5[%mul3A_2] : memref<320000xi32, #tpu.memory_space<hbm>> -> memref<10000xi32, #tpu.memory_space<hbm>>
      tpu.enqueue_dma source(%dma_start3A_86 : memref<10000xi32, #tpu.memory_space<hbm>>) target(%arg9 : memref<10000xi32, #tpu.memory_space<vmem>>) target_semaphore(%run_scoped3A : memref<!tpu.dma_semaphore, #tpu.memory_space<semaphore_mem>>)
      %dma_wait3A_87 = tpu.memref_slice %arg5[%mul3A_2] : memref<320000xi32, #tpu.memory_space<hbm>> -> memref<10000xi32, #tpu.memory_space<hbm>>
      %dma_wait3A_88 = tpu.memref_slice %arg5[%mul3A_2] : memref<320000xi32, #tpu.memory_space<hbm>> -> memref<10000xi32, #tpu.memory_space<hbm>>
      tpu.wait_dma2 semaphore(%run_scoped3A : memref<!tpu.dma_semaphore, #tpu.memory_space<semaphore_mem>>) src(%dma_wait3A_88 : memref<10000xi32, #tpu.memory_space<hbm>>) dst(%arg9 : memref<10000xi32, #tpu.memory_space<vmem>>)
      tpu.yield
    }) : () -> ()
    %iota3A = tpu.iota {dimensions = array<i32: 0>} : vector<16xi32>
    %dma_start3A = arith.constant 0 : i32
    %dma_start3A_9 = arith.constant 0 : i32
    %dma_start3A_10 = tpu.memref_slice %arg10[%dma_start3A, %dma_start3A_9] : memref<64x128xf32, #tpu.memory_space<vmem>> -> memref<16x128xf32, #tpu.memory_space<vmem>>
    %dma_start3A_11 = arith.constant 0 : i32
    %dma_start3A_12 = tpu.memref_slice %arg8[%dma_start3A_11] : memref<10000xi32, #tpu.memory_space<vmem>> -> memref<16xi32, #tpu.memory_space<vmem>>
    %dma_start3A_13 = arith.constant 0 : i32
    %dma_start3A_14 = arith.constant 0 : i32
    %dma_start3A_15 = tpu.memref_slice %arg2[%dma_start3A_13, %dma_start3A_14] : memref<10000x128xf32, #tpu.memory_space<hbm>> -> memref<10000x128xf32, #tpu.memory_space<hbm>>
    tpu.enqueue_indirect_dma source(%dma_start3A_15 : memref<10000x128xf32, #tpu.memory_space<hbm>>) target(%dma_start3A_10 : memref<16x128xf32, #tpu.memory_space<vmem>>) offsets(%dma_start3A_12 : memref<16xi32, #tpu.memory_space<vmem>>) semaphore(%arg14 : memref<!tpu.dma_semaphore, #tpu.memory_space<semaphore_mem>>)
    %dma_start3A_16 = arith.constant 0 : i32
    %dma_start3A_17 = arith.constant 0 : i32
    %dma_start3A_18 = tpu.memref_slice %arg11[%dma_start3A_16, %dma_start3A_17] : memref<64x128xf32, #tpu.memory_space<vmem>> -> memref<16x128xf32, #tpu.memory_space<vmem>>
    %dma_start3A_19 = arith.constant 0 : i32
    %dma_start3A_20 = tpu.memref_slice %arg9[%dma_start3A_19] : memref<10000xi32, #tpu.memory_space<vmem>> -> memref<16xi32, #tpu.memory_space<vmem>>
    %dma_start3A_21 = arith.constant 0 : i32
    %dma_start3A_22 = arith.constant 0 : i32
    %dma_start3A_23 = tpu.memref_slice %arg3[%dma_start3A_21, %dma_start3A_22] : memref<10000x128xf32, #tpu.memory_space<hbm>> -> memref<10000x128xf32, #tpu.memory_space<hbm>>
    tpu.enqueue_indirect_dma source(%dma_start3A_23 : memref<10000x128xf32, #tpu.memory_space<hbm>>) target(%dma_start3A_18 : memref<16x128xf32, #tpu.memory_space<vmem>>) offsets(%dma_start3A_20 : memref<16xi32, #tpu.memory_space<vmem>>) semaphore(%arg15 : memref<!tpu.dma_semaphore, #tpu.memory_space<semaphore_mem>>)
    %dma_start3A_24 = arith.constant 16 : i32
    %dma_start3A_25 = arith.constant 0 : i32
    %dma_start3A_26 = tpu.memref_slice %arg10[%dma_start3A_24, %dma_start3A_25] : memref<64x128xf32, #tpu.memory_space<vmem>> -> memref<16x128xf32, #tpu.memory_space<vmem>>
    %dma_start3A_27 = arith.constant 16 : i32
    %dma_start3A_28 = tpu.memref_slice %arg8[%dma_start3A_27] : memref<10000xi32, #tpu.memory_space<vmem>> -> memref<16xi32, #tpu.memory_space<vmem>>
    %dma_start3A_29 = arith.constant 0 : i32
    %dma_start3A_30 = arith.constant 0 : i32
    %dma_start3A_31 = tpu.memref_slice %arg2[%dma_start3A_29, %dma_start3A_30] : memref<10000x128xf32, #tpu.memory_space<hbm>> -> memref<10000x128xf32, #tpu.memory_space<hbm>>
    tpu.enqueue_indirect_dma source(%dma_start3A_31 : memref<10000x128xf32, #tpu.memory_space<hbm>>) target(%dma_start3A_26 : memref<16x128xf32, #tpu.memory_space<vmem>>) offsets(%dma_start3A_28 : memref<16xi32, #tpu.memory_space<vmem>>) semaphore(%arg14 : memref<!tpu.dma_semaphore, #tpu.memory_space<semaphore_mem>>)
    %dma_start3A_32 = arith.constant 16 : i32
    %dma_start3A_33 = arith.constant 0 : i32
    %dma_start3A_34 = tpu.memref_slice %arg11[%dma_start3A_32, %dma_start3A_33] : memref<64x128xf32, #tpu.memory_space<vmem>> -> memref<16x128xf32, #tpu.memory_space<vmem>>
    %dma_start3A_35 = arith.constant 16 : i32
    %dma_start3A_36 = tpu.memref_slice %arg9[%dma_start3A_35] : memref<10000xi32, #tpu.memory_space<vmem>> -> memref<16xi32, #tpu.memory_space<vmem>>
    %dma_start3A_37 = arith.constant 0 : i32
    %dma_start3A_38 = arith.constant 0 : i32
    %dma_start3A_39 = tpu.memref_slice %arg3[%dma_start3A_37, %dma_start3A_38] : memref<10000x128xf32, #tpu.memory_space<hbm>> -> memref<10000x128xf32, #tpu.memory_space<hbm>>
    tpu.enqueue_indirect_dma source(%dma_start3A_39 : memref<10000x128xf32, #tpu.memory_space<hbm>>) target(%dma_start3A_34 : memref<16x128xf32, #tpu.memory_space<vmem>>) offsets(%dma_start3A_36 : memref<16xi32, #tpu.memory_space<vmem>>) semaphore(%arg15 : memref<!tpu.dma_semaphore, #tpu.memory_space<semaphore_mem>>)
    %dma_start3A_40 = arith.constant 32 : i32
    %dma_start3A_41 = arith.constant 0 : i32
    %dma_start3A_42 = tpu.memref_slice %arg10[%dma_start3A_40, %dma_start3A_41] : memref<64x128xf32, #tpu.memory_space<vmem>> -> memref<16x128xf32, #tpu.memory_space<vmem>>
    %dma_start3A_43 = arith.constant 32 : i32
    %dma_start3A_44 = tpu.memref_slice %arg8[%dma_start3A_43] : memref<10000xi32, #tpu.memory_space<vmem>> -> memref<16xi32, #tpu.memory_space<vmem>>
    %dma_start3A_45 = arith.constant 0 : i32
    %dma_start3A_46 = arith.constant 0 : i32
    %dma_start3A_47 = tpu.memref_slice %arg2[%dma_start3A_45, %dma_start3A_46] : memref<10000x128xf32, #tpu.memory_space<hbm>> -> memref<10000x128xf32, #tpu.memory_space<hbm>>
    tpu.enqueue_indirect_dma source(%dma_start3A_47 : memref<10000x128xf32, #tpu.memory_space<hbm>>) target(%dma_start3A_42 : memref<16x128xf32, #tpu.memory_space<vmem>>) offsets(%dma_start3A_44 : memref<16xi32, #tpu.memory_space<vmem>>) semaphore(%arg14 : memref<!tpu.dma_semaphore, #tpu.memory_space<semaphore_mem>>)
    %dma_start3A_48 = arith.constant 32 : i32
    %dma_start3A_49 = arith.constant 0 : i32
    %dma_start3A_50 = tpu.memref_slice %arg11[%dma_start3A_48, %dma_start3A_49] : memref<64x128xf32, #tpu.memory_space<vmem>> -> memref<16x128xf32, #tpu.memory_space<vmem>>
    %dma_start3A_51 = arith.constant 32 : i32
    %dma_start3A_52 = tpu.memref_slice %arg9[%dma_start3A_51] : memref<10000xi32, #tpu.memory_space<vmem>> -> memref<16xi32, #tpu.memory_space<vmem>>
    %dma_start3A_53 = arith.constant 0 : i32
    %dma_start3A_54 = arith.constant 0 : i32
    %dma_start3A_55 = tpu.memref_slice %arg3[%dma_start3A_53, %dma_start3A_54] : memref<10000x128xf32, #tpu.memory_space<hbm>> -> memref<10000x128xf32, #tpu.memory_space<hbm>>
    tpu.enqueue_indirect_dma source(%dma_start3A_55 : memref<10000x128xf32, #tpu.memory_space<hbm>>) target(%dma_start3A_50 : memref<16x128xf32, #tpu.memory_space<vmem>>) offsets(%dma_start3A_52 : memref<16xi32, #tpu.memory_space<vmem>>) semaphore(%arg15 : memref<!tpu.dma_semaphore, #tpu.memory_space<semaphore_mem>>)
    %scan3A_56 = arith.constant 0 : i32
    %scan3A_57 = arith.constant 0 : i32
    %scan3A_58 = arith.constant 625 : i32
    %scan3A_59 = arith.addi %scan3A_57, %scan3A_58 : i32
    %scan3A_60 = arith.constant 1 : i32
    scf.for %scan3A_85 = %scan3A_57 to %scan3A_59 step %scan3A_60  : i32 {
      %jit3A = arith.constant 4 : i32
      %eq3A = arith.constant 0 : i32
      %eq3A_86 = arith.cmpi eq, %jit3A, %eq3A : i32
      %jit3A_87 = arith.constant 1 : i32
      %select_n3A = arith.select %eq3A_86, %jit3A_87, %jit3A : i32
      %rem3A = arith.remsi %scan3A_85, %select_n3A : i32
      %ne3A = arith.constant 0 : i32
      %ne3A_88 = arith.cmpi ne, %rem3A, %ne3A : i32
      %lt3A = arith.constant 0 : i32
      %lt3A_89 = arith.cmpi slt, %rem3A, %lt3A : i32
      %lt3A_90 = arith.constant 0 : i32
      %lt3A_91 = arith.cmpi slt, %select_n3A, %lt3A_90 : i32
      %ne3A_92 = arith.xori %lt3A_89, %lt3A_91 : i1
      %and3A = arith.andi %ne3A_92, %ne3A_88 : i1
      %add3A_93 = arith.addi %rem3A, %select_n3A : i32
      %select_n3A_94 = arith.select %and3A, %add3A_93, %rem3A : i32
      %add3A_95 = arith.constant 3 : i32
      %add3A_96 = arith.addi %scan3A_85, %add3A_95 : i32
      %lt3A_97 = arith.constant 625 : i32
      %lt3A_98 = arith.cmpi slt, %add3A_96, %lt3A_97 : i32
      %convert_element_type3A = arith.extui %lt3A_98 : i1 to i32
      %cond3A = arith.constant 0 : i32
      %cond3A_99 = arith.cmpi ne, %convert_element_type3A, %cond3A : i32
      scf.if %cond3A_99 {
        %add3A_1362 = arith.constant 3 : i32
        %add3A_1363 = arith.addi %scan3A_85, %add3A_1362 : i32
        %add3A_1364 = arith.constant 3 : i32
        %add3A_1365 = arith.addi %scan3A_85, %add3A_1364 : i32
        %jit3A_1366 = arith.constant 4 : i32
        %eq3A_1367 = arith.constant 0 : i32
        %eq3A_1368 = arith.cmpi eq, %jit3A_1366, %eq3A_1367 : i32
        %jit3A_1369 = arith.constant 1 : i32
        %select_n3A_1370 = arith.select %eq3A_1368, %jit3A_1369, %jit3A_1366 : i32
        %rem3A_1371 = arith.remsi %add3A_1365, %select_n3A_1370 : i32
        %ne3A_1372 = arith.constant 0 : i32
        %ne3A_1373 = arith.cmpi ne, %rem3A_1371, %ne3A_1372 : i32
        %lt3A_1374 = arith.constant 0 : i32
        %lt3A_1375 = arith.cmpi slt, %rem3A_1371, %lt3A_1374 : i32
        %lt3A_1376 = arith.constant 0 : i32
        %lt3A_1377 = arith.cmpi slt, %select_n3A_1370, %lt3A_1376 : i32
        %ne3A_1378 = arith.xori %lt3A_1375, %lt3A_1377 : i1
        %and3A_1379 = arith.andi %ne3A_1378, %ne3A_1373 : i1
        %add3A_1380 = arith.addi %rem3A_1371, %select_n3A_1370 : i32
        %select_n3A_1381 = arith.select %and3A_1379, %add3A_1380, %rem3A_1371 : i32
        %mul3A_1382 = arith.constant 16 : i32
        %mul3A_1383 = arith.muli %add3A_1363, %mul3A_1382 : i32
        %mul3A_1384 = arith.constant 16 : i32
        %mul3A_1385 = arith.muli %select_n3A_1381, %mul3A_1384 : i32
        %dma_start3A_1386 = arith.constant 0 : i32
        %dma_start3A_1387 = tpu.memref_slice %arg10[%mul3A_1385, %dma_start3A_1386] : memref<64x128xf32, #tpu.memory_space<vmem>> -> memref<16x128xf32, #tpu.memory_space<vmem>>
        %dma_start3A_1388 = tpu.memref_slice %arg8[%mul3A_1383] : memref<10000xi32, #tpu.memory_space<vmem>> -> memref<16xi32, #tpu.memory_space<vmem>>
        %dma_start3A_1389 = arith.constant 0 : i32
        %dma_start3A_1390 = arith.constant 0 : i32
        %dma_start3A_1391 = tpu.memref_slice %arg2[%dma_start3A_1389, %dma_start3A_1390] : memref<10000x128xf32, #tpu.memory_space<hbm>> -> memref<10000x128xf32, #tpu.memory_space<hbm>>
        tpu.enqueue_indirect_dma source(%dma_start3A_1391 : memref<10000x128xf32, #tpu.memory_space<hbm>>) target(%dma_start3A_1387 : memref<16x128xf32, #tpu.memory_space<vmem>>) offsets(%dma_start3A_1388 : memref<16xi32, #tpu.memory_space<vmem>>) semaphore(%arg14 : memref<!tpu.dma_semaphore, #tpu.memory_space<semaphore_mem>>)
        %mul3A_1392 = arith.constant 16 : i32
        %mul3A_1393 = arith.muli %select_n3A_1381, %mul3A_1392 : i32
        %dma_start3A_1394 = arith.constant 0 : i32
        %dma_start3A_1395 = tpu.memref_slice %arg11[%mul3A_1393, %dma_start3A_1394] : memref<64x128xf32, #tpu.memory_space<vmem>> -> memref<16x128xf32, #tpu.memory_space<vmem>>
        %dma_start3A_1396 = tpu.memref_slice %arg9[%mul3A_1383] : memref<10000xi32, #tpu.memory_space<vmem>> -> memref<16xi32, #tpu.memory_space<vmem>>
        %dma_start3A_1397 = arith.constant 0 : i32
        %dma_start3A_1398 = arith.constant 0 : i32
        %dma_start3A_1399 = tpu.memref_slice %arg3[%dma_start3A_1397, %dma_start3A_1398] : memref<10000x128xf32, #tpu.memory_space<hbm>> -> memref<10000x128xf32, #tpu.memory_space<hbm>>
        tpu.enqueue_indirect_dma source(%dma_start3A_1399 : memref<10000x128xf32, #tpu.memory_space<hbm>>) target(%dma_start3A_1395 : memref<16x128xf32, #tpu.memory_space<vmem>>) offsets(%dma_start3A_1396 : memref<16xi32, #tpu.memory_space<vmem>>) semaphore(%arg15 : memref<!tpu.dma_semaphore, #tpu.memory_space<semaphore_mem>>)
      } else {
      }
      %mul3A_100 = arith.constant 16 : i32
      %mul3A_101 = arith.muli %select_n3A_94, %mul3A_100 : i32
      %dma_wait3A_102 = arith.constant 0 : i32
      %dma_wait3A_103 = tpu.memref_slice %arg10[%mul3A_101, %dma_wait3A_102] : memref<64x128xf32, #tpu.memory_space<vmem>> -> memref<16x128xf32, #tpu.memory_space<vmem>>
      %dma_wait3A_104 = arith.constant 0 : i32
      %dma_wait3A_105 = tpu.memref_slice %arg8[%dma_wait3A_104] : memref<10000xi32, #tpu.memory_space<vmem>> -> memref<16xi32, #tpu.memory_space<vmem>>
      %dma_wait3A_106 = arith.constant 0 : i32
      %dma_wait3A_107 = arith.constant 0 : i32
      %dma_wait3A_108 = tpu.memref_slice %arg2[%dma_wait3A_106, %dma_wait3A_107] : memref<10000x128xf32, #tpu.memory_space<hbm>> -> memref<10000x128xf32, #tpu.memory_space<hbm>>
      tpu.wait_indirect_dma semaphore(%arg14 : memref<!tpu.dma_semaphore, #tpu.memory_space<semaphore_mem>>) src(%dma_wait3A_108 : memref<10000x128xf32, #tpu.memory_space<hbm>>) dst(%dma_wait3A_103 : memref<16x128xf32, #tpu.memory_space<vmem>>)
      %mul3A_109 = arith.constant 16 : i32
      %mul3A_110 = arith.muli %select_n3A_94, %mul3A_109 : i32
      %dma_wait3A_111 = arith.constant 0 : i32
      %dma_wait3A_112 = tpu.memref_slice %arg11[%mul3A_110, %dma_wait3A_111] : memref<64x128xf32, #tpu.memory_space<vmem>> -> memref<16x128xf32, #tpu.memory_space<vmem>>
      %dma_wait3A_113 = arith.constant 0 : i32
      %dma_wait3A_114 = tpu.memref_slice %arg9[%dma_wait3A_113] : memref<10000xi32, #tpu.memory_space<vmem>> -> memref<16xi32, #tpu.memory_space<vmem>>
      %dma_wait3A_115 = arith.constant 0 : i32
      %dma_wait3A_116 = arith.constant 0 : i32
      %dma_wait3A_117 = tpu.memref_slice %arg3[%dma_wait3A_115, %dma_wait3A_116] : memref<10000x128xf32, #tpu.memory_space<hbm>> -> memref<10000x128xf32, #tpu.memory_space<hbm>>
      tpu.wait_indirect_dma semaphore(%arg15 : memref<!tpu.dma_semaphore, #tpu.memory_space<semaphore_mem>>) src(%dma_wait3A_117 : memref<10000x128xf32, #tpu.memory_space<hbm>>) dst(%dma_wait3A_112 : memref<16x128xf32, #tpu.memory_space<vmem>>)
      %ge3A = arith.constant 4 : i32
      %ge3A_118 = arith.cmpi sge, %scan3A_85, %ge3A : i32
      %convert_element_type3A_119 = arith.extui %ge3A_118 : i1 to i32
      %cond3A_120 = arith.constant 0 : i32
      %cond3A_121 = arith.cmpi ne, %convert_element_type3A_119, %cond3A_120 : i32
      scf.if %cond3A_121 {
        %dma_wait3A_1362 = arith.constant 0 : i32
        %dma_wait3A_1363 = tpu.memref_slice %arg12[%dma_wait3A_1362] : memref<64xf32, #tpu.memory_space<vmem>> -> memref<16xf32, #tpu.memory_space<vmem>>
        %dma_wait3A_1364 = tpu.memref_slice %arg6[%mul3A_2] : memref<320000xf32, #tpu.memory_space<hbm>> -> memref<16xf32, #tpu.memory_space<hbm>>
        %dma_wait3A_1365 = tpu.memref_slice %arg6[%mul3A_2] : memref<320000xf32, #tpu.memory_space<hbm>> -> memref<16xf32, #tpu.memory_space<hbm>>
        %dma_wait3A_1366 = arith.constant 0 : i32
        %dma_wait3A_1367 = tpu.memref_slice %arg12[%dma_wait3A_1366] : memref<64xf32, #tpu.memory_space<vmem>> -> memref<16xf32, #tpu.memory_space<vmem>>
        tpu.wait_dma2 semaphore(%arg16 : memref<!tpu.dma_semaphore, #tpu.memory_space<semaphore_mem>>) src(%dma_wait3A_1367 : memref<16xf32, #tpu.memory_space<vmem>>) dst(%dma_wait3A_1365 : memref<16xf32, #tpu.memory_space<hbm>>)
      } else {
      }
      %mul3A_122 = arith.constant 16 : i32
      %mul3A_123 = arith.muli %select_n3A_94, %mul3A_122 : i32
      %broadcast_in_dim3A_124 = arith.constant 0.000000e+00 : f32
      %broadcast_in_dim3A_125 = vector.broadcast %broadcast_in_dim3A_124 : f32 to vector<16xf32>
      %add3A_126 = arith.constant 0 : i32
      %add3A_127 = arith.addi %mul3A_123, %add3A_126 : i32
      %add3A_128 = arith.constant 0 : i32
      %add3A_129 = arith.addi %add3A_127, %add3A_128 : i32
      %get3A = arith.index_cast %add3A_129 : i32 to index
      %get3A_130 = arith.constant 0 : index
      %get3A_131 = tpu.vector_load %arg10[%get3A, %get3A_130] {strides = array<i32>} : memref<64x128xf32, #tpu.memory_space<vmem>>, vector<16xf32>,
      %get3A_132 = arith.index_cast %add3A_129 : i32 to index
      %get3A_133 = arith.constant 0 : index
      %get3A_134 = tpu.vector_load %arg11[%get3A_132, %get3A_133] {strides = array<i32>} : memref<64x128xf32, #tpu.memory_space<vmem>>, vector<16xf32>,
      %mul3A_135 = arith.mulf %get3A_131, %get3A_134 : vector<16xf32>
      %get3A_136 = arith.index_cast %add3A_129 : i32 to index
      %get3A_137 = arith.constant 16 : index
      %get3A_138 = tpu.vector_load %arg10[%get3A_136, %get3A_137] {strides = array<i32>} : memref<64x128xf32, #tpu.memory_space<vmem>>, vector<16xf32>,
      %get3A_139 = arith.index_cast %add3A_129 : i32 to index
      %get3A_140 = arith.constant 16 : index
      %get3A_141 = tpu.vector_load %arg11[%get3A_139, %get3A_140] {strides = array<i32>} : memref<64x128xf32, #tpu.memory_space<vmem>>, vector<16xf32>,
      %mul3A_142 = arith.mulf %get3A_138, %get3A_141 : vector<16xf32>
      %get3A_143 = arith.index_cast %add3A_129 : i32 to index
      %get3A_144 = arith.constant 32 : index
      %get3A_145 = tpu.vector_load %arg10[%get3A_143, %get3A_144] {strides = array<i32>} : memref<64x128xf32, #tpu.memory_space<vmem>>, vector<16xf32>,
      %get3A_146 = arith.index_cast %add3A_129 : i32 to index
      %get3A_147 = arith.constant 32 : index
      %get3A_148 = tpu.vector_load %arg11[%get3A_146, %get3A_147] {strides = array<i32>} : memref<64x128xf32, #tpu.memory_space<vmem>>, vector<16xf32>,
      %mul3A_149 = arith.mulf %get3A_145, %get3A_148 : vector<16xf32>
      %get3A_150 = arith.index_cast %add3A_129 : i32 to index
      %get3A_151 = arith.constant 48 : index
      %get3A_152 = tpu.vector_load %arg10[%get3A_150, %get3A_151] {strides = array<i32>} : memref<64x128xf32, #tpu.memory_space<vmem>>, vector<16xf32>,
      %get3A_153 = arith.index_cast %add3A_129 : i32 to index
      %get3A_154 = arith.constant 48 : index
      %get3A_155 = tpu.vector_load %arg11[%get3A_153, %get3A_154] {strides = array<i32>} : memref<64x128xf32, #tpu.memory_space<vmem>>, vector<16xf32>,
      %mul3A_156 = arith.mulf %get3A_152, %get3A_155 : vector<16xf32>
      %get3A_157 = arith.index_cast %add3A_129 : i32 to index
      %get3A_158 = arith.constant 64 : index
      %get3A_159 = tpu.vector_load %arg10[%get3A_157, %get3A_158] {strides = array<i32>} : memref<64x128xf32, #tpu.memory_space<vmem>>, vector<16xf32>,
      %get3A_160 = arith.index_cast %add3A_129 : i32 to index
      %get3A_161 = arith.constant 64 : index
      %get3A_162 = tpu.vector_load %arg11[%get3A_160, %get3A_161] {strides = array<i32>} : memref<64x128xf32, #tpu.memory_space<vmem>>, vector<16xf32>,
      %mul3A_163 = arith.mulf %get3A_159, %get3A_162 : vector<16xf32>
      %get3A_164 = arith.index_cast %add3A_129 : i32 to index
      %get3A_165 = arith.constant 80 : index
      %get3A_166 = tpu.vector_load %arg10[%get3A_164, %get3A_165] {strides = array<i32>} : memref<64x128xf32, #tpu.memory_space<vmem>>, vector<16xf32>,
      %get3A_167 = arith.index_cast %add3A_129 : i32 to index
      %get3A_168 = arith.constant 80 : index
      %get3A_169 = tpu.vector_load %arg11[%get3A_167, %get3A_168] {strides = array<i32>} : memref<64x128xf32, #tpu.memory_space<vmem>>, vector<16xf32>,
      %mul3A_170 = arith.mulf %get3A_166, %get3A_169 : vector<16xf32>
      %get3A_171 = arith.index_cast %add3A_129 : i32 to index
      %get3A_172 = arith.constant 96 : index
      %get3A_173 = tpu.vector_load %arg10[%get3A_171, %get3A_172] {strides = array<i32>} : memref<64x128xf32, #tpu.memory_space<vmem>>, vector<16xf32>,
      %get3A_174 = arith.index_cast %add3A_129 : i32 to index
      %get3A_175 = arith.constant 96 : index
      %get3A_176 = tpu.vector_load %arg11[%get3A_174, %get3A_175] {strides = array<i32>} : memref<64x128xf32, #tpu.memory_space<vmem>>, vector<16xf32>,
      %mul3A_177 = arith.mulf %get3A_173, %get3A_176 : vector<16xf32>
      %get3A_178 = arith.index_cast %add3A_129 : i32 to index
      %get3A_179 = arith.constant 112 : index
      %get3A_180 = tpu.vector_load %arg10[%get3A_178, %get3A_179] {strides = array<i32>} : memref<64x128xf32, #tpu.memory_space<vmem>>, vector<16xf32>,
      %get3A_181 = arith.index_cast %add3A_129 : i32 to index
      %get3A_182 = arith.constant 112 : index
      %get3A_183 = tpu.vector_load %arg11[%get3A_181, %get3A_182] {strides = array<i32>} : memref<64x128xf32, #tpu.memory_space<vmem>>, vector<16xf32>,
      %mul3A_184 = arith.mulf %get3A_180, %get3A_183 : vector<16xf32>
      %add3A_185 = arith.addf %mul3A_135, %mul3A_142 : vector<16xf32>
      %add3A_186 = arith.addf %mul3A_149, %mul3A_156 : vector<16xf32>
      %add3A_187 = arith.addf %add3A_185, %add3A_186 : vector<16xf32>
      %add3A_188 = arith.addf %mul3A_163, %mul3A_170 : vector<16xf32>
      %add3A_189 = arith.addf %mul3A_177, %mul3A_184 : vector<16xf32>
      %add3A_190 = arith.addf %add3A_188, %add3A_189 : vector<16xf32>
      %add3A_191 = arith.addf %add3A_187, %add3A_190 : vector<16xf32>
      %eq3A_192 = arith.constant 0 : i32
      %eq3A_193 = vector.broadcast %eq3A_192 : i32 to vector<16xi32>
      %eq3A_194 = arith.cmpi eq, %iota3A, %eq3A_193 : vector<16xi32>
      %reduce_sum3A = arith.constant true
      %reduce_sum3A_195 = vector.broadcast %reduce_sum3A : i1 to vector<16xi1>
      %reduce_sum3A_196 = tpu.scan <sum>, %add3A_191 masked %reduce_sum3A_195 : vector<16xf32>, vector<16xi1> -> vector<16xf32>
      %reduce_sum3A_197 = vector.extract %reduce_sum3A_196[15] : f32 from vector<16xf32>
      %broadcast_in_dim3A_198 = vector.broadcast %reduce_sum3A_197 : f32 to vector<16xf32>
      %select_n3A_199 = arith.select %eq3A_194, %broadcast_in_dim3A_198, %broadcast_in_dim3A_125 : vector<16xi1>, vector<16xf32>
      %add3A_200 = arith.constant 0 : i32
      %add3A_201 = arith.addi %mul3A_123, %add3A_200 : i32
      %add3A_202 = arith.constant 1 : i32
      %add3A_203 = arith.addi %add3A_201, %add3A_202 : i32
      %get3A_204 = arith.index_cast %add3A_203 : i32 to index
      %get3A_205 = arith.constant 0 : index
      %get3A_206 = tpu.vector_load %arg10[%get3A_204, %get3A_205] {strides = array<i32>} : memref<64x128xf32, #tpu.memory_space<vmem>>, vector<16xf32>,
      %get3A_207 = arith.index_cast %add3A_203 : i32 to index
      %get3A_208 = arith.constant 0 : index
      %get3A_209 = tpu.vector_load %arg11[%get3A_207, %get3A_208] {strides = array<i32>} : memref<64x128xf32, #tpu.memory_space<vmem>>, vector<16xf32>,
      %mul3A_210 = arith.mulf %get3A_206, %get3A_209 : vector<16xf32>
      %get3A_211 = arith.index_cast %add3A_203 : i32 to index
      %get3A_212 = arith.constant 16 : index
      %get3A_213 = tpu.vector_load %arg10[%get3A_211, %get3A_212] {strides = array<i32>} : memref<64x128xf32, #tpu.memory_space<vmem>>, vector<16xf32>,
      %get3A_214 = arith.index_cast %add3A_203 : i32 to index
      %get3A_215 = arith.constant 16 : index
      %get3A_216 = tpu.vector_load %arg11[%get3A_214, %get3A_215] {strides = array<i32>} : memref<64x128xf32, #tpu.memory_space<vmem>>, vector<16xf32>,
      %mul3A_217 = arith.mulf %get3A_213, %get3A_216 : vector<16xf32>
      %get3A_218 = arith.index_cast %add3A_203 : i32 to index
      %get3A_219 = arith.constant 32 : index
      %get3A_220 = tpu.vector_load %arg10[%get3A_218, %get3A_219] {strides = array<i32>} : memref<64x128xf32, #tpu.memory_space<vmem>>, vector<16xf32>,
      %get3A_221 = arith.index_cast %add3A_203 : i32 to index
      %get3A_222 = arith.constant 32 : index
      %get3A_223 = tpu.vector_load %arg11[%get3A_221, %get3A_222] {strides = array<i32>} : memref<64x128xf32, #tpu.memory_space<vmem>>, vector<16xf32>,
      %mul3A_224 = arith.mulf %get3A_220, %get3A_223 : vector<16xf32>
      %get3A_225 = arith.index_cast %add3A_203 : i32 to index
      %get3A_226 = arith.constant 48 : index
      %get3A_227 = tpu.vector_load %arg10[%get3A_225, %get3A_226] {strides = array<i32>} : memref<64x128xf32, #tpu.memory_space<vmem>>, vector<16xf32>,
      %get3A_228 = arith.index_cast %add3A_203 : i32 to index
      %get3A_229 = arith.constant 48 : index
      %get3A_230 = tpu.vector_load %arg11[%get3A_228, %get3A_229] {strides = array<i32>} : memref<64x128xf32, #tpu.memory_space<vmem>>, vector<16xf32>,
      %mul3A_231 = arith.mulf %get3A_227, %get3A_230 : vector<16xf32>
      %get3A_232 = arith.index_cast %add3A_203 : i32 to index
      %get3A_233 = arith.constant 64 : index
      %get3A_234 = tpu.vector_load %arg10[%get3A_232, %get3A_233] {strides = array<i32>} : memref<64x128xf32, #tpu.memory_space<vmem>>, vector<16xf32>,
      %get3A_235 = arith.index_cast %add3A_203 : i32 to index
      %get3A_236 = arith.constant 64 : index
      %get3A_237 = tpu.vector_load %arg11[%get3A_235, %get3A_236] {strides = array<i32>} : memref<64x128xf32, #tpu.memory_space<vmem>>, vector<16xf32>,
      %mul3A_238 = arith.mulf %get3A_234, %get3A_237 : vector<16xf32>
      %get3A_239 = arith.index_cast %add3A_203 : i32 to index
      %get3A_240 = arith.constant 80 : index
      %get3A_241 = tpu.vector_load %arg10[%get3A_239, %get3A_240] {strides = array<i32>} : memref<64x128xf32, #tpu.memory_space<vmem>>, vector<16xf32>,
      %get3A_242 = arith.index_cast %add3A_203 : i32 to index
      %get3A_243 = arith.constant 80 : index
      %get3A_244 = tpu.vector_load %arg11[%get3A_242, %get3A_243] {strides = array<i32>} : memref<64x128xf32, #tpu.memory_space<vmem>>, vector<16xf32>,
      %mul3A_245 = arith.mulf %get3A_241, %get3A_244 : vector<16xf32>
      %get3A_246 = arith.index_cast %add3A_203 : i32 to index
      %get3A_247 = arith.constant 96 : index
      %get3A_248 = tpu.vector_load %arg10[%get3A_246, %get3A_247] {strides = array<i32>} : memref<64x128xf32, #tpu.memory_space<vmem>>, vector<16xf32>,
      %get3A_249 = arith.index_cast %add3A_203 : i32 to index
      %get3A_250 = arith.constant 96 : index
      %get3A_251 = tpu.vector_load %arg11[%get3A_249, %get3A_250] {strides = array<i32>} : memref<64x128xf32, #tpu.memory_space<vmem>>, vector<16xf32>,
      %mul3A_252 = arith.mulf %get3A_248, %get3A_251 : vector<16xf32>
      %get3A_253 = arith.index_cast %add3A_203 : i32 to index
      %get3A_254 = arith.constant 112 : index
      %get3A_255 = tpu.vector_load %arg10[%get3A_253, %get3A_254] {strides = array<i32>} : memref<64x128xf32, #tpu.memory_space<vmem>>, vector<16xf32>,
      %get3A_256 = arith.index_cast %add3A_203 : i32 to index
      %get3A_257 = arith.constant 112 : index
      %get3A_258 = tpu.vector_load %arg11[%get3A_256, %get3A_257] {strides = array<i32>} : memref<64x128xf32, #tpu.memory_space<vmem>>, vector<16xf32>,
      %mul3A_259 = arith.mulf %get3A_255, %get3A_258 : vector<16xf32>
      %add3A_260 = arith.addf %mul3A_210, %mul3A_217 : vector<16xf32>
      %add3A_261 = arith.addf %mul3A_224, %mul3A_231 : vector<16xf32>
      %add3A_262 = arith.addf %add3A_260, %add3A_261 : vector<16xf32>
      %add3A_263 = arith.addf %mul3A_238, %mul3A_245 : vector<16xf32>
      %add3A_264 = arith.addf %mul3A_252, %mul3A_259 : vector<16xf32>
      %add3A_265 = arith.addf %add3A_263, %add3A_264 : vector<16xf32>
      %add3A_266 = arith.addf %add3A_262, %add3A_265 : vector<16xf32>
      %eq3A_267 = arith.constant 1 : i32
      %eq3A_268 = vector.broadcast %eq3A_267 : i32 to vector<16xi32>
      %eq3A_269 = arith.cmpi eq, %iota3A, %eq3A_268 : vector<16xi32>
      %reduce_sum3A_270 = arith.constant true
      %reduce_sum3A_271 = vector.broadcast %reduce_sum3A_270 : i1 to vector<16xi1>
      %reduce_sum3A_272 = tpu.scan <sum>, %add3A_266 masked %reduce_sum3A_271 : vector<16xf32>, vector<16xi1> -> vector<16xf32>
      %reduce_sum3A_273 = vector.extract %reduce_sum3A_272[15] : f32 from vector<16xf32>
      %broadcast_in_dim3A_274 = vector.broadcast %reduce_sum3A_273 : f32 to vector<16xf32>
      %select_n3A_275 = arith.select %eq3A_269, %broadcast_in_dim3A_274, %select_n3A_199 : vector<16xi1>, vector<16xf32>
      %add3A_276 = arith.constant 0 : i32
      %add3A_277 = arith.addi %mul3A_123, %add3A_276 : i32
      %add3A_278 = arith.constant 2 : i32
      %add3A_279 = arith.addi %add3A_277, %add3A_278 : i32
      %get3A_280 = arith.index_cast %add3A_279 : i32 to index
      %get3A_281 = arith.constant 0 : index
      %get3A_282 = tpu.vector_load %arg10[%get3A_280, %get3A_281] {strides = array<i32>} : memref<64x128xf32, #tpu.memory_space<vmem>>, vector<16xf32>,
      %get3A_283 = arith.index_cast %add3A_279 : i32 to index
      %get3A_284 = arith.constant 0 : index
      %get3A_285 = tpu.vector_load %arg11[%get3A_283, %get3A_284] {strides = array<i32>} : memref<64x128xf32, #tpu.memory_space<vmem>>, vector<16xf32>,
      %mul3A_286 = arith.mulf %get3A_282, %get3A_285 : vector<16xf32>
      %get3A_287 = arith.index_cast %add3A_279 : i32 to index
      %get3A_288 = arith.constant 16 : index
      %get3A_289 = tpu.vector_load %arg10[%get3A_287, %get3A_288] {strides = array<i32>} : memref<64x128xf32, #tpu.memory_space<vmem>>, vector<16xf32>,
      %get3A_290 = arith.index_cast %add3A_279 : i32 to index
      %get3A_291 = arith.constant 16 : index
      %get3A_292 = tpu.vector_load %arg11[%get3A_290, %get3A_291] {strides = array<i32>} : memref<64x128xf32, #tpu.memory_space<vmem>>, vector<16xf32>,
      %mul3A_293 = arith.mulf %get3A_289, %get3A_292 : vector<16xf32>
      %get3A_294 = arith.index_cast %add3A_279 : i32 to index
      %get3A_295 = arith.constant 32 : index
      %get3A_296 = tpu.vector_load %arg10[%get3A_294, %get3A_295] {strides = array<i32>} : memref<64x128xf32, #tpu.memory_space<vmem>>, vector<16xf32>,
      %get3A_297 = arith.index_cast %add3A_279 : i32 to index
      %get3A_298 = arith.constant 32 : index
      %get3A_299 = tpu.vector_load %arg11[%get3A_297, %get3A_298] {strides = array<i32>} : memref<64x128xf32, #tpu.memory_space<vmem>>, vector<16xf32>,
      %mul3A_300 = arith.mulf %get3A_296, %get3A_299 : vector<16xf32>
      %get3A_301 = arith.index_cast %add3A_279 : i32 to index
      %get3A_302 = arith.constant 48 : index
      %get3A_303 = tpu.vector_load %arg10[%get3A_301, %get3A_302] {strides = array<i32>} : memref<64x128xf32, #tpu.memory_space<vmem>>, vector<16xf32>,
      %get3A_304 = arith.index_cast %add3A_279 : i32 to index
      %get3A_305 = arith.constant 48 : index
      %get3A_306 = tpu.vector_load %arg11[%get3A_304, %get3A_305] {strides = array<i32>} : memref<64x128xf32, #tpu.memory_space<vmem>>, vector<16xf32>,
      %mul3A_307 = arith.mulf %get3A_303, %get3A_306 : vector<16xf32>
      %get3A_308 = arith.index_cast %add3A_279 : i32 to index
      %get3A_309 = arith.constant 64 : index
      %get3A_310 = tpu.vector_load %arg10[%get3A_308, %get3A_309] {strides = array<i32>} : memref<64x128xf32, #tpu.memory_space<vmem>>, vector<16xf32>,
      %get3A_311 = arith.index_cast %add3A_279 : i32 to index
      %get3A_312 = arith.constant 64 : index
      %get3A_313 = tpu.vector_load %arg11[%get3A_311, %get3A_312] {strides = array<i32>} : memref<64x128xf32, #tpu.memory_space<vmem>>, vector<16xf32>,
      %mul3A_314 = arith.mulf %get3A_310, %get3A_313 : vector<16xf32>
      %get3A_315 = arith.index_cast %add3A_279 : i32 to index
      %get3A_316 = arith.constant 80 : index
      %get3A_317 = tpu.vector_load %arg10[%get3A_315, %get3A_316] {strides = array<i32>} : memref<64x128xf32, #tpu.memory_space<vmem>>, vector<16xf32>,
      %get3A_318 = arith.index_cast %add3A_279 : i32 to index
      %get3A_319 = arith.constant 80 : index
      %get3A_320 = tpu.vector_load %arg11[%get3A_318, %get3A_319] {strides = array<i32>} : memref<64x128xf32, #tpu.memory_space<vmem>>, vector<16xf32>,
      %mul3A_321 = arith.mulf %get3A_317, %get3A_320 : vector<16xf32>
      %get3A_322 = arith.index_cast %add3A_279 : i32 to index
      %get3A_323 = arith.constant 96 : index
      %get3A_324 = tpu.vector_load %arg10[%get3A_322, %get3A_323] {strides = array<i32>} : memref<64x128xf32, #tpu.memory_space<vmem>>, vector<16xf32>,
      %get3A_325 = arith.index_cast %add3A_279 : i32 to index
      %get3A_326 = arith.constant 96 : index
      %get3A_327 = tpu.vector_load %arg11[%get3A_325, %get3A_326] {strides = array<i32>} : memref<64x128xf32, #tpu.memory_space<vmem>>, vector<16xf32>,
      %mul3A_328 = arith.mulf %get3A_324, %get3A_327 : vector<16xf32>
      %get3A_329 = arith.index_cast %add3A_279 : i32 to index
      %get3A_330 = arith.constant 112 : index
      %get3A_331 = tpu.vector_load %arg10[%get3A_329, %get3A_330] {strides = array<i32>} : memref<64x128xf32, #tpu.memory_space<vmem>>, vector<16xf32>,
      %get3A_332 = arith.index_cast %add3A_279 : i32 to index
      %get3A_333 = arith.constant 112 : index
      %get3A_334 = tpu.vector_load %arg11[%get3A_332, %get3A_333] {strides = array<i32>} : memref<64x128xf32, #tpu.memory_space<vmem>>, vector<16xf32>,
      %mul3A_335 = arith.mulf %get3A_331, %get3A_334 : vector<16xf32>
      %add3A_336 = arith.addf %mul3A_286, %mul3A_293 : vector<16xf32>
      %add3A_337 = arith.addf %mul3A_300, %mul3A_307 : vector<16xf32>
      %add3A_338 = arith.addf %add3A_336, %add3A_337 : vector<16xf32>
      %add3A_339 = arith.addf %mul3A_314, %mul3A_321 : vector<16xf32>
      %add3A_340 = arith.addf %mul3A_328, %mul3A_335 : vector<16xf32>
      %add3A_341 = arith.addf %add3A_339, %add3A_340 : vector<16xf32>
      %add3A_342 = arith.addf %add3A_338, %add3A_341 : vector<16xf32>
      %eq3A_343 = arith.constant 2 : i32
      %eq3A_344 = vector.broadcast %eq3A_343 : i32 to vector<16xi32>
      %eq3A_345 = arith.cmpi eq, %iota3A, %eq3A_344 : vector<16xi32>
      %reduce_sum3A_346 = arith.constant true
      %reduce_sum3A_347 = vector.broadcast %reduce_sum3A_346 : i1 to vector<16xi1>
      %reduce_sum3A_348 = tpu.scan <sum>, %add3A_342 masked %reduce_sum3A_347 : vector<16xf32>, vector<16xi1> -> vector<16xf32>
      %reduce_sum3A_349 = vector.extract %reduce_sum3A_348[15] : f32 from vector<16xf32>
      %broadcast_in_dim3A_350 = vector.broadcast %reduce_sum3A_349 : f32 to vector<16xf32>
      %select_n3A_351 = arith.select %eq3A_345, %broadcast_in_dim3A_350, %select_n3A_275 : vector<16xi1>, vector<16xf32>
      %add3A_352 = arith.constant 0 : i32
      %add3A_353 = arith.addi %mul3A_123, %add3A_352 : i32
      %add3A_354 = arith.constant 3 : i32
      %add3A_355 = arith.addi %add3A_353, %add3A_354 : i32
      %get3A_356 = arith.index_cast %add3A_355 : i32 to index
      %get3A_357 = arith.constant 0 : index
      %get3A_358 = tpu.vector_load %arg10[%get3A_356, %get3A_357] {strides = array<i32>} : memref<64x128xf32, #tpu.memory_space<vmem>>, vector<16xf32>,
      %get3A_359 = arith.index_cast %add3A_355 : i32 to index
      %get3A_360 = arith.constant 0 : index
      %get3A_361 = tpu.vector_load %arg11[%get3A_359, %get3A_360] {strides = array<i32>} : memref<64x128xf32, #tpu.memory_space<vmem>>, vector<16xf32>,
      %mul3A_362 = arith.mulf %get3A_358, %get3A_361 : vector<16xf32>
      %get3A_363 = arith.index_cast %add3A_355 : i32 to index
      %get3A_364 = arith.constant 16 : index
      %get3A_365 = tpu.vector_load %arg10[%get3A_363, %get3A_364] {strides = array<i32>} : memref<64x128xf32, #tpu.memory_space<vmem>>, vector<16xf32>,
      %get3A_366 = arith.index_cast %add3A_355 : i32 to index
      %get3A_367 = arith.constant 16 : index
      %get3A_368 = tpu.vector_load %arg11[%get3A_366, %get3A_367] {strides = array<i32>} : memref<64x128xf32, #tpu.memory_space<vmem>>, vector<16xf32>,
      %mul3A_369 = arith.mulf %get3A_365, %get3A_368 : vector<16xf32>
      %get3A_370 = arith.index_cast %add3A_355 : i32 to index
      %get3A_371 = arith.constant 32 : index
      %get3A_372 = tpu.vector_load %arg10[%get3A_370, %get3A_371] {strides = array<i32>} : memref<64x128xf32, #tpu.memory_space<vmem>>, vector<16xf32>,
      %get3A_373 = arith.index_cast %add3A_355 : i32 to index
      %get3A_374 = arith.constant 32 : index
      %get3A_375 = tpu.vector_load %arg11[%get3A_373, %get3A_374] {strides = array<i32>} : memref<64x128xf32, #tpu.memory_space<vmem>>, vector<16xf32>,
      %mul3A_376 = arith.mulf %get3A_372, %get3A_375 : vector<16xf32>
      %get3A_377 = arith.index_cast %add3A_355 : i32 to index
      %get3A_378 = arith.constant 48 : index
      %get3A_379 = tpu.vector_load %arg10[%get3A_377, %get3A_378] {strides = array<i32>} : memref<64x128xf32, #tpu.memory_space<vmem>>, vector<16xf32>,
      %get3A_380 = arith.index_cast %add3A_355 : i32 to index
      %get3A_381 = arith.constant 48 : index
      %get3A_382 = tpu.vector_load %arg11[%get3A_380, %get3A_381] {strides = array<i32>} : memref<64x128xf32, #tpu.memory_space<vmem>>, vector<16xf32>,
      %mul3A_383 = arith.mulf %get3A_379, %get3A_382 : vector<16xf32>
      %get3A_384 = arith.index_cast %add3A_355 : i32 to index
      %get3A_385 = arith.constant 64 : index
      %get3A_386 = tpu.vector_load %arg10[%get3A_384, %get3A_385] {strides = array<i32>} : memref<64x128xf32, #tpu.memory_space<vmem>>, vector<16xf32>,
      %get3A_387 = arith.index_cast %add3A_355 : i32 to index
      %get3A_388 = arith.constant 64 : index
      %get3A_389 = tpu.vector_load %arg11[%get3A_387, %get3A_388] {strides = array<i32>} : memref<64x128xf32, #tpu.memory_space<vmem>>, vector<16xf32>,
      %mul3A_390 = arith.mulf %get3A_386, %get3A_389 : vector<16xf32>
      %get3A_391 = arith.index_cast %add3A_355 : i32 to index
      %get3A_392 = arith.constant 80 : index
      %get3A_393 = tpu.vector_load %arg10[%get3A_391, %get3A_392] {strides = array<i32>} : memref<64x128xf32, #tpu.memory_space<vmem>>, vector<16xf32>,
      %get3A_394 = arith.index_cast %add3A_355 : i32 to index
      %get3A_395 = arith.constant 80 : index
      %get3A_396 = tpu.vector_load %arg11[%get3A_394, %get3A_395] {strides = array<i32>} : memref<64x128xf32, #tpu.memory_space<vmem>>, vector<16xf32>,
      %mul3A_397 = arith.mulf %get3A_393, %get3A_396 : vector<16xf32>
      %get3A_398 = arith.index_cast %add3A_355 : i32 to index
      %get3A_399 = arith.constant 96 : index
      %get3A_400 = tpu.vector_load %arg10[%get3A_398, %get3A_399] {strides = array<i32>} : memref<64x128xf32, #tpu.memory_space<vmem>>, vector<16xf32>,
      %get3A_401 = arith.index_cast %add3A_355 : i32 to index
      %get3A_402 = arith.constant 96 : index
      %get3A_403 = tpu.vector_load %arg11[%get3A_401, %get3A_402] {strides = array<i32>} : memref<64x128xf32, #tpu.memory_space<vmem>>, vector<16xf32>,
      %mul3A_404 = arith.mulf %get3A_400, %get3A_403 : vector<16xf32>
      %get3A_405 = arith.index_cast %add3A_355 : i32 to index
      %get3A_406 = arith.constant 112 : index
      %get3A_407 = tpu.vector_load %arg10[%get3A_405, %get3A_406] {strides = array<i32>} : memref<64x128xf32, #tpu.memory_space<vmem>>, vector<16xf32>,
      %get3A_408 = arith.index_cast %add3A_355 : i32 to index
      %get3A_409 = arith.constant 112 : index
      %get3A_410 = tpu.vector_load %arg11[%get3A_408, %get3A_409] {strides = array<i32>} : memref<64x128xf32, #tpu.memory_space<vmem>>, vector<16xf32>,
      %mul3A_411 = arith.mulf %get3A_407, %get3A_410 : vector<16xf32>
      %add3A_412 = arith.addf %mul3A_362, %mul3A_369 : vector<16xf32>
      %add3A_413 = arith.addf %mul3A_376, %mul3A_383 : vector<16xf32>
      %add3A_414 = arith.addf %add3A_412, %add3A_413 : vector<16xf32>
      %add3A_415 = arith.addf %mul3A_390, %mul3A_397 : vector<16xf32>
      %add3A_416 = arith.addf %mul3A_404, %mul3A_411 : vector<16xf32>
      %add3A_417 = arith.addf %add3A_415, %add3A_416 : vector<16xf32>
      %add3A_418 = arith.addf %add3A_414, %add3A_417 : vector<16xf32>
      %eq3A_419 = arith.constant 3 : i32
      %eq3A_420 = vector.broadcast %eq3A_419 : i32 to vector<16xi32>
      %eq3A_421 = arith.cmpi eq, %iota3A, %eq3A_420 : vector<16xi32>
      %reduce_sum3A_422 = arith.constant true
      %reduce_sum3A_423 = vector.broadcast %reduce_sum3A_422 : i1 to vector<16xi1>
      %reduce_sum3A_424 = tpu.scan <sum>, %add3A_418 masked %reduce_sum3A_423 : vector<16xf32>, vector<16xi1> -> vector<16xf32>
      %reduce_sum3A_425 = vector.extract %reduce_sum3A_424[15] : f32 from vector<16xf32>
      %broadcast_in_dim3A_426 = vector.broadcast %reduce_sum3A_425 : f32 to vector<16xf32>
      %select_n3A_427 = arith.select %eq3A_421, %broadcast_in_dim3A_426, %select_n3A_351 : vector<16xi1>, vector<16xf32>
      %add3A_428 = arith.constant 0 : i32
      %add3A_429 = arith.addi %mul3A_123, %add3A_428 : i32
      %add3A_430 = arith.constant 4 : i32
      %add3A_431 = arith.addi %add3A_429, %add3A_430 : i32
      %get3A_432 = arith.index_cast %add3A_431 : i32 to index
      %get3A_433 = arith.constant 0 : index
      %get3A_434 = tpu.vector_load %arg10[%get3A_432, %get3A_433] {strides = array<i32>} : memref<64x128xf32, #tpu.memory_space<vmem>>, vector<16xf32>,
      %get3A_435 = arith.index_cast %add3A_431 : i32 to index
      %get3A_436 = arith.constant 0 : index
      %get3A_437 = tpu.vector_load %arg11[%get3A_435, %get3A_436] {strides = array<i32>} : memref<64x128xf32, #tpu.memory_space<vmem>>, vector<16xf32>,
      %mul3A_438 = arith.mulf %get3A_434, %get3A_437 : vector<16xf32>
      %get3A_439 = arith.index_cast %add3A_431 : i32 to index
      %get3A_440 = arith.constant 16 : index
      %get3A_441 = tpu.vector_load %arg10[%get3A_439, %get3A_440] {strides = array<i32>} : memref<64x128xf32, #tpu.memory_space<vmem>>, vector<16xf32>,
      %get3A_442 = arith.index_cast %add3A_431 : i32 to index
      %get3A_443 = arith.constant 16 : index
      %get3A_444 = tpu.vector_load %arg11[%get3A_442, %get3A_443] {strides = array<i32>} : memref<64x128xf32, #tpu.memory_space<vmem>>, vector<16xf32>,
      %mul3A_445 = arith.mulf %get3A_441, %get3A_444 : vector<16xf32>
      %get3A_446 = arith.index_cast %add3A_431 : i32 to index
      %get3A_447 = arith.constant 32 : index
      %get3A_448 = tpu.vector_load %arg10[%get3A_446, %get3A_447] {strides = array<i32>} : memref<64x128xf32, #tpu.memory_space<vmem>>, vector<16xf32>,
      %get3A_449 = arith.index_cast %add3A_431 : i32 to index
      %get3A_450 = arith.constant 32 : index
      %get3A_451 = tpu.vector_load %arg11[%get3A_449, %get3A_450] {strides = array<i32>} : memref<64x128xf32, #tpu.memory_space<vmem>>, vector<16xf32>,
      %mul3A_452 = arith.mulf %get3A_448, %get3A_451 : vector<16xf32>
      %get3A_453 = arith.index_cast %add3A_431 : i32 to index
      %get3A_454 = arith.constant 48 : index
      %get3A_455 = tpu.vector_load %arg10[%get3A_453, %get3A_454] {strides = array<i32>} : memref<64x128xf32, #tpu.memory_space<vmem>>, vector<16xf32>,
      %get3A_456 = arith.index_cast %add3A_431 : i32 to index
      %get3A_457 = arith.constant 48 : index
      %get3A_458 = tpu.vector_load %arg11[%get3A_456, %get3A_457] {strides = array<i32>} : memref<64x128xf32, #tpu.memory_space<vmem>>, vector<16xf32>,
      %mul3A_459 = arith.mulf %get3A_455, %get3A_458 : vector<16xf32>
      %get3A_460 = arith.index_cast %add3A_431 : i32 to index
      %get3A_461 = arith.constant 64 : index
      %get3A_462 = tpu.vector_load %arg10[%get3A_460, %get3A_461] {strides = array<i32>} : memref<64x128xf32, #tpu.memory_space<vmem>>, vector<16xf32>,
      %get3A_463 = arith.index_cast %add3A_431 : i32 to index
      %get3A_464 = arith.constant 64 : index
      %get3A_465 = tpu.vector_load %arg11[%get3A_463, %get3A_464] {strides = array<i32>} : memref<64x128xf32, #tpu.memory_space<vmem>>, vector<16xf32>,
      %mul3A_466 = arith.mulf %get3A_462, %get3A_465 : vector<16xf32>
      %get3A_467 = arith.index_cast %add3A_431 : i32 to index
      %get3A_468 = arith.constant 80 : index
      %get3A_469 = tpu.vector_load %arg10[%get3A_467, %get3A_468] {strides = array<i32>} : memref<64x128xf32, #tpu.memory_space<vmem>>, vector<16xf32>,
      %get3A_470 = arith.index_cast %add3A_431 : i32 to index
      %get3A_471 = arith.constant 80 : index
      %get3A_472 = tpu.vector_load %arg11[%get3A_470, %get3A_471] {strides = array<i32>} : memref<64x128xf32, #tpu.memory_space<vmem>>, vector<16xf32>,
      %mul3A_473 = arith.mulf %get3A_469, %get3A_472 : vector<16xf32>
      %get3A_474 = arith.index_cast %add3A_431 : i32 to index
      %get3A_475 = arith.constant 96 : index
      %get3A_476 = tpu.vector_load %arg10[%get3A_474, %get3A_475] {strides = array<i32>} : memref<64x128xf32, #tpu.memory_space<vmem>>, vector<16xf32>,
      %get3A_477 = arith.index_cast %add3A_431 : i32 to index
      %get3A_478 = arith.constant 96 : index
      %get3A_479 = tpu.vector_load %arg11[%get3A_477, %get3A_478] {strides = array<i32>} : memref<64x128xf32, #tpu.memory_space<vmem>>, vector<16xf32>,
      %mul3A_480 = arith.mulf %get3A_476, %get3A_479 : vector<16xf32>
      %get3A_481 = arith.index_cast %add3A_431 : i32 to index
      %get3A_482 = arith.constant 112 : index
      %get3A_483 = tpu.vector_load %arg10[%get3A_481, %get3A_482] {strides = array<i32>} : memref<64x128xf32, #tpu.memory_space<vmem>>, vector<16xf32>,
      %get3A_484 = arith.index_cast %add3A_431 : i32 to index
      %get3A_485 = arith.constant 112 : index
      %get3A_486 = tpu.vector_load %arg11[%get3A_484, %get3A_485] {strides = array<i32>} : memref<64x128xf32, #tpu.memory_space<vmem>>, vector<16xf32>,
      %mul3A_487 = arith.mulf %get3A_483, %get3A_486 : vector<16xf32>
      %add3A_488 = arith.addf %mul3A_438, %mul3A_445 : vector<16xf32>
      %add3A_489 = arith.addf %mul3A_452, %mul3A_459 : vector<16xf32>
      %add3A_490 = arith.addf %add3A_488, %add3A_489 : vector<16xf32>
      %add3A_491 = arith.addf %mul3A_466, %mul3A_473 : vector<16xf32>
      %add3A_492 = arith.addf %mul3A_480, %mul3A_487 : vector<16xf32>
      %add3A_493 = arith.addf %add3A_491, %add3A_492 : vector<16xf32>
      %add3A_494 = arith.addf %add3A_490, %add3A_493 : vector<16xf32>
      %eq3A_495 = arith.constant 4 : i32
      %eq3A_496 = vector.broadcast %eq3A_495 : i32 to vector<16xi32>
      %eq3A_497 = arith.cmpi eq, %iota3A, %eq3A_496 : vector<16xi32>
      %reduce_sum3A_498 = arith.constant true
      %reduce_sum3A_499 = vector.broadcast %reduce_sum3A_498 : i1 to vector<16xi1>
      %reduce_sum3A_500 = tpu.scan <sum>, %add3A_494 masked %reduce_sum3A_499 : vector<16xf32>, vector<16xi1> -> vector<16xf32>
      %reduce_sum3A_501 = vector.extract %reduce_sum3A_500[15] : f32 from vector<16xf32>
      %broadcast_in_dim3A_502 = vector.broadcast %reduce_sum3A_501 : f32 to vector<16xf32>
      %select_n3A_503 = arith.select %eq3A_497, %broadcast_in_dim3A_502, %select_n3A_427 : vector<16xi1>, vector<16xf32>
      %add3A_504 = arith.constant 0 : i32
      %add3A_505 = arith.addi %mul3A_123, %add3A_504 : i32
      %add3A_506 = arith.constant 5 : i32
      %add3A_507 = arith.addi %add3A_505, %add3A_506 : i32
      %get3A_508 = arith.index_cast %add3A_507 : i32 to index
      %get3A_509 = arith.constant 0 : index
      %get3A_510 = tpu.vector_load %arg10[%get3A_508, %get3A_509] {strides = array<i32>} : memref<64x128xf32, #tpu.memory_space<vmem>>, vector<16xf32>,
      %get3A_511 = arith.index_cast %add3A_507 : i32 to index
      %get3A_512 = arith.constant 0 : index
      %get3A_513 = tpu.vector_load %arg11[%get3A_511, %get3A_512] {strides = array<i32>} : memref<64x128xf32, #tpu.memory_space<vmem>>, vector<16xf32>,
      %mul3A_514 = arith.mulf %get3A_510, %get3A_513 : vector<16xf32>
      %get3A_515 = arith.index_cast %add3A_507 : i32 to index
      %get3A_516 = arith.constant 16 : index
      %get3A_517 = tpu.vector_load %arg10[%get3A_515, %get3A_516] {strides = array<i32>} : memref<64x128xf32, #tpu.memory_space<vmem>>, vector<16xf32>,
      %get3A_518 = arith.index_cast %add3A_507 : i32 to index
      %get3A_519 = arith.constant 16 : index
      %get3A_520 = tpu.vector_load %arg11[%get3A_518, %get3A_519] {strides = array<i32>} : memref<64x128xf32, #tpu.memory_space<vmem>>, vector<16xf32>,
      %mul3A_521 = arith.mulf %get3A_517, %get3A_520 : vector<16xf32>
      %get3A_522 = arith.index_cast %add3A_507 : i32 to index
      %get3A_523 = arith.constant 32 : index
      %get3A_524 = tpu.vector_load %arg10[%get3A_522, %get3A_523] {strides = array<i32>} : memref<64x128xf32, #tpu.memory_space<vmem>>, vector<16xf32>,
      %get3A_525 = arith.index_cast %add3A_507 : i32 to index
      %get3A_526 = arith.constant 32 : index
      %get3A_527 = tpu.vector_load %arg11[%get3A_525, %get3A_526] {strides = array<i32>} : memref<64x128xf32, #tpu.memory_space<vmem>>, vector<16xf32>,
      %mul3A_528 = arith.mulf %get3A_524, %get3A_527 : vector<16xf32>
      %get3A_529 = arith.index_cast %add3A_507 : i32 to index
      %get3A_530 = arith.constant 48 : index
      %get3A_531 = tpu.vector_load %arg10[%get3A_529, %get3A_530] {strides = array<i32>} : memref<64x128xf32, #tpu.memory_space<vmem>>, vector<16xf32>,
      %get3A_532 = arith.index_cast %add3A_507 : i32 to index
      %get3A_533 = arith.constant 48 : index
      %get3A_534 = tpu.vector_load %arg11[%get3A_532, %get3A_533] {strides = array<i32>} : memref<64x128xf32, #tpu.memory_space<vmem>>, vector<16xf32>,
      %mul3A_535 = arith.mulf %get3A_531, %get3A_534 : vector<16xf32>
      %get3A_536 = arith.index_cast %add3A_507 : i32 to index
      %get3A_537 = arith.constant 64 : index
      %get3A_538 = tpu.vector_load %arg10[%get3A_536, %get3A_537] {strides = array<i32>} : memref<64x128xf32, #tpu.memory_space<vmem>>, vector<16xf32>,
      %get3A_539 = arith.index_cast %add3A_507 : i32 to index
      %get3A_540 = arith.constant 64 : index
      %get3A_541 = tpu.vector_load %arg11[%get3A_539, %get3A_540] {strides = array<i32>} : memref<64x128xf32, #tpu.memory_space<vmem>>, vector<16xf32>,
      %mul3A_542 = arith.mulf %get3A_538, %get3A_541 : vector<16xf32>
      %get3A_543 = arith.index_cast %add3A_507 : i32 to index
      %get3A_544 = arith.constant 80 : index
      %get3A_545 = tpu.vector_load %arg10[%get3A_543, %get3A_544] {strides = array<i32>} : memref<64x128xf32, #tpu.memory_space<vmem>>, vector<16xf32>,
      %get3A_546 = arith.index_cast %add3A_507 : i32 to index
      %get3A_547 = arith.constant 80 : index
      %get3A_548 = tpu.vector_load %arg11[%get3A_546, %get3A_547] {strides = array<i32>} : memref<64x128xf32, #tpu.memory_space<vmem>>, vector<16xf32>,
      %mul3A_549 = arith.mulf %get3A_545, %get3A_548 : vector<16xf32>
      %get3A_550 = arith.index_cast %add3A_507 : i32 to index
      %get3A_551 = arith.constant 96 : index
      %get3A_552 = tpu.vector_load %arg10[%get3A_550, %get3A_551] {strides = array<i32>} : memref<64x128xf32, #tpu.memory_space<vmem>>, vector<16xf32>,
      %get3A_553 = arith.index_cast %add3A_507 : i32 to index
      %get3A_554 = arith.constant 96 : index
      %get3A_555 = tpu.vector_load %arg11[%get3A_553, %get3A_554] {strides = array<i32>} : memref<64x128xf32, #tpu.memory_space<vmem>>, vector<16xf32>,
      %mul3A_556 = arith.mulf %get3A_552, %get3A_555 : vector<16xf32>
      %get3A_557 = arith.index_cast %add3A_507 : i32 to index
      %get3A_558 = arith.constant 112 : index
      %get3A_559 = tpu.vector_load %arg10[%get3A_557, %get3A_558] {strides = array<i32>} : memref<64x128xf32, #tpu.memory_space<vmem>>, vector<16xf32>,
      %get3A_560 = arith.index_cast %add3A_507 : i32 to index
      %get3A_561 = arith.constant 112 : index
      %get3A_562 = tpu.vector_load %arg11[%get3A_560, %get3A_561] {strides = array<i32>} : memref<64x128xf32, #tpu.memory_space<vmem>>, vector<16xf32>,
      %mul3A_563 = arith.mulf %get3A_559, %get3A_562 : vector<16xf32>
      %add3A_564 = arith.addf %mul3A_514, %mul3A_521 : vector<16xf32>
      %add3A_565 = arith.addf %mul3A_528, %mul3A_535 : vector<16xf32>
      %add3A_566 = arith.addf %add3A_564, %add3A_565 : vector<16xf32>
      %add3A_567 = arith.addf %mul3A_542, %mul3A_549 : vector<16xf32>
      %add3A_568 = arith.addf %mul3A_556, %mul3A_563 : vector<16xf32>
      %add3A_569 = arith.addf %add3A_567, %add3A_568 : vector<16xf32>
      %add3A_570 = arith.addf %add3A_566, %add3A_569 : vector<16xf32>
      %eq3A_571 = arith.constant 5 : i32
      %eq3A_572 = vector.broadcast %eq3A_571 : i32 to vector<16xi32>
      %eq3A_573 = arith.cmpi eq, %iota3A, %eq3A_572 : vector<16xi32>
      %reduce_sum3A_574 = arith.constant true
      %reduce_sum3A_575 = vector.broadcast %reduce_sum3A_574 : i1 to vector<16xi1>
      %reduce_sum3A_576 = tpu.scan <sum>, %add3A_570 masked %reduce_sum3A_575 : vector<16xf32>, vector<16xi1> -> vector<16xf32>
      %reduce_sum3A_577 = vector.extract %reduce_sum3A_576[15] : f32 from vector<16xf32>
      %broadcast_in_dim3A_578 = vector.broadcast %reduce_sum3A_577 : f32 to vector<16xf32>
      %select_n3A_579 = arith.select %eq3A_573, %broadcast_in_dim3A_578, %select_n3A_503 : vector<16xi1>, vector<16xf32>
      %add3A_580 = arith.constant 0 : i32
      %add3A_581 = arith.addi %mul3A_123, %add3A_580 : i32
      %add3A_582 = arith.constant 6 : i32
      %add3A_583 = arith.addi %add3A_581, %add3A_582 : i32
      %get3A_584 = arith.index_cast %add3A_583 : i32 to index
      %get3A_585 = arith.constant 0 : index
      %get3A_586 = tpu.vector_load %arg10[%get3A_584, %get3A_585] {strides = array<i32>} : memref<64x128xf32, #tpu.memory_space<vmem>>, vector<16xf32>,
      %get3A_587 = arith.index_cast %add3A_583 : i32 to index
      %get3A_588 = arith.constant 0 : index
      %get3A_589 = tpu.vector_load %arg11[%get3A_587, %get3A_588] {strides = array<i32>} : memref<64x128xf32, #tpu.memory_space<vmem>>, vector<16xf32>,
      %mul3A_590 = arith.mulf %get3A_586, %get3A_589 : vector<16xf32>
      %get3A_591 = arith.index_cast %add3A_583 : i32 to index
      %get3A_592 = arith.constant 16 : index
      %get3A_593 = tpu.vector_load %arg10[%get3A_591, %get3A_592] {strides = array<i32>} : memref<64x128xf32, #tpu.memory_space<vmem>>, vector<16xf32>,
      %get3A_594 = arith.index_cast %add3A_583 : i32 to index
      %get3A_595 = arith.constant 16 : index
      %get3A_596 = tpu.vector_load %arg11[%get3A_594, %get3A_595] {strides = array<i32>} : memref<64x128xf32, #tpu.memory_space<vmem>>, vector<16xf32>,
      %mul3A_597 = arith.mulf %get3A_593, %get3A_596 : vector<16xf32>
      %get3A_598 = arith.index_cast %add3A_583 : i32 to index
      %get3A_599 = arith.constant 32 : index
      %get3A_600 = tpu.vector_load %arg10[%get3A_598, %get3A_599] {strides = array<i32>} : memref<64x128xf32, #tpu.memory_space<vmem>>, vector<16xf32>,
      %get3A_601 = arith.index_cast %add3A_583 : i32 to index
      %get3A_602 = arith.constant 32 : index
      %get3A_603 = tpu.vector_load %arg11[%get3A_601, %get3A_602] {strides = array<i32>} : memref<64x128xf32, #tpu.memory_space<vmem>>, vector<16xf32>,
      %mul3A_604 = arith.mulf %get3A_600, %get3A_603 : vector<16xf32>
      %get3A_605 = arith.index_cast %add3A_583 : i32 to index
      %get3A_606 = arith.constant 48 : index
      %get3A_607 = tpu.vector_load %arg10[%get3A_605, %get3A_606] {strides = array<i32>} : memref<64x128xf32, #tpu.memory_space<vmem>>, vector<16xf32>,
      %get3A_608 = arith.index_cast %add3A_583 : i32 to index
      %get3A_609 = arith.constant 48 : index
      %get3A_610 = tpu.vector_load %arg11[%get3A_608, %get3A_609] {strides = array<i32>} : memref<64x128xf32, #tpu.memory_space<vmem>>, vector<16xf32>,
      %mul3A_611 = arith.mulf %get3A_607, %get3A_610 : vector<16xf32>
      %get3A_612 = arith.index_cast %add3A_583 : i32 to index
      %get3A_613 = arith.constant 64 : index
      %get3A_614 = tpu.vector_load %arg10[%get3A_612, %get3A_613] {strides = array<i32>} : memref<64x128xf32, #tpu.memory_space<vmem>>, vector<16xf32>,
      %get3A_615 = arith.index_cast %add3A_583 : i32 to index
      %get3A_616 = arith.constant 64 : index
      %get3A_617 = tpu.vector_load %arg11[%get3A_615, %get3A_616] {strides = array<i32>} : memref<64x128xf32, #tpu.memory_space<vmem>>, vector<16xf32>,
      %mul3A_618 = arith.mulf %get3A_614, %get3A_617 : vector<16xf32>
      %get3A_619 = arith.index_cast %add3A_583 : i32 to index
      %get3A_620 = arith.constant 80 : index
      %get3A_621 = tpu.vector_load %arg10[%get3A_619, %get3A_620] {strides = array<i32>} : memref<64x128xf32, #tpu.memory_space<vmem>>, vector<16xf32>,
      %get3A_622 = arith.index_cast %add3A_583 : i32 to index
      %get3A_623 = arith.constant 80 : index
      %get3A_624 = tpu.vector_load %arg11[%get3A_622, %get3A_623] {strides = array<i32>} : memref<64x128xf32, #tpu.memory_space<vmem>>, vector<16xf32>,
      %mul3A_625 = arith.mulf %get3A_621, %get3A_624 : vector<16xf32>
      %get3A_626 = arith.index_cast %add3A_583 : i32 to index
      %get3A_627 = arith.constant 96 : index
      %get3A_628 = tpu.vector_load %arg10[%get3A_626, %get3A_627] {strides = array<i32>} : memref<64x128xf32, #tpu.memory_space<vmem>>, vector<16xf32>,
      %get3A_629 = arith.index_cast %add3A_583 : i32 to index
      %get3A_630 = arith.constant 96 : index
      %get3A_631 = tpu.vector_load %arg11[%get3A_629, %get3A_630] {strides = array<i32>} : memref<64x128xf32, #tpu.memory_space<vmem>>, vector<16xf32>,
      %mul3A_632 = arith.mulf %get3A_628, %get3A_631 : vector<16xf32>
      %get3A_633 = arith.index_cast %add3A_583 : i32 to index
      %get3A_634 = arith.constant 112 : index
      %get3A_635 = tpu.vector_load %arg10[%get3A_633, %get3A_634] {strides = array<i32>} : memref<64x128xf32, #tpu.memory_space<vmem>>, vector<16xf32>,
      %get3A_636 = arith.index_cast %add3A_583 : i32 to index
      %get3A_637 = arith.constant 112 : index
      %get3A_638 = tpu.vector_load %arg11[%get3A_636, %get3A_637] {strides = array<i32>} : memref<64x128xf32, #tpu.memory_space<vmem>>, vector<16xf32>,
      %mul3A_639 = arith.mulf %get3A_635, %get3A_638 : vector<16xf32>
      %add3A_640 = arith.addf %mul3A_590, %mul3A_597 : vector<16xf32>
      %add3A_641 = arith.addf %mul3A_604, %mul3A_611 : vector<16xf32>
      %add3A_642 = arith.addf %add3A_640, %add3A_641 : vector<16xf32>
      %add3A_643 = arith.addf %mul3A_618, %mul3A_625 : vector<16xf32>
      %add3A_644 = arith.addf %mul3A_632, %mul3A_639 : vector<16xf32>
      %add3A_645 = arith.addf %add3A_643, %add3A_644 : vector<16xf32>
      %add3A_646 = arith.addf %add3A_642, %add3A_645 : vector<16xf32>
      %eq3A_647 = arith.constant 6 : i32
      %eq3A_648 = vector.broadcast %eq3A_647 : i32 to vector<16xi32>
      %eq3A_649 = arith.cmpi eq, %iota3A, %eq3A_648 : vector<16xi32>
      %reduce_sum3A_650 = arith.constant true
      %reduce_sum3A_651 = vector.broadcast %reduce_sum3A_650 : i1 to vector<16xi1>
      %reduce_sum3A_652 = tpu.scan <sum>, %add3A_646 masked %reduce_sum3A_651 : vector<16xf32>, vector<16xi1> -> vector<16xf32>
      %reduce_sum3A_653 = vector.extract %reduce_sum3A_652[15] : f32 from vector<16xf32>
      %broadcast_in_dim3A_654 = vector.broadcast %reduce_sum3A_653 : f32 to vector<16xf32>
      %select_n3A_655 = arith.select %eq3A_649, %broadcast_in_dim3A_654, %select_n3A_579 : vector<16xi1>, vector<16xf32>
      %add3A_656 = arith.constant 0 : i32
      %add3A_657 = arith.addi %mul3A_123, %add3A_656 : i32
      %add3A_658 = arith.constant 7 : i32
      %add3A_659 = arith.addi %add3A_657, %add3A_658 : i32
      %get3A_660 = arith.index_cast %add3A_659 : i32 to index
      %get3A_661 = arith.constant 0 : index
      %get3A_662 = tpu.vector_load %arg10[%get3A_660, %get3A_661] {strides = array<i32>} : memref<64x128xf32, #tpu.memory_space<vmem>>, vector<16xf32>,
      %get3A_663 = arith.index_cast %add3A_659 : i32 to index
      %get3A_664 = arith.constant 0 : index
      %get3A_665 = tpu.vector_load %arg11[%get3A_663, %get3A_664] {strides = array<i32>} : memref<64x128xf32, #tpu.memory_space<vmem>>, vector<16xf32>,
      %mul3A_666 = arith.mulf %get3A_662, %get3A_665 : vector<16xf32>
      %get3A_667 = arith.index_cast %add3A_659 : i32 to index
      %get3A_668 = arith.constant 16 : index
      %get3A_669 = tpu.vector_load %arg10[%get3A_667, %get3A_668] {strides = array<i32>} : memref<64x128xf32, #tpu.memory_space<vmem>>, vector<16xf32>,
      %get3A_670 = arith.index_cast %add3A_659 : i32 to index
      %get3A_671 = arith.constant 16 : index
      %get3A_672 = tpu.vector_load %arg11[%get3A_670, %get3A_671] {strides = array<i32>} : memref<64x128xf32, #tpu.memory_space<vmem>>, vector<16xf32>,
      %mul3A_673 = arith.mulf %get3A_669, %get3A_672 : vector<16xf32>
      %get3A_674 = arith.index_cast %add3A_659 : i32 to index
      %get3A_675 = arith.constant 32 : index
      %get3A_676 = tpu.vector_load %arg10[%get3A_674, %get3A_675] {strides = array<i32>} : memref<64x128xf32, #tpu.memory_space<vmem>>, vector<16xf32>,
      %get3A_677 = arith.index_cast %add3A_659 : i32 to index
      %get3A_678 = arith.constant 32 : index
      %get3A_679 = tpu.vector_load %arg11[%get3A_677, %get3A_678] {strides = array<i32>} : memref<64x128xf32, #tpu.memory_space<vmem>>, vector<16xf32>,
      %mul3A_680 = arith.mulf %get3A_676, %get3A_679 : vector<16xf32>
      %get3A_681 = arith.index_cast %add3A_659 : i32 to index
      %get3A_682 = arith.constant 48 : index
      %get3A_683 = tpu.vector_load %arg10[%get3A_681, %get3A_682] {strides = array<i32>} : memref<64x128xf32, #tpu.memory_space<vmem>>, vector<16xf32>,
      %get3A_684 = arith.index_cast %add3A_659 : i32 to index
      %get3A_685 = arith.constant 48 : index
      %get3A_686 = tpu.vector_load %arg11[%get3A_684, %get3A_685] {strides = array<i32>} : memref<64x128xf32, #tpu.memory_space<vmem>>, vector<16xf32>,
      %mul3A_687 = arith.mulf %get3A_683, %get3A_686 : vector<16xf32>
      %get3A_688 = arith.index_cast %add3A_659 : i32 to index
      %get3A_689 = arith.constant 64 : index
      %get3A_690 = tpu.vector_load %arg10[%get3A_688, %get3A_689] {strides = array<i32>} : memref<64x128xf32, #tpu.memory_space<vmem>>, vector<16xf32>,
      %get3A_691 = arith.index_cast %add3A_659 : i32 to index
      %get3A_692 = arith.constant 64 : index
      %get3A_693 = tpu.vector_load %arg11[%get3A_691, %get3A_692] {strides = array<i32>} : memref<64x128xf32, #tpu.memory_space<vmem>>, vector<16xf32>,
      %mul3A_694 = arith.mulf %get3A_690, %get3A_693 : vector<16xf32>
      %get3A_695 = arith.index_cast %add3A_659 : i32 to index
      %get3A_696 = arith.constant 80 : index
      %get3A_697 = tpu.vector_load %arg10[%get3A_695, %get3A_696] {strides = array<i32>} : memref<64x128xf32, #tpu.memory_space<vmem>>, vector<16xf32>,
      %get3A_698 = arith.index_cast %add3A_659 : i32 to index
      %get3A_699 = arith.constant 80 : index
      %get3A_700 = tpu.vector_load %arg11[%get3A_698, %get3A_699] {strides = array<i32>} : memref<64x128xf32, #tpu.memory_space<vmem>>, vector<16xf32>,
      %mul3A_701 = arith.mulf %get3A_697, %get3A_700 : vector<16xf32>
      %get3A_702 = arith.index_cast %add3A_659 : i32 to index
      %get3A_703 = arith.constant 96 : index
      %get3A_704 = tpu.vector_load %arg10[%get3A_702, %get3A_703] {strides = array<i32>} : memref<64x128xf32, #tpu.memory_space<vmem>>, vector<16xf32>,
      %get3A_705 = arith.index_cast %add3A_659 : i32 to index
      %get3A_706 = arith.constant 96 : index
      %get3A_707 = tpu.vector_load %arg11[%get3A_705, %get3A_706] {strides = array<i32>} : memref<64x128xf32, #tpu.memory_space<vmem>>, vector<16xf32>,
      %mul3A_708 = arith.mulf %get3A_704, %get3A_707 : vector<16xf32>
      %get3A_709 = arith.index_cast %add3A_659 : i32 to index
      %get3A_710 = arith.constant 112 : index
      %get3A_711 = tpu.vector_load %arg10[%get3A_709, %get3A_710] {strides = array<i32>} : memref<64x128xf32, #tpu.memory_space<vmem>>, vector<16xf32>,
      %get3A_712 = arith.index_cast %add3A_659 : i32 to index
      %get3A_713 = arith.constant 112 : index
      %get3A_714 = tpu.vector_load %arg11[%get3A_712, %get3A_713] {strides = array<i32>} : memref<64x128xf32, #tpu.memory_space<vmem>>, vector<16xf32>,
      %mul3A_715 = arith.mulf %get3A_711, %get3A_714 : vector<16xf32>
      %add3A_716 = arith.addf %mul3A_666, %mul3A_673 : vector<16xf32>
      %add3A_717 = arith.addf %mul3A_680, %mul3A_687 : vector<16xf32>
      %add3A_718 = arith.addf %add3A_716, %add3A_717 : vector<16xf32>
      %add3A_719 = arith.addf %mul3A_694, %mul3A_701 : vector<16xf32>
      %add3A_720 = arith.addf %mul3A_708, %mul3A_715 : vector<16xf32>
      %add3A_721 = arith.addf %add3A_719, %add3A_720 : vector<16xf32>
      %add3A_722 = arith.addf %add3A_718, %add3A_721 : vector<16xf32>
      %eq3A_723 = arith.constant 7 : i32
      %eq3A_724 = vector.broadcast %eq3A_723 : i32 to vector<16xi32>
      %eq3A_725 = arith.cmpi eq, %iota3A, %eq3A_724 : vector<16xi32>
      %reduce_sum3A_726 = arith.constant true
      %reduce_sum3A_727 = vector.broadcast %reduce_sum3A_726 : i1 to vector<16xi1>
      %reduce_sum3A_728 = tpu.scan <sum>, %add3A_722 masked %reduce_sum3A_727 : vector<16xf32>, vector<16xi1> -> vector<16xf32>
      %reduce_sum3A_729 = vector.extract %reduce_sum3A_728[15] : f32 from vector<16xf32>
      %broadcast_in_dim3A_730 = vector.broadcast %reduce_sum3A_729 : f32 to vector<16xf32>
      %select_n3A_731 = arith.select %eq3A_725, %broadcast_in_dim3A_730, %select_n3A_655 : vector<16xi1>, vector<16xf32>
      %add3A_732 = arith.constant 0 : i32
      %add3A_733 = arith.addi %mul3A_123, %add3A_732 : i32
      %add3A_734 = arith.constant 8 : i32
      %add3A_735 = arith.addi %add3A_733, %add3A_734 : i32
      %get3A_736 = arith.index_cast %add3A_735 : i32 to index
      %get3A_737 = arith.constant 0 : index
      %get3A_738 = tpu.vector_load %arg10[%get3A_736, %get3A_737] {strides = array<i32>} : memref<64x128xf32, #tpu.memory_space<vmem>>, vector<16xf32>,
      %get3A_739 = arith.index_cast %add3A_735 : i32 to index
      %get3A_740 = arith.constant 0 : index
      %get3A_741 = tpu.vector_load %arg11[%get3A_739, %get3A_740] {strides = array<i32>} : memref<64x128xf32, #tpu.memory_space<vmem>>, vector<16xf32>,
      %mul3A_742 = arith.mulf %get3A_738, %get3A_741 : vector<16xf32>
      %get3A_743 = arith.index_cast %add3A_735 : i32 to index
      %get3A_744 = arith.constant 16 : index
      %get3A_745 = tpu.vector_load %arg10[%get3A_743, %get3A_744] {strides = array<i32>} : memref<64x128xf32, #tpu.memory_space<vmem>>, vector<16xf32>,
      %get3A_746 = arith.index_cast %add3A_735 : i32 to index
      %get3A_747 = arith.constant 16 : index
      %get3A_748 = tpu.vector_load %arg11[%get3A_746, %get3A_747] {strides = array<i32>} : memref<64x128xf32, #tpu.memory_space<vmem>>, vector<16xf32>,
      %mul3A_749 = arith.mulf %get3A_745, %get3A_748 : vector<16xf32>
      %get3A_750 = arith.index_cast %add3A_735 : i32 to index
      %get3A_751 = arith.constant 32 : index
      %get3A_752 = tpu.vector_load %arg10[%get3A_750, %get3A_751] {strides = array<i32>} : memref<64x128xf32, #tpu.memory_space<vmem>>, vector<16xf32>,
      %get3A_753 = arith.index_cast %add3A_735 : i32 to index
      %get3A_754 = arith.constant 32 : index
      %get3A_755 = tpu.vector_load %arg11[%get3A_753, %get3A_754] {strides = array<i32>} : memref<64x128xf32, #tpu.memory_space<vmem>>, vector<16xf32>,
      %mul3A_756 = arith.mulf %get3A_752, %get3A_755 : vector<16xf32>
      %get3A_757 = arith.index_cast %add3A_735 : i32 to index
      %get3A_758 = arith.constant 48 : index
      %get3A_759 = tpu.vector_load %arg10[%get3A_757, %get3A_758] {strides = array<i32>} : memref<64x128xf32, #tpu.memory_space<vmem>>, vector<16xf32>,
      %get3A_760 = arith.index_cast %add3A_735 : i32 to index
      %get3A_761 = arith.constant 48 : index
      %get3A_762 = tpu.vector_load %arg11[%get3A_760, %get3A_761] {strides = array<i32>} : memref<64x128xf32, #tpu.memory_space<vmem>>, vector<16xf32>,
      %mul3A_763 = arith.mulf %get3A_759, %get3A_762 : vector<16xf32>
      %get3A_764 = arith.index_cast %add3A_735 : i32 to index
      %get3A_765 = arith.constant 64 : index
      %get3A_766 = tpu.vector_load %arg10[%get3A_764, %get3A_765] {strides = array<i32>} : memref<64x128xf32, #tpu.memory_space<vmem>>, vector<16xf32>,
      %get3A_767 = arith.index_cast %add3A_735 : i32 to index
      %get3A_768 = arith.constant 64 : index
      %get3A_769 = tpu.vector_load %arg11[%get3A_767, %get3A_768] {strides = array<i32>} : memref<64x128xf32, #tpu.memory_space<vmem>>, vector<16xf32>,
      %mul3A_770 = arith.mulf %get3A_766, %get3A_769 : vector<16xf32>
      %get3A_771 = arith.index_cast %add3A_735 : i32 to index
      %get3A_772 = arith.constant 80 : index
      %get3A_773 = tpu.vector_load %arg10[%get3A_771, %get3A_772] {strides = array<i32>} : memref<64x128xf32, #tpu.memory_space<vmem>>, vector<16xf32>,
      %get3A_774 = arith.index_cast %add3A_735 : i32 to index
      %get3A_775 = arith.constant 80 : index
      %get3A_776 = tpu.vector_load %arg11[%get3A_774, %get3A_775] {strides = array<i32>} : memref<64x128xf32, #tpu.memory_space<vmem>>, vector<16xf32>,
      %mul3A_777 = arith.mulf %get3A_773, %get3A_776 : vector<16xf32>
      %get3A_778 = arith.index_cast %add3A_735 : i32 to index
      %get3A_779 = arith.constant 96 : index
      %get3A_780 = tpu.vector_load %arg10[%get3A_778, %get3A_779] {strides = array<i32>} : memref<64x128xf32, #tpu.memory_space<vmem>>, vector<16xf32>,
      %get3A_781 = arith.index_cast %add3A_735 : i32 to index
      %get3A_782 = arith.constant 96 : index
      %get3A_783 = tpu.vector_load %arg11[%get3A_781, %get3A_782] {strides = array<i32>} : memref<64x128xf32, #tpu.memory_space<vmem>>, vector<16xf32>,
      %mul3A_784 = arith.mulf %get3A_780, %get3A_783 : vector<16xf32>
      %get3A_785 = arith.index_cast %add3A_735 : i32 to index
      %get3A_786 = arith.constant 112 : index
      %get3A_787 = tpu.vector_load %arg10[%get3A_785, %get3A_786] {strides = array<i32>} : memref<64x128xf32, #tpu.memory_space<vmem>>, vector<16xf32>,
      %get3A_788 = arith.index_cast %add3A_735 : i32 to index
      %get3A_789 = arith.constant 112 : index
      %get3A_790 = tpu.vector_load %arg11[%get3A_788, %get3A_789] {strides = array<i32>} : memref<64x128xf32, #tpu.memory_space<vmem>>, vector<16xf32>,
      %mul3A_791 = arith.mulf %get3A_787, %get3A_790 : vector<16xf32>
      %add3A_792 = arith.addf %mul3A_742, %mul3A_749 : vector<16xf32>
      %add3A_793 = arith.addf %mul3A_756, %mul3A_763 : vector<16xf32>
      %add3A_794 = arith.addf %add3A_792, %add3A_793 : vector<16xf32>
      %add3A_795 = arith.addf %mul3A_770, %mul3A_777 : vector<16xf32>
      %add3A_796 = arith.addf %mul3A_784, %mul3A_791 : vector<16xf32>
      %add3A_797 = arith.addf %add3A_795, %add3A_796 : vector<16xf32>
      %add3A_798 = arith.addf %add3A_794, %add3A_797 : vector<16xf32>
      %eq3A_799 = arith.constant 8 : i32
      %eq3A_800 = vector.broadcast %eq3A_799 : i32 to vector<16xi32>
      %eq3A_801 = arith.cmpi eq, %iota3A, %eq3A_800 : vector<16xi32>
      %reduce_sum3A_802 = arith.constant true
      %reduce_sum3A_803 = vector.broadcast %reduce_sum3A_802 : i1 to vector<16xi1>
      %reduce_sum3A_804 = tpu.scan <sum>, %add3A_798 masked %reduce_sum3A_803 : vector<16xf32>, vector<16xi1> -> vector<16xf32>
      %reduce_sum3A_805 = vector.extract %reduce_sum3A_804[15] : f32 from vector<16xf32>
      %broadcast_in_dim3A_806 = vector.broadcast %reduce_sum3A_805 : f32 to vector<16xf32>
      %select_n3A_807 = arith.select %eq3A_801, %broadcast_in_dim3A_806, %select_n3A_731 : vector<16xi1>, vector<16xf32>
      %add3A_808 = arith.constant 0 : i32
      %add3A_809 = arith.addi %mul3A_123, %add3A_808 : i32
      %add3A_810 = arith.constant 9 : i32
      %add3A_811 = arith.addi %add3A_809, %add3A_810 : i32
      %get3A_812 = arith.index_cast %add3A_811 : i32 to index
      %get3A_813 = arith.constant 0 : index
      %get3A_814 = tpu.vector_load %arg10[%get3A_812, %get3A_813] {strides = array<i32>} : memref<64x128xf32, #tpu.memory_space<vmem>>, vector<16xf32>,
      %get3A_815 = arith.index_cast %add3A_811 : i32 to index
      %get3A_816 = arith.constant 0 : index
      %get3A_817 = tpu.vector_load %arg11[%get3A_815, %get3A_816] {strides = array<i32>} : memref<64x128xf32, #tpu.memory_space<vmem>>, vector<16xf32>,
      %mul3A_818 = arith.mulf %get3A_814, %get3A_817 : vector<16xf32>
      %get3A_819 = arith.index_cast %add3A_811 : i32 to index
      %get3A_820 = arith.constant 16 : index
      %get3A_821 = tpu.vector_load %arg10[%get3A_819, %get3A_820] {strides = array<i32>} : memref<64x128xf32, #tpu.memory_space<vmem>>, vector<16xf32>,
      %get3A_822 = arith.index_cast %add3A_811 : i32 to index
      %get3A_823 = arith.constant 16 : index
      %get3A_824 = tpu.vector_load %arg11[%get3A_822, %get3A_823] {strides = array<i32>} : memref<64x128xf32, #tpu.memory_space<vmem>>, vector<16xf32>,
      %mul3A_825 = arith.mulf %get3A_821, %get3A_824 : vector<16xf32>
      %get3A_826 = arith.index_cast %add3A_811 : i32 to index
      %get3A_827 = arith.constant 32 : index
      %get3A_828 = tpu.vector_load %arg10[%get3A_826, %get3A_827] {strides = array<i32>} : memref<64x128xf32, #tpu.memory_space<vmem>>, vector<16xf32>,
      %get3A_829 = arith.index_cast %add3A_811 : i32 to index
      %get3A_830 = arith.constant 32 : index
      %get3A_831 = tpu.vector_load %arg11[%get3A_829, %get3A_830] {strides = array<i32>} : memref<64x128xf32, #tpu.memory_space<vmem>>, vector<16xf32>,
      %mul3A_832 = arith.mulf %get3A_828, %get3A_831 : vector<16xf32>
      %get3A_833 = arith.index_cast %add3A_811 : i32 to index
      %get3A_834 = arith.constant 48 : index
      %get3A_835 = tpu.vector_load %arg10[%get3A_833, %get3A_834] {strides = array<i32>} : memref<64x128xf32, #tpu.memory_space<vmem>>, vector<16xf32>,
      %get3A_836 = arith.index_cast %add3A_811 : i32 to index
      %get3A_837 = arith.constant 48 : index
      %get3A_838 = tpu.vector_load %arg11[%get3A_836, %get3A_837] {strides = array<i32>} : memref<64x128xf32, #tpu.memory_space<vmem>>, vector<16xf32>,
      %mul3A_839 = arith.mulf %get3A_835, %get3A_838 : vector<16xf32>
      %get3A_840 = arith.index_cast %add3A_811 : i32 to index
      %get3A_841 = arith.constant 64 : index
      %get3A_842 = tpu.vector_load %arg10[%get3A_840, %get3A_841] {strides = array<i32>} : memref<64x128xf32, #tpu.memory_space<vmem>>, vector<16xf32>,
      %get3A_843 = arith.index_cast %add3A_811 : i32 to index
      %get3A_844 = arith.constant 64 : index
      %get3A_845 = tpu.vector_load %arg11[%get3A_843, %get3A_844] {strides = array<i32>} : memref<64x128xf32, #tpu.memory_space<vmem>>, vector<16xf32>,
      %mul3A_846 = arith.mulf %get3A_842, %get3A_845 : vector<16xf32>
      %get3A_847 = arith.index_cast %add3A_811 : i32 to index
      %get3A_848 = arith.constant 80 : index
      %get3A_849 = tpu.vector_load %arg10[%get3A_847, %get3A_848] {strides = array<i32>} : memref<64x128xf32, #tpu.memory_space<vmem>>, vector<16xf32>,
      %get3A_850 = arith.index_cast %add3A_811 : i32 to index
      %get3A_851 = arith.constant 80 : index
      %get3A_852 = tpu.vector_load %arg11[%get3A_850, %get3A_851] {strides = array<i32>} : memref<64x128xf32, #tpu.memory_space<vmem>>, vector<16xf32>,
      %mul3A_853 = arith.mulf %get3A_849, %get3A_852 : vector<16xf32>
      %get3A_854 = arith.index_cast %add3A_811 : i32 to index
      %get3A_855 = arith.constant 96 : index
      %get3A_856 = tpu.vector_load %arg10[%get3A_854, %get3A_855] {strides = array<i32>} : memref<64x128xf32, #tpu.memory_space<vmem>>, vector<16xf32>,
      %get3A_857 = arith.index_cast %add3A_811 : i32 to index
      %get3A_858 = arith.constant 96 : index
      %get3A_859 = tpu.vector_load %arg11[%get3A_857, %get3A_858] {strides = array<i32>} : memref<64x128xf32, #tpu.memory_space<vmem>>, vector<16xf32>,
      %mul3A_860 = arith.mulf %get3A_856, %get3A_859 : vector<16xf32>
      %get3A_861 = arith.index_cast %add3A_811 : i32 to index
      %get3A_862 = arith.constant 112 : index
      %get3A_863 = tpu.vector_load %arg10[%get3A_861, %get3A_862] {strides = array<i32>} : memref<64x128xf32, #tpu.memory_space<vmem>>, vector<16xf32>,
      %get3A_864 = arith.index_cast %add3A_811 : i32 to index
      %get3A_865 = arith.constant 112 : index
      %get3A_866 = tpu.vector_load %arg11[%get3A_864, %get3A_865] {strides = array<i32>} : memref<64x128xf32, #tpu.memory_space<vmem>>, vector<16xf32>,
      %mul3A_867 = arith.mulf %get3A_863, %get3A_866 : vector<16xf32>
      %add3A_868 = arith.addf %mul3A_818, %mul3A_825 : vector<16xf32>
      %add3A_869 = arith.addf %mul3A_832, %mul3A_839 : vector<16xf32>
      %add3A_870 = arith.addf %add3A_868, %add3A_869 : vector<16xf32>
      %add3A_871 = arith.addf %mul3A_846, %mul3A_853 : vector<16xf32>
      %add3A_872 = arith.addf %mul3A_860, %mul3A_867 : vector<16xf32>
      %add3A_873 = arith.addf %add3A_871, %add3A_872 : vector<16xf32>
      %add3A_874 = arith.addf %add3A_870, %add3A_873 : vector<16xf32>
      %eq3A_875 = arith.constant 9 : i32
      %eq3A_876 = vector.broadcast %eq3A_875 : i32 to vector<16xi32>
      %eq3A_877 = arith.cmpi eq, %iota3A, %eq3A_876 : vector<16xi32>
      %reduce_sum3A_878 = arith.constant true
      %reduce_sum3A_879 = vector.broadcast %reduce_sum3A_878 : i1 to vector<16xi1>
      %reduce_sum3A_880 = tpu.scan <sum>, %add3A_874 masked %reduce_sum3A_879 : vector<16xf32>, vector<16xi1> -> vector<16xf32>
      %reduce_sum3A_881 = vector.extract %reduce_sum3A_880[15] : f32 from vector<16xf32>
      %broadcast_in_dim3A_882 = vector.broadcast %reduce_sum3A_881 : f32 to vector<16xf32>
      %select_n3A_883 = arith.select %eq3A_877, %broadcast_in_dim3A_882, %select_n3A_807 : vector<16xi1>, vector<16xf32>
      %add3A_884 = arith.constant 0 : i32
      %add3A_885 = arith.addi %mul3A_123, %add3A_884 : i32
      %add3A_886 = arith.constant 10 : i32
      %add3A_887 = arith.addi %add3A_885, %add3A_886 : i32
      %get3A_888 = arith.index_cast %add3A_887 : i32 to index
      %get3A_889 = arith.constant 0 : index
      %get3A_890 = tpu.vector_load %arg10[%get3A_888, %get3A_889] {strides = array<i32>} : memref<64x128xf32, #tpu.memory_space<vmem>>, vector<16xf32>,
      %get3A_891 = arith.index_cast %add3A_887 : i32 to index
      %get3A_892 = arith.constant 0 : index
      %get3A_893 = tpu.vector_load %arg11[%get3A_891, %get3A_892] {strides = array<i32>} : memref<64x128xf32, #tpu.memory_space<vmem>>, vector<16xf32>,
      %mul3A_894 = arith.mulf %get3A_890, %get3A_893 : vector<16xf32>
      %get3A_895 = arith.index_cast %add3A_887 : i32 to index
      %get3A_896 = arith.constant 16 : index
      %get3A_897 = tpu.vector_load %arg10[%get3A_895, %get3A_896] {strides = array<i32>} : memref<64x128xf32, #tpu.memory_space<vmem>>, vector<16xf32>,
      %get3A_898 = arith.index_cast %add3A_887 : i32 to index
      %get3A_899 = arith.constant 16 : index
      %get3A_900 = tpu.vector_load %arg11[%get3A_898, %get3A_899] {strides = array<i32>} : memref<64x128xf32, #tpu.memory_space<vmem>>, vector<16xf32>,
      %mul3A_901 = arith.mulf %get3A_897, %get3A_900 : vector<16xf32>
      %get3A_902 = arith.index_cast %add3A_887 : i32 to index
      %get3A_903 = arith.constant 32 : index
      %get3A_904 = tpu.vector_load %arg10[%get3A_902, %get3A_903] {strides = array<i32>} : memref<64x128xf32, #tpu.memory_space<vmem>>, vector<16xf32>,
      %get3A_905 = arith.index_cast %add3A_887 : i32 to index
      %get3A_906 = arith.constant 32 : index
      %get3A_907 = tpu.vector_load %arg11[%get3A_905, %get3A_906] {strides = array<i32>} : memref<64x128xf32, #tpu.memory_space<vmem>>, vector<16xf32>,
      %mul3A_908 = arith.mulf %get3A_904, %get3A_907 : vector<16xf32>
      %get3A_909 = arith.index_cast %add3A_887 : i32 to index
      %get3A_910 = arith.constant 48 : index
      %get3A_911 = tpu.vector_load %arg10[%get3A_909, %get3A_910] {strides = array<i32>} : memref<64x128xf32, #tpu.memory_space<vmem>>, vector<16xf32>,
      %get3A_912 = arith.index_cast %add3A_887 : i32 to index
      %get3A_913 = arith.constant 48 : index
      %get3A_914 = tpu.vector_load %arg11[%get3A_912, %get3A_913] {strides = array<i32>} : memref<64x128xf32, #tpu.memory_space<vmem>>, vector<16xf32>,
      %mul3A_915 = arith.mulf %get3A_911, %get3A_914 : vector<16xf32>
      %get3A_916 = arith.index_cast %add3A_887 : i32 to index
      %get3A_917 = arith.constant 64 : index
      %get3A_918 = tpu.vector_load %arg10[%get3A_916, %get3A_917] {strides = array<i32>} : memref<64x128xf32, #tpu.memory_space<vmem>>, vector<16xf32>,
      %get3A_919 = arith.index_cast %add3A_887 : i32 to index
      %get3A_920 = arith.constant 64 : index
      %get3A_921 = tpu.vector_load %arg11[%get3A_919, %get3A_920] {strides = array<i32>} : memref<64x128xf32, #tpu.memory_space<vmem>>, vector<16xf32>,
      %mul3A_922 = arith.mulf %get3A_918, %get3A_921 : vector<16xf32>
      %get3A_923 = arith.index_cast %add3A_887 : i32 to index
      %get3A_924 = arith.constant 80 : index
      %get3A_925 = tpu.vector_load %arg10[%get3A_923, %get3A_924] {strides = array<i32>} : memref<64x128xf32, #tpu.memory_space<vmem>>, vector<16xf32>,
      %get3A_926 = arith.index_cast %add3A_887 : i32 to index
      %get3A_927 = arith.constant 80 : index
      %get3A_928 = tpu.vector_load %arg11[%get3A_926, %get3A_927] {strides = array<i32>} : memref<64x128xf32, #tpu.memory_space<vmem>>, vector<16xf32>,
      %mul3A_929 = arith.mulf %get3A_925, %get3A_928 : vector<16xf32>
      %get3A_930 = arith.index_cast %add3A_887 : i32 to index
      %get3A_931 = arith.constant 96 : index
      %get3A_932 = tpu.vector_load %arg10[%get3A_930, %get3A_931] {strides = array<i32>} : memref<64x128xf32, #tpu.memory_space<vmem>>, vector<16xf32>,
      %get3A_933 = arith.index_cast %add3A_887 : i32 to index
      %get3A_934 = arith.constant 96 : index
      %get3A_935 = tpu.vector_load %arg11[%get3A_933, %get3A_934] {strides = array<i32>} : memref<64x128xf32, #tpu.memory_space<vmem>>, vector<16xf32>,
      %mul3A_936 = arith.mulf %get3A_932, %get3A_935 : vector<16xf32>
      %get3A_937 = arith.index_cast %add3A_887 : i32 to index
      %get3A_938 = arith.constant 112 : index
      %get3A_939 = tpu.vector_load %arg10[%get3A_937, %get3A_938] {strides = array<i32>} : memref<64x128xf32, #tpu.memory_space<vmem>>, vector<16xf32>,
      %get3A_940 = arith.index_cast %add3A_887 : i32 to index
      %get3A_941 = arith.constant 112 : index
      %get3A_942 = tpu.vector_load %arg11[%get3A_940, %get3A_941] {strides = array<i32>} : memref<64x128xf32, #tpu.memory_space<vmem>>, vector<16xf32>,
      %mul3A_943 = arith.mulf %get3A_939, %get3A_942 : vector<16xf32>
      %add3A_944 = arith.addf %mul3A_894, %mul3A_901 : vector<16xf32>
      %add3A_945 = arith.addf %mul3A_908, %mul3A_915 : vector<16xf32>
      %add3A_946 = arith.addf %add3A_944, %add3A_945 : vector<16xf32>
      %add3A_947 = arith.addf %mul3A_922, %mul3A_929 : vector<16xf32>
      %add3A_948 = arith.addf %mul3A_936, %mul3A_943 : vector<16xf32>
      %add3A_949 = arith.addf %add3A_947, %add3A_948 : vector<16xf32>
      %add3A_950 = arith.addf %add3A_946, %add3A_949 : vector<16xf32>
      %eq3A_951 = arith.constant 10 : i32
      %eq3A_952 = vector.broadcast %eq3A_951 : i32 to vector<16xi32>
      %eq3A_953 = arith.cmpi eq, %iota3A, %eq3A_952 : vector<16xi32>
      %reduce_sum3A_954 = arith.constant true
      %reduce_sum3A_955 = vector.broadcast %reduce_sum3A_954 : i1 to vector<16xi1>
      %reduce_sum3A_956 = tpu.scan <sum>, %add3A_950 masked %reduce_sum3A_955 : vector<16xf32>, vector<16xi1> -> vector<16xf32>
      %reduce_sum3A_957 = vector.extract %reduce_sum3A_956[15] : f32 from vector<16xf32>
      %broadcast_in_dim3A_958 = vector.broadcast %reduce_sum3A_957 : f32 to vector<16xf32>
      %select_n3A_959 = arith.select %eq3A_953, %broadcast_in_dim3A_958, %select_n3A_883 : vector<16xi1>, vector<16xf32>
      %add3A_960 = arith.constant 0 : i32
      %add3A_961 = arith.addi %mul3A_123, %add3A_960 : i32
      %add3A_962 = arith.constant 11 : i32
      %add3A_963 = arith.addi %add3A_961, %add3A_962 : i32
      %get3A_964 = arith.index_cast %add3A_963 : i32 to index
      %get3A_965 = arith.constant 0 : index
      %get3A_966 = tpu.vector_load %arg10[%get3A_964, %get3A_965] {strides = array<i32>} : memref<64x128xf32, #tpu.memory_space<vmem>>, vector<16xf32>,
      %get3A_967 = arith.index_cast %add3A_963 : i32 to index
      %get3A_968 = arith.constant 0 : index
      %get3A_969 = tpu.vector_load %arg11[%get3A_967, %get3A_968] {strides = array<i32>} : memref<64x128xf32, #tpu.memory_space<vmem>>, vector<16xf32>,
      %mul3A_970 = arith.mulf %get3A_966, %get3A_969 : vector<16xf32>
      %get3A_971 = arith.index_cast %add3A_963 : i32 to index
      %get3A_972 = arith.constant 16 : index
      %get3A_973 = tpu.vector_load %arg10[%get3A_971, %get3A_972] {strides = array<i32>} : memref<64x128xf32, #tpu.memory_space<vmem>>, vector<16xf32>,
      %get3A_974 = arith.index_cast %add3A_963 : i32 to index
      %get3A_975 = arith.constant 16 : index
      %get3A_976 = tpu.vector_load %arg11[%get3A_974, %get3A_975] {strides = array<i32>} : memref<64x128xf32, #tpu.memory_space<vmem>>, vector<16xf32>,
      %mul3A_977 = arith.mulf %get3A_973, %get3A_976 : vector<16xf32>
      %get3A_978 = arith.index_cast %add3A_963 : i32 to index
      %get3A_979 = arith.constant 32 : index
      %get3A_980 = tpu.vector_load %arg10[%get3A_978, %get3A_979] {strides = array<i32>} : memref<64x128xf32, #tpu.memory_space<vmem>>, vector<16xf32>,
      %get3A_981 = arith.index_cast %add3A_963 : i32 to index
      %get3A_982 = arith.constant 32 : index
      %get3A_983 = tpu.vector_load %arg11[%get3A_981, %get3A_982] {strides = array<i32>} : memref<64x128xf32, #tpu.memory_space<vmem>>, vector<16xf32>,
      %mul3A_984 = arith.mulf %get3A_980, %get3A_983 : vector<16xf32>
      %get3A_985 = arith.index_cast %add3A_963 : i32 to index
      %get3A_986 = arith.constant 48 : index
      %get3A_987 = tpu.vector_load %arg10[%get3A_985, %get3A_986] {strides = array<i32>} : memref<64x128xf32, #tpu.memory_space<vmem>>, vector<16xf32>,
      %get3A_988 = arith.index_cast %add3A_963 : i32 to index
      %get3A_989 = arith.constant 48 : index
      %get3A_990 = tpu.vector_load %arg11[%get3A_988, %get3A_989] {strides = array<i32>} : memref<64x128xf32, #tpu.memory_space<vmem>>, vector<16xf32>,
      %mul3A_991 = arith.mulf %get3A_987, %get3A_990 : vector<16xf32>
      %get3A_992 = arith.index_cast %add3A_963 : i32 to index
      %get3A_993 = arith.constant 64 : index
      %get3A_994 = tpu.vector_load %arg10[%get3A_992, %get3A_993] {strides = array<i32>} : memref<64x128xf32, #tpu.memory_space<vmem>>, vector<16xf32>,
      %get3A_995 = arith.index_cast %add3A_963 : i32 to index
      %get3A_996 = arith.constant 64 : index
      %get3A_997 = tpu.vector_load %arg11[%get3A_995, %get3A_996] {strides = array<i32>} : memref<64x128xf32, #tpu.memory_space<vmem>>, vector<16xf32>,
      %mul3A_998 = arith.mulf %get3A_994, %get3A_997 : vector<16xf32>
      %get3A_999 = arith.index_cast %add3A_963 : i32 to index
      %get3A_1000 = arith.constant 80 : index
      %get3A_1001 = tpu.vector_load %arg10[%get3A_999, %get3A_1000] {strides = array<i32>} : memref<64x128xf32, #tpu.memory_space<vmem>>, vector<16xf32>,
      %get3A_1002 = arith.index_cast %add3A_963 : i32 to index
      %get3A_1003 = arith.constant 80 : index
      %get3A_1004 = tpu.vector_load %arg11[%get3A_1002, %get3A_1003] {strides = array<i32>} : memref<64x128xf32, #tpu.memory_space<vmem>>, vector<16xf32>,
      %mul3A_1005 = arith.mulf %get3A_1001, %get3A_1004 : vector<16xf32>
      %get3A_1006 = arith.index_cast %add3A_963 : i32 to index
      %get3A_1007 = arith.constant 96 : index
      %get3A_1008 = tpu.vector_load %arg10[%get3A_1006, %get3A_1007] {strides = array<i32>} : memref<64x128xf32, #tpu.memory_space<vmem>>, vector<16xf32>,
      %get3A_1009 = arith.index_cast %add3A_963 : i32 to index
      %get3A_1010 = arith.constant 96 : index
      %get3A_1011 = tpu.vector_load %arg11[%get3A_1009, %get3A_1010] {strides = array<i32>} : memref<64x128xf32, #tpu.memory_space<vmem>>, vector<16xf32>,
      %mul3A_1012 = arith.mulf %get3A_1008, %get3A_1011 : vector<16xf32>
      %get3A_1013 = arith.index_cast %add3A_963 : i32 to index
      %get3A_1014 = arith.constant 112 : index
      %get3A_1015 = tpu.vector_load %arg10[%get3A_1013, %get3A_1014] {strides = array<i32>} : memref<64x128xf32, #tpu.memory_space<vmem>>, vector<16xf32>,
      %get3A_1016 = arith.index_cast %add3A_963 : i32 to index
      %get3A_1017 = arith.constant 112 : index
      %get3A_1018 = tpu.vector_load %arg11[%get3A_1016, %get3A_1017] {strides = array<i32>} : memref<64x128xf32, #tpu.memory_space<vmem>>, vector<16xf32>,
      %mul3A_1019 = arith.mulf %get3A_1015, %get3A_1018 : vector<16xf32>
      %add3A_1020 = arith.addf %mul3A_970, %mul3A_977 : vector<16xf32>
      %add3A_1021 = arith.addf %mul3A_984, %mul3A_991 : vector<16xf32>
      %add3A_1022 = arith.addf %add3A_1020, %add3A_1021 : vector<16xf32>
      %add3A_1023 = arith.addf %mul3A_998, %mul3A_1005 : vector<16xf32>
      %add3A_1024 = arith.addf %mul3A_1012, %mul3A_1019 : vector<16xf32>
      %add3A_1025 = arith.addf %add3A_1023, %add3A_1024 : vector<16xf32>
      %add3A_1026 = arith.addf %add3A_1022, %add3A_1025 : vector<16xf32>
      %eq3A_1027 = arith.constant 11 : i32
      %eq3A_1028 = vector.broadcast %eq3A_1027 : i32 to vector<16xi32>
      %eq3A_1029 = arith.cmpi eq, %iota3A, %eq3A_1028 : vector<16xi32>
      %reduce_sum3A_1030 = arith.constant true
      %reduce_sum3A_1031 = vector.broadcast %reduce_sum3A_1030 : i1 to vector<16xi1>
      %reduce_sum3A_1032 = tpu.scan <sum>, %add3A_1026 masked %reduce_sum3A_1031 : vector<16xf32>, vector<16xi1> -> vector<16xf32>
      %reduce_sum3A_1033 = vector.extract %reduce_sum3A_1032[15] : f32 from vector<16xf32>
      %broadcast_in_dim3A_1034 = vector.broadcast %reduce_sum3A_1033 : f32 to vector<16xf32>
      %select_n3A_1035 = arith.select %eq3A_1029, %broadcast_in_dim3A_1034, %select_n3A_959 : vector<16xi1>, vector<16xf32>
      %add3A_1036 = arith.constant 0 : i32
      %add3A_1037 = arith.addi %mul3A_123, %add3A_1036 : i32
      %add3A_1038 = arith.constant 12 : i32
      %add3A_1039 = arith.addi %add3A_1037, %add3A_1038 : i32
      %get3A_1040 = arith.index_cast %add3A_1039 : i32 to index
      %get3A_1041 = arith.constant 0 : index
      %get3A_1042 = tpu.vector_load %arg10[%get3A_1040, %get3A_1041] {strides = array<i32>} : memref<64x128xf32, #tpu.memory_space<vmem>>, vector<16xf32>,
      %get3A_1043 = arith.index_cast %add3A_1039 : i32 to index
      %get3A_1044 = arith.constant 0 : index
      %get3A_1045 = tpu.vector_load %arg11[%get3A_1043, %get3A_1044] {strides = array<i32>} : memref<64x128xf32, #tpu.memory_space<vmem>>, vector<16xf32>,
      %mul3A_1046 = arith.mulf %get3A_1042, %get3A_1045 : vector<16xf32>
      %get3A_1047 = arith.index_cast %add3A_1039 : i32 to index
      %get3A_1048 = arith.constant 16 : index
      %get3A_1049 = tpu.vector_load %arg10[%get3A_1047, %get3A_1048] {strides = array<i32>} : memref<64x128xf32, #tpu.memory_space<vmem>>, vector<16xf32>,
      %get3A_1050 = arith.index_cast %add3A_1039 : i32 to index
      %get3A_1051 = arith.constant 16 : index
      %get3A_1052 = tpu.vector_load %arg11[%get3A_1050, %get3A_1051] {strides = array<i32>} : memref<64x128xf32, #tpu.memory_space<vmem>>, vector<16xf32>,
      %mul3A_1053 = arith.mulf %get3A_1049, %get3A_1052 : vector<16xf32>
      %get3A_1054 = arith.index_cast %add3A_1039 : i32 to index
      %get3A_1055 = arith.constant 32 : index
      %get3A_1056 = tpu.vector_load %arg10[%get3A_1054, %get3A_1055] {strides = array<i32>} : memref<64x128xf32, #tpu.memory_space<vmem>>, vector<16xf32>,
      %get3A_1057 = arith.index_cast %add3A_1039 : i32 to index
      %get3A_1058 = arith.constant 32 : index
      %get3A_1059 = tpu.vector_load %arg11[%get3A_1057, %get3A_1058] {strides = array<i32>} : memref<64x128xf32, #tpu.memory_space<vmem>>, vector<16xf32>,
      %mul3A_1060 = arith.mulf %get3A_1056, %get3A_1059 : vector<16xf32>
      %get3A_1061 = arith.index_cast %add3A_1039 : i32 to index
      %get3A_1062 = arith.constant 48 : index
      %get3A_1063 = tpu.vector_load %arg10[%get3A_1061, %get3A_1062] {strides = array<i32>} : memref<64x128xf32, #tpu.memory_space<vmem>>, vector<16xf32>,
      %get3A_1064 = arith.index_cast %add3A_1039 : i32 to index
      %get3A_1065 = arith.constant 48 : index
      %get3A_1066 = tpu.vector_load %arg11[%get3A_1064, %get3A_1065] {strides = array<i32>} : memref<64x128xf32, #tpu.memory_space<vmem>>, vector<16xf32>,
      %mul3A_1067 = arith.mulf %get3A_1063, %get3A_1066 : vector<16xf32>
      %get3A_1068 = arith.index_cast %add3A_1039 : i32 to index
      %get3A_1069 = arith.constant 64 : index
      %get3A_1070 = tpu.vector_load %arg10[%get3A_1068, %get3A_1069] {strides = array<i32>} : memref<64x128xf32, #tpu.memory_space<vmem>>, vector<16xf32>,
      %get3A_1071 = arith.index_cast %add3A_1039 : i32 to index
      %get3A_1072 = arith.constant 64 : index
      %get3A_1073 = tpu.vector_load %arg11[%get3A_1071, %get3A_1072] {strides = array<i32>} : memref<64x128xf32, #tpu.memory_space<vmem>>, vector<16xf32>,
      %mul3A_1074 = arith.mulf %get3A_1070, %get3A_1073 : vector<16xf32>
      %get3A_1075 = arith.index_cast %add3A_1039 : i32 to index
      %get3A_1076 = arith.constant 80 : index
      %get3A_1077 = tpu.vector_load %arg10[%get3A_1075, %get3A_1076] {strides = array<i32>} : memref<64x128xf32, #tpu.memory_space<vmem>>, vector<16xf32>,
      %get3A_1078 = arith.index_cast %add3A_1039 : i32 to index
      %get3A_1079 = arith.constant 80 : index
      %get3A_1080 = tpu.vector_load %arg11[%get3A_1078, %get3A_1079] {strides = array<i32>} : memref<64x128xf32, #tpu.memory_space<vmem>>, vector<16xf32>,
      %mul3A_1081 = arith.mulf %get3A_1077, %get3A_1080 : vector<16xf32>
      %get3A_1082 = arith.index_cast %add3A_1039 : i32 to index
      %get3A_1083 = arith.constant 96 : index
      %get3A_1084 = tpu.vector_load %arg10[%get3A_1082, %get3A_1083] {strides = array<i32>} : memref<64x128xf32, #tpu.memory_space<vmem>>, vector<16xf32>,
      %get3A_1085 = arith.index_cast %add3A_1039 : i32 to index
      %get3A_1086 = arith.constant 96 : index
      %get3A_1087 = tpu.vector_load %arg11[%get3A_1085, %get3A_1086] {strides = array<i32>} : memref<64x128xf32, #tpu.memory_space<vmem>>, vector<16xf32>,
      %mul3A_1088 = arith.mulf %get3A_1084, %get3A_1087 : vector<16xf32>
      %get3A_1089 = arith.index_cast %add3A_1039 : i32 to index
      %get3A_1090 = arith.constant 112 : index
      %get3A_1091 = tpu.vector_load %arg10[%get3A_1089, %get3A_1090] {strides = array<i32>} : memref<64x128xf32, #tpu.memory_space<vmem>>, vector<16xf32>,
      %get3A_1092 = arith.index_cast %add3A_1039 : i32 to index
      %get3A_1093 = arith.constant 112 : index
      %get3A_1094 = tpu.vector_load %arg11[%get3A_1092, %get3A_1093] {strides = array<i32>} : memref<64x128xf32, #tpu.memory_space<vmem>>, vector<16xf32>,
      %mul3A_1095 = arith.mulf %get3A_1091, %get3A_1094 : vector<16xf32>
      %add3A_1096 = arith.addf %mul3A_1046, %mul3A_1053 : vector<16xf32>
      %add3A_1097 = arith.addf %mul3A_1060, %mul3A_1067 : vector<16xf32>
      %add3A_1098 = arith.addf %add3A_1096, %add3A_1097 : vector<16xf32>
      %add3A_1099 = arith.addf %mul3A_1074, %mul3A_1081 : vector<16xf32>
      %add3A_1100 = arith.addf %mul3A_1088, %mul3A_1095 : vector<16xf32>
      %add3A_1101 = arith.addf %add3A_1099, %add3A_1100 : vector<16xf32>
      %add3A_1102 = arith.addf %add3A_1098, %add3A_1101 : vector<16xf32>
      %eq3A_1103 = arith.constant 12 : i32
      %eq3A_1104 = vector.broadcast %eq3A_1103 : i32 to vector<16xi32>
      %eq3A_1105 = arith.cmpi eq, %iota3A, %eq3A_1104 : vector<16xi32>
      %reduce_sum3A_1106 = arith.constant true
      %reduce_sum3A_1107 = vector.broadcast %reduce_sum3A_1106 : i1 to vector<16xi1>
      %reduce_sum3A_1108 = tpu.scan <sum>, %add3A_1102 masked %reduce_sum3A_1107 : vector<16xf32>, vector<16xi1> -> vector<16xf32>
      %reduce_sum3A_1109 = vector.extract %reduce_sum3A_1108[15] : f32 from vector<16xf32>
      %broadcast_in_dim3A_1110 = vector.broadcast %reduce_sum3A_1109 : f32 to vector<16xf32>
      %select_n3A_1111 = arith.select %eq3A_1105, %broadcast_in_dim3A_1110, %select_n3A_1035 : vector<16xi1>, vector<16xf32>
      %add3A_1112 = arith.constant 0 : i32
      %add3A_1113 = arith.addi %mul3A_123, %add3A_1112 : i32
      %add3A_1114 = arith.constant 13 : i32
      %add3A_1115 = arith.addi %add3A_1113, %add3A_1114 : i32
      %get3A_1116 = arith.index_cast %add3A_1115 : i32 to index
      %get3A_1117 = arith.constant 0 : index
      %get3A_1118 = tpu.vector_load %arg10[%get3A_1116, %get3A_1117] {strides = array<i32>} : memref<64x128xf32, #tpu.memory_space<vmem>>, vector<16xf32>,
      %get3A_1119 = arith.index_cast %add3A_1115 : i32 to index
      %get3A_1120 = arith.constant 0 : index
      %get3A_1121 = tpu.vector_load %arg11[%get3A_1119, %get3A_1120] {strides = array<i32>} : memref<64x128xf32, #tpu.memory_space<vmem>>, vector<16xf32>,
      %mul3A_1122 = arith.mulf %get3A_1118, %get3A_1121 : vector<16xf32>
      %get3A_1123 = arith.index_cast %add3A_1115 : i32 to index
      %get3A_1124 = arith.constant 16 : index
      %get3A_1125 = tpu.vector_load %arg10[%get3A_1123, %get3A_1124] {strides = array<i32>} : memref<64x128xf32, #tpu.memory_space<vmem>>, vector<16xf32>,
      %get3A_1126 = arith.index_cast %add3A_1115 : i32 to index
      %get3A_1127 = arith.constant 16 : index
      %get3A_1128 = tpu.vector_load %arg11[%get3A_1126, %get3A_1127] {strides = array<i32>} : memref<64x128xf32, #tpu.memory_space<vmem>>, vector<16xf32>,
      %mul3A_1129 = arith.mulf %get3A_1125, %get3A_1128 : vector<16xf32>
      %get3A_1130 = arith.index_cast %add3A_1115 : i32 to index
      %get3A_1131 = arith.constant 32 : index
      %get3A_1132 = tpu.vector_load %arg10[%get3A_1130, %get3A_1131] {strides = array<i32>} : memref<64x128xf32, #tpu.memory_space<vmem>>, vector<16xf32>,
      %get3A_1133 = arith.index_cast %add3A_1115 : i32 to index
      %get3A_1134 = arith.constant 32 : index
      %get3A_1135 = tpu.vector_load %arg11[%get3A_1133, %get3A_1134] {strides = array<i32>} : memref<64x128xf32, #tpu.memory_space<vmem>>, vector<16xf32>,
      %mul3A_1136 = arith.mulf %get3A_1132, %get3A_1135 : vector<16xf32>
      %get3A_1137 = arith.index_cast %add3A_1115 : i32 to index
      %get3A_1138 = arith.constant 48 : index
      %get3A_1139 = tpu.vector_load %arg10[%get3A_1137, %get3A_1138] {strides = array<i32>} : memref<64x128xf32, #tpu.memory_space<vmem>>, vector<16xf32>,
      %get3A_1140 = arith.index_cast %add3A_1115 : i32 to index
      %get3A_1141 = arith.constant 48 : index
      %get3A_1142 = tpu.vector_load %arg11[%get3A_1140, %get3A_1141] {strides = array<i32>} : memref<64x128xf32, #tpu.memory_space<vmem>>, vector<16xf32>,
      %mul3A_1143 = arith.mulf %get3A_1139, %get3A_1142 : vector<16xf32>
      %get3A_1144 = arith.index_cast %add3A_1115 : i32 to index
      %get3A_1145 = arith.constant 64 : index
      %get3A_1146 = tpu.vector_load %arg10[%get3A_1144, %get3A_1145] {strides = array<i32>} : memref<64x128xf32, #tpu.memory_space<vmem>>, vector<16xf32>,
      %get3A_1147 = arith.index_cast %add3A_1115 : i32 to index
      %get3A_1148 = arith.constant 64 : index
      %get3A_1149 = tpu.vector_load %arg11[%get3A_1147, %get3A_1148] {strides = array<i32>} : memref<64x128xf32, #tpu.memory_space<vmem>>, vector<16xf32>,
      %mul3A_1150 = arith.mulf %get3A_1146, %get3A_1149 : vector<16xf32>
      %get3A_1151 = arith.index_cast %add3A_1115 : i32 to index
      %get3A_1152 = arith.constant 80 : index
      %get3A_1153 = tpu.vector_load %arg10[%get3A_1151, %get3A_1152] {strides = array<i32>} : memref<64x128xf32, #tpu.memory_space<vmem>>, vector<16xf32>,
      %get3A_1154 = arith.index_cast %add3A_1115 : i32 to index
      %get3A_1155 = arith.constant 80 : index
      %get3A_1156 = tpu.vector_load %arg11[%get3A_1154, %get3A_1155] {strides = array<i32>} : memref<64x128xf32, #tpu.memory_space<vmem>>, vector<16xf32>,
      %mul3A_1157 = arith.mulf %get3A_1153, %get3A_1156 : vector<16xf32>
      %get3A_1158 = arith.index_cast %add3A_1115 : i32 to index
      %get3A_1159 = arith.constant 96 : index
      %get3A_1160 = tpu.vector_load %arg10[%get3A_1158, %get3A_1159] {strides = array<i32>} : memref<64x128xf32, #tpu.memory_space<vmem>>, vector<16xf32>,
      %get3A_1161 = arith.index_cast %add3A_1115 : i32 to index
      %get3A_1162 = arith.constant 96 : index
      %get3A_1163 = tpu.vector_load %arg11[%get3A_1161, %get3A_1162] {strides = array<i32>} : memref<64x128xf32, #tpu.memory_space<vmem>>, vector<16xf32>,
      %mul3A_1164 = arith.mulf %get3A_1160, %get3A_1163 : vector<16xf32>
      %get3A_1165 = arith.index_cast %add3A_1115 : i32 to index
      %get3A_1166 = arith.constant 112 : index
      %get3A_1167 = tpu.vector_load %arg10[%get3A_1165, %get3A_1166] {strides = array<i32>} : memref<64x128xf32, #tpu.memory_space<vmem>>, vector<16xf32>,
      %get3A_1168 = arith.index_cast %add3A_1115 : i32 to index
      %get3A_1169 = arith.constant 112 : index
      %get3A_1170 = tpu.vector_load %arg11[%get3A_1168, %get3A_1169] {strides = array<i32>} : memref<64x128xf32, #tpu.memory_space<vmem>>, vector<16xf32>,
      %mul3A_1171 = arith.mulf %get3A_1167, %get3A_1170 : vector<16xf32>
      %add3A_1172 = arith.addf %mul3A_1122, %mul3A_1129 : vector<16xf32>
      %add3A_1173 = arith.addf %mul3A_1136, %mul3A_1143 : vector<16xf32>
      %add3A_1174 = arith.addf %add3A_1172, %add3A_1173 : vector<16xf32>
      %add3A_1175 = arith.addf %mul3A_1150, %mul3A_1157 : vector<16xf32>
      %add3A_1176 = arith.addf %mul3A_1164, %mul3A_1171 : vector<16xf32>
      %add3A_1177 = arith.addf %add3A_1175, %add3A_1176 : vector<16xf32>
      %add3A_1178 = arith.addf %add3A_1174, %add3A_1177 : vector<16xf32>
      %eq3A_1179 = arith.constant 13 : i32
      %eq3A_1180 = vector.broadcast %eq3A_1179 : i32 to vector<16xi32>
      %eq3A_1181 = arith.cmpi eq, %iota3A, %eq3A_1180 : vector<16xi32>
      %reduce_sum3A_1182 = arith.constant true
      %reduce_sum3A_1183 = vector.broadcast %reduce_sum3A_1182 : i1 to vector<16xi1>
      %reduce_sum3A_1184 = tpu.scan <sum>, %add3A_1178 masked %reduce_sum3A_1183 : vector<16xf32>, vector<16xi1> -> vector<16xf32>
      %reduce_sum3A_1185 = vector.extract %reduce_sum3A_1184[15] : f32 from vector<16xf32>
      %broadcast_in_dim3A_1186 = vector.broadcast %reduce_sum3A_1185 : f32 to vector<16xf32>
      %select_n3A_1187 = arith.select %eq3A_1181, %broadcast_in_dim3A_1186, %select_n3A_1111 : vector<16xi1>, vector<16xf32>
      %add3A_1188 = arith.constant 0 : i32
      %add3A_1189 = arith.addi %mul3A_123, %add3A_1188 : i32
      %add3A_1190 = arith.constant 14 : i32
      %add3A_1191 = arith.addi %add3A_1189, %add3A_1190 : i32
      %get3A_1192 = arith.index_cast %add3A_1191 : i32 to index
      %get3A_1193 = arith.constant 0 : index
      %get3A_1194 = tpu.vector_load %arg10[%get3A_1192, %get3A_1193] {strides = array<i32>} : memref<64x128xf32, #tpu.memory_space<vmem>>, vector<16xf32>,
      %get3A_1195 = arith.index_cast %add3A_1191 : i32 to index
      %get3A_1196 = arith.constant 0 : index
      %get3A_1197 = tpu.vector_load %arg11[%get3A_1195, %get3A_1196] {strides = array<i32>} : memref<64x128xf32, #tpu.memory_space<vmem>>, vector<16xf32>,
      %mul3A_1198 = arith.mulf %get3A_1194, %get3A_1197 : vector<16xf32>
      %get3A_1199 = arith.index_cast %add3A_1191 : i32 to index
      %get3A_1200 = arith.constant 16 : index
      %get3A_1201 = tpu.vector_load %arg10[%get3A_1199, %get3A_1200] {strides = array<i32>} : memref<64x128xf32, #tpu.memory_space<vmem>>, vector<16xf32>,
      %get3A_1202 = arith.index_cast %add3A_1191 : i32 to index
      %get3A_1203 = arith.constant 16 : index
      %get3A_1204 = tpu.vector_load %arg11[%get3A_1202, %get3A_1203] {strides = array<i32>} : memref<64x128xf32, #tpu.memory_space<vmem>>, vector<16xf32>,
      %mul3A_1205 = arith.mulf %get3A_1201, %get3A_1204 : vector<16xf32>
      %get3A_1206 = arith.index_cast %add3A_1191 : i32 to index
      %get3A_1207 = arith.constant 32 : index
      %get3A_1208 = tpu.vector_load %arg10[%get3A_1206, %get3A_1207] {strides = array<i32>} : memref<64x128xf32, #tpu.memory_space<vmem>>, vector<16xf32>,
      %get3A_1209 = arith.index_cast %add3A_1191 : i32 to index
      %get3A_1210 = arith.constant 32 : index
      %get3A_1211 = tpu.vector_load %arg11[%get3A_1209, %get3A_1210] {strides = array<i32>} : memref<64x128xf32, #tpu.memory_space<vmem>>, vector<16xf32>,
      %mul3A_1212 = arith.mulf %get3A_1208, %get3A_1211 : vector<16xf32>
      %get3A_1213 = arith.index_cast %add3A_1191 : i32 to index
      %get3A_1214 = arith.constant 48 : index
      %get3A_1215 = tpu.vector_load %arg10[%get3A_1213, %get3A_1214] {strides = array<i32>} : memref<64x128xf32, #tpu.memory_space<vmem>>, vector<16xf32>,
      %get3A_1216 = arith.index_cast %add3A_1191 : i32 to index
      %get3A_1217 = arith.constant 48 : index
      %get3A_1218 = tpu.vector_load %arg11[%get3A_1216, %get3A_1217] {strides = array<i32>} : memref<64x128xf32, #tpu.memory_space<vmem>>, vector<16xf32>,
      %mul3A_1219 = arith.mulf %get3A_1215, %get3A_1218 : vector<16xf32>
      %get3A_1220 = arith.index_cast %add3A_1191 : i32 to index
      %get3A_1221 = arith.constant 64 : index
      %get3A_1222 = tpu.vector_load %arg10[%get3A_1220, %get3A_1221] {strides = array<i32>} : memref<64x128xf32, #tpu.memory_space<vmem>>, vector<16xf32>,
      %get3A_1223 = arith.index_cast %add3A_1191 : i32 to index
      %get3A_1224 = arith.constant 64 : index
      %get3A_1225 = tpu.vector_load %arg11[%get3A_1223, %get3A_1224] {strides = array<i32>} : memref<64x128xf32, #tpu.memory_space<vmem>>, vector<16xf32>,
      %mul3A_1226 = arith.mulf %get3A_1222, %get3A_1225 : vector<16xf32>
      %get3A_1227 = arith.index_cast %add3A_1191 : i32 to index
      %get3A_1228 = arith.constant 80 : index
      %get3A_1229 = tpu.vector_load %arg10[%get3A_1227, %get3A_1228] {strides = array<i32>} : memref<64x128xf32, #tpu.memory_space<vmem>>, vector<16xf32>,
      %get3A_1230 = arith.index_cast %add3A_1191 : i32 to index
      %get3A_1231 = arith.constant 80 : index
      %get3A_1232 = tpu.vector_load %arg11[%get3A_1230, %get3A_1231] {strides = array<i32>} : memref<64x128xf32, #tpu.memory_space<vmem>>, vector<16xf32>,
      %mul3A_1233 = arith.mulf %get3A_1229, %get3A_1232 : vector<16xf32>
      %get3A_1234 = arith.index_cast %add3A_1191 : i32 to index
      %get3A_1235 = arith.constant 96 : index
      %get3A_1236 = tpu.vector_load %arg10[%get3A_1234, %get3A_1235] {strides = array<i32>} : memref<64x128xf32, #tpu.memory_space<vmem>>, vector<16xf32>,
      %get3A_1237 = arith.index_cast %add3A_1191 : i32 to index
      %get3A_1238 = arith.constant 96 : index
      %get3A_1239 = tpu.vector_load %arg11[%get3A_1237, %get3A_1238] {strides = array<i32>} : memref<64x128xf32, #tpu.memory_space<vmem>>, vector<16xf32>,
      %mul3A_1240 = arith.mulf %get3A_1236, %get3A_1239 : vector<16xf32>
      %get3A_1241 = arith.index_cast %add3A_1191 : i32 to index
      %get3A_1242 = arith.constant 112 : index
      %get3A_1243 = tpu.vector_load %arg10[%get3A_1241, %get3A_1242] {strides = array<i32>} : memref<64x128xf32, #tpu.memory_space<vmem>>, vector<16xf32>,
      %get3A_1244 = arith.index_cast %add3A_1191 : i32 to index
      %get3A_1245 = arith.constant 112 : index
      %get3A_1246 = tpu.vector_load %arg11[%get3A_1244, %get3A_1245] {strides = array<i32>} : memref<64x128xf32, #tpu.memory_space<vmem>>, vector<16xf32>,
      %mul3A_1247 = arith.mulf %get3A_1243, %get3A_1246 : vector<16xf32>
      %add3A_1248 = arith.addf %mul3A_1198, %mul3A_1205 : vector<16xf32>
      %add3A_1249 = arith.addf %mul3A_1212, %mul3A_1219 : vector<16xf32>
      %add3A_1250 = arith.addf %add3A_1248, %add3A_1249 : vector<16xf32>
      %add3A_1251 = arith.addf %mul3A_1226, %mul3A_1233 : vector<16xf32>
      %add3A_1252 = arith.addf %mul3A_1240, %mul3A_1247 : vector<16xf32>
      %add3A_1253 = arith.addf %add3A_1251, %add3A_1252 : vector<16xf32>
      %add3A_1254 = arith.addf %add3A_1250, %add3A_1253 : vector<16xf32>
      %eq3A_1255 = arith.constant 14 : i32
      %eq3A_1256 = vector.broadcast %eq3A_1255 : i32 to vector<16xi32>
      %eq3A_1257 = arith.cmpi eq, %iota3A, %eq3A_1256 : vector<16xi32>
      %reduce_sum3A_1258 = arith.constant true
      %reduce_sum3A_1259 = vector.broadcast %reduce_sum3A_1258 : i1 to vector<16xi1>
      %reduce_sum3A_1260 = tpu.scan <sum>, %add3A_1254 masked %reduce_sum3A_1259 : vector<16xf32>, vector<16xi1> -> vector<16xf32>
      %reduce_sum3A_1261 = vector.extract %reduce_sum3A_1260[15] : f32 from vector<16xf32>
      %broadcast_in_dim3A_1262 = vector.broadcast %reduce_sum3A_1261 : f32 to vector<16xf32>
      %select_n3A_1263 = arith.select %eq3A_1257, %broadcast_in_dim3A_1262, %select_n3A_1187 : vector<16xi1>, vector<16xf32>
      %add3A_1264 = arith.constant 0 : i32
      %add3A_1265 = arith.addi %mul3A_123, %add3A_1264 : i32
      %add3A_1266 = arith.constant 15 : i32
      %add3A_1267 = arith.addi %add3A_1265, %add3A_1266 : i32
      %get3A_1268 = arith.index_cast %add3A_1267 : i32 to index
      %get3A_1269 = arith.constant 0 : index
      %get3A_1270 = tpu.vector_load %arg10[%get3A_1268, %get3A_1269] {strides = array<i32>} : memref<64x128xf32, #tpu.memory_space<vmem>>, vector<16xf32>,
      %get3A_1271 = arith.index_cast %add3A_1267 : i32 to index
      %get3A_1272 = arith.constant 0 : index
      %get3A_1273 = tpu.vector_load %arg11[%get3A_1271, %get3A_1272] {strides = array<i32>} : memref<64x128xf32, #tpu.memory_space<vmem>>, vector<16xf32>,
      %mul3A_1274 = arith.mulf %get3A_1270, %get3A_1273 : vector<16xf32>
      %get3A_1275 = arith.index_cast %add3A_1267 : i32 to index
      %get3A_1276 = arith.constant 16 : index
      %get3A_1277 = tpu.vector_load %arg10[%get3A_1275, %get3A_1276] {strides = array<i32>} : memref<64x128xf32, #tpu.memory_space<vmem>>, vector<16xf32>,
      %get3A_1278 = arith.index_cast %add3A_1267 : i32 to index
      %get3A_1279 = arith.constant 16 : index
      %get3A_1280 = tpu.vector_load %arg11[%get3A_1278, %get3A_1279] {strides = array<i32>} : memref<64x128xf32, #tpu.memory_space<vmem>>, vector<16xf32>,
      %mul3A_1281 = arith.mulf %get3A_1277, %get3A_1280 : vector<16xf32>
      %get3A_1282 = arith.index_cast %add3A_1267 : i32 to index
      %get3A_1283 = arith.constant 32 : index
      %get3A_1284 = tpu.vector_load %arg10[%get3A_1282, %get3A_1283] {strides = array<i32>} : memref<64x128xf32, #tpu.memory_space<vmem>>, vector<16xf32>,
      %get3A_1285 = arith.index_cast %add3A_1267 : i32 to index
      %get3A_1286 = arith.constant 32 : index
      %get3A_1287 = tpu.vector_load %arg11[%get3A_1285, %get3A_1286] {strides = array<i32>} : memref<64x128xf32, #tpu.memory_space<vmem>>, vector<16xf32>,
      %mul3A_1288 = arith.mulf %get3A_1284, %get3A_1287 : vector<16xf32>
      %get3A_1289 = arith.index_cast %add3A_1267 : i32 to index
      %get3A_1290 = arith.constant 48 : index
      %get3A_1291 = tpu.vector_load %arg10[%get3A_1289, %get3A_1290] {strides = array<i32>} : memref<64x128xf32, #tpu.memory_space<vmem>>, vector<16xf32>,
      %get3A_1292 = arith.index_cast %add3A_1267 : i32 to index
      %get3A_1293 = arith.constant 48 : index
      %get3A_1294 = tpu.vector_load %arg11[%get3A_1292, %get3A_1293] {strides = array<i32>} : memref<64x128xf32, #tpu.memory_space<vmem>>, vector<16xf32>,
      %mul3A_1295 = arith.mulf %get3A_1291, %get3A_1294 : vector<16xf32>
      %get3A_1296 = arith.index_cast %add3A_1267 : i32 to index
      %get3A_1297 = arith.constant 64 : index
      %get3A_1298 = tpu.vector_load %arg10[%get3A_1296, %get3A_1297] {strides = array<i32>} : memref<64x128xf32, #tpu.memory_space<vmem>>, vector<16xf32>,
      %get3A_1299 = arith.index_cast %add3A_1267 : i32 to index
      %get3A_1300 = arith.constant 64 : index
      %get3A_1301 = tpu.vector_load %arg11[%get3A_1299, %get3A_1300] {strides = array<i32>} : memref<64x128xf32, #tpu.memory_space<vmem>>, vector<16xf32>,
      %mul3A_1302 = arith.mulf %get3A_1298, %get3A_1301 : vector<16xf32>
      %get3A_1303 = arith.index_cast %add3A_1267 : i32 to index
      %get3A_1304 = arith.constant 80 : index
      %get3A_1305 = tpu.vector_load %arg10[%get3A_1303, %get3A_1304] {strides = array<i32>} : memref<64x128xf32, #tpu.memory_space<vmem>>, vector<16xf32>,
      %get3A_1306 = arith.index_cast %add3A_1267 : i32 to index
      %get3A_1307 = arith.constant 80 : index
      %get3A_1308 = tpu.vector_load %arg11[%get3A_1306, %get3A_1307] {strides = array<i32>} : memref<64x128xf32, #tpu.memory_space<vmem>>, vector<16xf32>,
      %mul3A_1309 = arith.mulf %get3A_1305, %get3A_1308 : vector<16xf32>
      %get3A_1310 = arith.index_cast %add3A_1267 : i32 to index
      %get3A_1311 = arith.constant 96 : index
      %get3A_1312 = tpu.vector_load %arg10[%get3A_1310, %get3A_1311] {strides = array<i32>} : memref<64x128xf32, #tpu.memory_space<vmem>>, vector<16xf32>,
      %get3A_1313 = arith.index_cast %add3A_1267 : i32 to index
      %get3A_1314 = arith.constant 96 : index
      %get3A_1315 = tpu.vector_load %arg11[%get3A_1313, %get3A_1314] {strides = array<i32>} : memref<64x128xf32, #tpu.memory_space<vmem>>, vector<16xf32>,
      %mul3A_1316 = arith.mulf %get3A_1312, %get3A_1315 : vector<16xf32>
      %get3A_1317 = arith.index_cast %add3A_1267 : i32 to index
      %get3A_1318 = arith.constant 112 : index
      %get3A_1319 = tpu.vector_load %arg10[%get3A_1317, %get3A_1318] {strides = array<i32>} : memref<64x128xf32, #tpu.memory_space<vmem>>, vector<16xf32>,
      %get3A_1320 = arith.index_cast %add3A_1267 : i32 to index
      %get3A_1321 = arith.constant 112 : index
      %get3A_1322 = tpu.vector_load %arg11[%get3A_1320, %get3A_1321] {strides = array<i32>} : memref<64x128xf32, #tpu.memory_space<vmem>>, vector<16xf32>,
      %mul3A_1323 = arith.mulf %get3A_1319, %get3A_1322 : vector<16xf32>
      %add3A_1324 = arith.addf %mul3A_1274, %mul3A_1281 : vector<16xf32>
      %add3A_1325 = arith.addf %mul3A_1288, %mul3A_1295 : vector<16xf32>
      %add3A_1326 = arith.addf %add3A_1324, %add3A_1325 : vector<16xf32>
      %add3A_1327 = arith.addf %mul3A_1302, %mul3A_1309 : vector<16xf32>
      %add3A_1328 = arith.addf %mul3A_1316, %mul3A_1323 : vector<16xf32>
      %add3A_1329 = arith.addf %add3A_1327, %add3A_1328 : vector<16xf32>
      %add3A_1330 = arith.addf %add3A_1326, %add3A_1329 : vector<16xf32>
      %eq3A_1331 = arith.constant 15 : i32
      %eq3A_1332 = vector.broadcast %eq3A_1331 : i32 to vector<16xi32>
      %eq3A_1333 = arith.cmpi eq, %iota3A, %eq3A_1332 : vector<16xi32>
      %reduce_sum3A_1334 = arith.constant true
      %reduce_sum3A_1335 = vector.broadcast %reduce_sum3A_1334 : i1 to vector<16xi1>
      %reduce_sum3A_1336 = tpu.scan <sum>, %add3A_1330 masked %reduce_sum3A_1335 : vector<16xf32>, vector<16xi1> -> vector<16xf32>
      %reduce_sum3A_1337 = vector.extract %reduce_sum3A_1336[15] : f32 from vector<16xf32>
      %broadcast_in_dim3A_1338 = vector.broadcast %reduce_sum3A_1337 : f32 to vector<16xf32>
      %select_n3A_1339 = arith.select %eq3A_1333, %broadcast_in_dim3A_1338, %select_n3A_1263 : vector<16xi1>, vector<16xf32>
      %mul3A_1340 = arith.constant 16 : i32
      %mul3A_1341 = arith.muli %select_n3A_94, %mul3A_1340 : i32
      %add3A_1342 = arith.constant 0 : i32
      %add3A_1343 = arith.addi %mul3A_1341, %add3A_1342 : i32
      %swap3A = arith.index_cast %add3A_1343 : i32 to index
      %swap3A_1344 = tpu.vector_load %arg12[%swap3A] {strides = array<i32>} : memref<64xf32, #tpu.memory_space<vmem>>, vector<16xf32>,
      tpu.vector_store %arg12[%swap3A], %select_n3A_1339 {strides = array<i32>} : memref<64xf32, #tpu.memory_space<vmem>>, vector<16xf32>,
      %mul3A_1345 = arith.constant 16 : i32
      %mul3A_1346 = arith.muli %scan3A_85, %mul3A_1345 : i32
      %add3A_1347 = arith.constant 0 : i32
      %add3A_1348 = arith.addi %mul3A_1346, %add3A_1347 : i32
      %get3A_1349 = arith.index_cast %add3A_1348 : i32 to index
      %get3A_1350 = tpu.vector_load %arg8[%get3A_1349] {strides = array<i32>} : memref<10000xi32, #tpu.memory_space<vmem>>, vector<16xi32>,
      %broadcast_in_dim3A_1351 = arith.constant true
      %broadcast_in_dim3A_1352 = vector.broadcast %broadcast_in_dim3A_1351 : i1 to vector<16xi1>
      %while3A = scf.while (%while3A_1362 = %broadcast_in_dim3A_1352) : (vector<16xi1>) -> vector<16xi1> {
        %reduce_or3A = arith.constant 1.000000e+00 : f32
        %reduce_or3A_1363 = arith.constant 0.000000e+00 : f32
        %reduce_or3A_1364 = vector.broadcast %reduce_or3A : f32 to vector<16xf32>
        %reduce_or3A_1365 = vector.broadcast %reduce_or3A_1363 : f32 to vector<16xf32>
        %reduce_or3A_1366 = arith.select %while3A_1362, %reduce_or3A_1364, %reduce_or3A_1365 : vector<16xi1>, vector<16xf32>
        %reduce_or3A_1367 = arith.constant true
        %reduce_or3A_1368 = vector.broadcast %reduce_or3A_1367 : i1 to vector<16xi1>
        %reduce_or3A_1369 = tpu.scan <max>, %reduce_or3A_1366 masked %reduce_or3A_1368 : vector<16xf32>, vector<16xi1> -> vector<16xf32>
        %reduce_or3A_1370 = vector.extract %reduce_or3A_1369[15] : f32 from vector<16xf32>
        %reduce_or3A_1371 = arith.constant 0.000000e+00 : f32
        %reduce_or3A_1372 = arith.cmpf ogt, %reduce_or3A_1370, %reduce_or3A_1371 : f32
        scf.condition(%reduce_or3A_1372) %while3A_1362 : vector<16xi1>
      } do {
      ^bb0(%while3A_1362: vector<16xi1>):
        %gather3A = tpu.vector_load_idx %arg13[%get3A_1350] : memref<10000xf32, #tpu.memory_space<vmem>>[vector<16xi32>], vector<16xf32>,
        %max3A = arith.maximumf %gather3A, %select_n3A_1339 : vector<16xf32>
        tpu.vector_store_idx %arg13[%get3A_1350], %max3A masked %while3A_1362 : memref<10000xf32, #tpu.memory_space<vmem>>[vector<16xi32>], vector<16xf32>, vector<16xi1>
        %gather3A_1363 = tpu.vector_load_idx %arg13[%get3A_1350] : memref<10000xf32, #tpu.memory_space<vmem>>[vector<16xi32>], vector<16xf32>,
        %lt3A_1364 = arith.cmpf olt, %gather3A_1363, %max3A : vector<16xf32>
        scf.yield %lt3A_1364 : vector<16xi1>
      }
      %mul3A_1353 = arith.constant 16 : i32
      %mul3A_1354 = arith.muli %select_n3A_94, %mul3A_1353 : i32
      %mul3A_1355 = arith.constant 16 : i32
      %mul3A_1356 = arith.muli %scan3A_85, %mul3A_1355 : i32
      %add3A_1357 = arith.addi %mul3A_2, %mul3A_1356 : i32
      %dma_start3A_1358 = tpu.memref_slice %arg12[%mul3A_1354] : memref<64xf32, #tpu.memory_space<vmem>> -> memref<16xf32, #tpu.memory_space<vmem>>
      %dma_start3A_1359 = tpu.memref_slice %arg6[%add3A_1357] : memref<320000xf32, #tpu.memory_space<hbm>> -> memref<16xf32, #tpu.memory_space<hbm>>
      %dma_start3A_1360 = tpu.memref_slice %arg6[%add3A_1357] : memref<320000xf32, #tpu.memory_space<hbm>> -> memref<16xf32, #tpu.memory_space<hbm>>
      %dma_start3A_1361 = tpu.memref_slice %arg12[%mul3A_1354] : memref<64xf32, #tpu.memory_space<vmem>> -> memref<16xf32, #tpu.memory_space<vmem>>
      tpu.enqueue_dma source(%dma_start3A_1361 : memref<16xf32, #tpu.memory_space<vmem>>) target(%dma_start3A_1360 : memref<16xf32, #tpu.memory_space<hbm>>) target_semaphore(%arg16 : memref<!tpu.dma_semaphore, #tpu.memory_space<semaphore_mem>>)
    }
    %scan3A_61 = arith.constant 625 : i32
    %dma_wait3A = arith.constant 0 : i32
    %dma_wait3A_62 = tpu.memref_slice %arg12[%dma_wait3A] : memref<64xf32, #tpu.memory_space<vmem>> -> memref<16xf32, #tpu.memory_space<vmem>>
    %dma_wait3A_63 = tpu.memref_slice %arg6[%mul3A_2] : memref<320000xf32, #tpu.memory_space<hbm>> -> memref<16xf32, #tpu.memory_space<hbm>>
    %dma_wait3A_64 = tpu.memref_slice %arg6[%mul3A_2] : memref<320000xf32, #tpu.memory_space<hbm>> -> memref<16xf32, #tpu.memory_space<hbm>>
    %dma_wait3A_65 = arith.constant 0 : i32
    %dma_wait3A_66 = tpu.memref_slice %arg12[%dma_wait3A_65] : memref<64xf32, #tpu.memory_space<vmem>> -> memref<16xf32, #tpu.memory_space<vmem>>
    tpu.wait_dma2 semaphore(%arg16 : memref<!tpu.dma_semaphore, #tpu.memory_space<semaphore_mem>>) src(%dma_wait3A_66 : memref<16xf32, #tpu.memory_space<vmem>>) dst(%dma_wait3A_64 : memref<16xf32, #tpu.memory_space<hbm>>)
    %dma_wait3A_67 = arith.constant 0 : i32
    %dma_wait3A_68 = tpu.memref_slice %arg12[%dma_wait3A_67] : memref<64xf32, #tpu.memory_space<vmem>> -> memref<16xf32, #tpu.memory_space<vmem>>
    %dma_wait3A_69 = tpu.memref_slice %arg6[%mul3A_2] : memref<320000xf32, #tpu.memory_space<hbm>> -> memref<16xf32, #tpu.memory_space<hbm>>
    %dma_wait3A_70 = tpu.memref_slice %arg6[%mul3A_2] : memref<320000xf32, #tpu.memory_space<hbm>> -> memref<16xf32, #tpu.memory_space<hbm>>
    %dma_wait3A_71 = arith.constant 0 : i32
    %dma_wait3A_72 = tpu.memref_slice %arg12[%dma_wait3A_71] : memref<64xf32, #tpu.memory_space<vmem>> -> memref<16xf32, #tpu.memory_space<vmem>>
    tpu.wait_dma2 semaphore(%arg16 : memref<!tpu.dma_semaphore, #tpu.memory_space<semaphore_mem>>) src(%dma_wait3A_72 : memref<16xf32, #tpu.memory_space<vmem>>) dst(%dma_wait3A_70 : memref<16xf32, #tpu.memory_space<hbm>>)
    %dma_wait3A_73 = arith.constant 0 : i32
    %dma_wait3A_74 = tpu.memref_slice %arg12[%dma_wait3A_73] : memref<64xf32, #tpu.memory_space<vmem>> -> memref<16xf32, #tpu.memory_space<vmem>>
    %dma_wait3A_75 = tpu.memref_slice %arg6[%mul3A_2] : memref<320000xf32, #tpu.memory_space<hbm>> -> memref<16xf32, #tpu.memory_space<hbm>>
    %dma_wait3A_76 = tpu.memref_slice %arg6[%mul3A_2] : memref<320000xf32, #tpu.memory_space<hbm>> -> memref<16xf32, #tpu.memory_space<hbm>>
    %dma_wait3A_77 = arith.constant 0 : i32
    %dma_wait3A_78 = tpu.memref_slice %arg12[%dma_wait3A_77] : memref<64xf32, #tpu.memory_space<vmem>> -> memref<16xf32, #tpu.memory_space<vmem>>
    tpu.wait_dma2 semaphore(%arg16 : memref<!tpu.dma_semaphore, #tpu.memory_space<semaphore_mem>>) src(%dma_wait3A_78 : memref<16xf32, #tpu.memory_space<vmem>>) dst(%dma_wait3A_76 : memref<16xf32, #tpu.memory_space<hbm>>)
    %dma_wait3A_79 = arith.constant 0 : i32
    %dma_wait3A_80 = tpu.memref_slice %arg12[%dma_wait3A_79] : memref<64xf32, #tpu.memory_space<vmem>> -> memref<16xf32, #tpu.memory_space<vmem>>
    %dma_wait3A_81 = tpu.memref_slice %arg6[%mul3A_2] : memref<320000xf32, #tpu.memory_space<hbm>> -> memref<16xf32, #tpu.memory_space<hbm>>
    %dma_wait3A_82 = tpu.memref_slice %arg6[%mul3A_2] : memref<320000xf32, #tpu.memory_space<hbm>> -> memref<16xf32, #tpu.memory_space<hbm>>
    %dma_wait3A_83 = arith.constant 0 : i32
    %dma_wait3A_84 = tpu.memref_slice %arg12[%dma_wait3A_83] : memref<64xf32, #tpu.memory_space<vmem>> -> memref<16xf32, #tpu.memory_space<vmem>>
    tpu.wait_dma2 semaphore(%arg16 : memref<!tpu.dma_semaphore, #tpu.memory_space<semaphore_mem>>) src(%dma_wait3A_84 : memref<16xf32, #tpu.memory_space<vmem>>) dst(%dma_wait3A_82 : memref<16xf32, #tpu.memory_space<hbm>>)
    "tpu.region"() ({
      %run_scoped3A = tpu.sem_alloc : memref<!tpu.dma_semaphore, #tpu.memory_space<semaphore_mem>>
      %dma_start3A_85 = arith.constant 0 : i32
      %dma_start3A_86 = tpu.memref_slice %arg7[%add3A, %dma_start3A_85] : memref<32x10000xf32, #tpu.memory_space<hbm>> -> memref<1x10000xf32, #tpu.memory_space<hbm>>
      %dma_start3A_87 = tpu.memref_squeeze %dma_start3A_86 : memref<1x10000xf32, #tpu.memory_space<hbm>> -> memref<10000xf32, #tpu.memory_space<hbm>>
      %dma_start3A_88 = arith.constant 0 : i32
      %dma_start3A_89 = tpu.memref_slice %arg7[%add3A, %dma_start3A_88] : memref<32x10000xf32, #tpu.memory_space<hbm>> -> memref<1x10000xf32, #tpu.memory_space<hbm>>
      %dma_start3A_90 = tpu.memref_squeeze %dma_start3A_89 : memref<1x10000xf32, #tpu.memory_space<hbm>> -> memref<10000xf32, #tpu.memory_space<hbm>>
      tpu.enqueue_dma source(%arg13 : memref<10000xf32, #tpu.memory_space<vmem>>) target(%dma_start3A_90 : memref<10000xf32, #tpu.memory_space<hbm>>) target_semaphore(%run_scoped3A : memref<!tpu.dma_semaphore, #tpu.memory_space<semaphore_mem>>)
      %dma_wait3A_91 = arith.constant 0 : i32
      %dma_wait3A_92 = tpu.memref_slice %arg7[%add3A, %dma_wait3A_91] : memref<32x10000xf32, #tpu.memory_space<hbm>> -> memref<1x10000xf32, #tpu.memory_space<hbm>>
      %dma_wait3A_93 = tpu.memref_squeeze %dma_wait3A_92 : memref<1x10000xf32, #tpu.memory_space<hbm>> -> memref<10000xf32, #tpu.memory_space<hbm>>
      %dma_wait3A_94 = arith.constant 0 : i32
      %dma_wait3A_95 = tpu.memref_slice %arg7[%add3A, %dma_wait3A_94] : memref<32x10000xf32, #tpu.memory_space<hbm>> -> memref<1x10000xf32, #tpu.memory_space<hbm>>
      %dma_wait3A_96 = tpu.memref_squeeze %dma_wait3A_95 : memref<1x10000xf32, #tpu.memory_space<hbm>> -> memref<10000xf32, #tpu.memory_space<hbm>>
      tpu.wait_dma2 semaphore(%run_scoped3A : memref<!tpu.dma_semaphore, #tpu.memory_space<semaphore_mem>>) src(%arg13 : memref<10000xf32, #tpu.memory_space<vmem>>) dst(%dma_wait3A_96 : memref<10000xf32, #tpu.memory_space<hbm>>)
      tpu.yield
    }) : () -> ()
    return
  }
}

module attributes {stable_mosaic.version = 14 : i64} {
  func.func @_colmax_body(%arg0: memref<32x10000xf32, #tpu.memory_space<vmem>>, %arg1: memref<1x10000xf32, #tpu.memory_space<vmem>>) attributes {dimension_semantics = [], scalar_prefetch = 0 : i64, scratch_operands = 0 : i64, tpu.core_type = #tpu.core_type<tc>} {
    %get3A = arith.constant 0 : index
    %get3A_0 = arith.constant 0 : index
    %get3A_1 = vector.load %arg0[%get3A, %get3A_0] : memref<32x10000xf32, #tpu.memory_space<vmem>>, vector<32x10000xf32>
    %reduce_max3A = arith.constant dense<0xFF800000> : vector<10000xf32>
    %reduce_max3A_2 = vector.multi_reduction <maximumf>, %get3A_1, %reduce_max3A [0] : vector<32x10000xf32> to vector<10000xf32>
    %broadcast_in_dim3A = vector.shape_cast %reduce_max3A_2 : vector<10000xf32> to vector<1x10000xf32>
    %swap3A = arith.constant 0 : index
    %swap3A_3 = arith.constant 0 : index
    %swap3A_4 = vector.load %arg1[%swap3A, %swap3A_3] : memref<1x10000xf32, #tpu.memory_space<vmem>>, vector<1x10000xf32>
    tpu.vector_store %arg1[%swap3A, %swap3A_3], %broadcast_in_dim3A {strides = array<i32>} : memref<1x10000xf32, #tpu.memory_space<vmem>>, vector<1x10000xf32>,
    return
  }
}

module attributes {stable_mosaic.version = 14 : i64} {
  func.func @_mm_body(%arg0: i32, %arg1: memref<2000x128xf32, #tpu.memory_space<vmem>>, %arg2: memref<128x128xf32, #tpu.memory_space<vmem>>, %arg3: memref<1x128xf32, #tpu.memory_space<vmem>>, %arg4: memref<128x128xf32, #tpu.memory_space<vmem>>, %arg5: memref<1x128xf32, #tpu.memory_space<vmem>>, %arg6: memref<2000x128xf32, #tpu.memory_space<vmem>>, %arg7: memref<2000x128xf32, #tpu.memory_space<vmem>>) attributes {dimension_semantics = [#tpu.dimension_semantics<arbitrary>], iteration_bounds = array<i64: 5>, scalar_prefetch = 0 : i64, scratch_operands = 0 : i64, tpu.core_type = #tpu.core_type<tc>, window_params = [{transform_indices = @transform_0, window_bounds = array<i64: 2000, 128>}, {pipeline_mode = #tpu.pipeline_mode<synchronous>, transform_indices = @transform_1, window_bounds = array<i64: 128, 128>}, {pipeline_mode = #tpu.pipeline_mode<synchronous>, transform_indices = @transform_2, window_bounds = array<i64: 1, 128>}, {pipeline_mode = #tpu.pipeline_mode<synchronous>, transform_indices = @transform_3, window_bounds = array<i64: 128, 128>}, {pipeline_mode = #tpu.pipeline_mode<synchronous>, transform_indices = @transform_4, window_bounds = array<i64: 1, 128>}, {transform_indices = @transform_5, window_bounds = array<i64: 2000, 128>}, {transform_indices = @transform_6, window_bounds = array<i64: 2000, 128>}]} {
    %get3A = arith.constant 0 : index
    %get3A_0 = arith.constant 0 : index
    %get3A_1 = vector.load %arg1[%get3A, %get3A_0] : memref<2000x128xf32, #tpu.memory_space<vmem>>, vector<2000x128xf32>
    %get3A_2 = arith.constant 0 : index
    %get3A_3 = arith.constant 0 : index
    %get3A_4 = vector.load %arg2[%get3A_2, %get3A_3] : memref<128x128xf32, #tpu.memory_space<vmem>>, vector<128x128xf32>
    %dot_general3A = arith.constant dense<0.000000e+00> : vector<2000x128xf32>
    %dot_general3A_5 = tpu.matmul %get3A_1, %get3A_4, %dot_general3A {dimension_numbers = #tpu.dot_dimension_numbers<[1], [1], [0], [0], [0, 0, 1, 0], [], []>, transpose_lhs_hint = false} : vector<2000x128xf32>, vector<128x128xf32>, vector<2000x128xf32> -> vector<2000x128xf32>
    %get3A_6 = arith.constant 0 : index
    %get3A_7 = arith.constant 0 : index
    %get3A_8 = vector.load %arg3[%get3A_6, %get3A_7] : memref<1x128xf32, #tpu.memory_space<vmem>>, vector<1x128xf32>
    %add3A = vector.broadcast %get3A_8 : vector<1x128xf32> to vector<2000x128xf32>
    %add3A_9 = arith.addf %dot_general3A_5, %add3A : vector<2000x128xf32>
    %swap3A = arith.constant 0 : index
    %swap3A_10 = arith.constant 0 : index
    %swap3A_11 = vector.load %arg6[%swap3A, %swap3A_10] : memref<2000x128xf32, #tpu.memory_space<vmem>>, vector<2000x128xf32>
    tpu.vector_store %arg6[%swap3A, %swap3A_10], %add3A_9 {strides = array<i32>} : memref<2000x128xf32, #tpu.memory_space<vmem>>, vector<2000x128xf32>,
    %get3A_12 = arith.constant 0 : index
    %get3A_13 = arith.constant 0 : index
    %get3A_14 = vector.load %arg4[%get3A_12, %get3A_13] : memref<128x128xf32, #tpu.memory_space<vmem>>, vector<128x128xf32>
    %dot_general3A_15 = arith.constant dense<0.000000e+00> : vector<2000x128xf32>
    %dot_general3A_16 = tpu.matmul %get3A_1, %get3A_14, %dot_general3A_15 {dimension_numbers = #tpu.dot_dimension_numbers<[1], [1], [0], [0], [0, 0, 1, 0], [], []>, transpose_lhs_hint = false} : vector<2000x128xf32>, vector<128x128xf32>, vector<2000x128xf32> -> vector<2000x128xf32>
    %get3A_17 = arith.constant 0 : index
    %get3A_18 = arith.constant 0 : index
    %get3A_19 = vector.load %arg5[%get3A_17, %get3A_18] : memref<1x128xf32, #tpu.memory_space<vmem>>, vector<1x128xf32>
    %add3A_20 = vector.broadcast %get3A_19 : vector<1x128xf32> to vector<2000x128xf32>
    %add3A_21 = arith.addf %dot_general3A_16, %add3A_20 : vector<2000x128xf32>
    %swap3A_22 = arith.constant 0 : index
    %swap3A_23 = arith.constant 0 : index
    %swap3A_24 = vector.load %arg7[%swap3A_22, %swap3A_23] : memref<2000x128xf32, #tpu.memory_space<vmem>>, vector<2000x128xf32>
    tpu.vector_store %arg7[%swap3A_22, %swap3A_23], %add3A_21 {strides = array<i32>} : memref<2000x128xf32, #tpu.memory_space<vmem>>, vector<2000x128xf32>,
    return
  }
  func.func @transform_0(%arg0: i32) -> (i32, i32) {
    %c0_i32 = arith.constant 0 : i32
    %c0_i32_0 = arith.constant 0 : i32
    return %arg0, %c0_i32 : i32, i32
  }
  func.func @transform_1(%arg0: i32) -> (i32, i32) {
    %c0_i32 = arith.constant 0 : i32
    %c0_i32_0 = arith.constant 0 : i32
    %c0_i32_1 = arith.constant 0 : i32
    return %c0_i32, %c0_i32_0 : i32, i32
  }
  func.func @transform_2(%arg0: i32) -> (i32, i32) {
    %c0_i32 = arith.constant 0 : i32
    %c0_i32_0 = arith.constant 0 : i32
    %c0_i32_1 = arith.constant 0 : i32
    return %c0_i32, %c0_i32_0 : i32, i32
  }
  func.func @transform_3(%arg0: i32) -> (i32, i32) {
    %c0_i32 = arith.constant 0 : i32
    %c0_i32_0 = arith.constant 0 : i32
    %c0_i32_1 = arith.constant 0 : i32
    return %c0_i32, %c0_i32_0 : i32, i32
  }
  func.func @transform_4(%arg0: i32) -> (i32, i32) {
    %c0_i32 = arith.constant 0 : i32
    %c0_i32_0 = arith.constant 0 : i32
    %c0_i32_1 = arith.constant 0 : i32
    return %c0_i32, %c0_i32_0 : i32, i32
  }
  func.func @transform_5(%arg0: i32) -> (i32, i32) {
    %c0_i32 = arith.constant 0 : i32
    %c0_i32_0 = arith.constant 0 : i32
    return %arg0, %c0_i32 : i32, i32
  }
  func.func @transform_6(%arg0: i32) -> (i32, i32) {
    %c0_i32 = arith.constant 0 : i32
    %c0_i32_0 = arith.constant 0 : i32
    return %arg0, %c0_i32 : i32, i32
  }
}

module attributes {stable_mosaic.version = 14 : i64} {
  func.func @_logsum_body(%arg0: memref<32x10000xf32, #tpu.memory_space<vmem>>, %arg1: memref<1x10000xf32, #tpu.memory_space<vmem>>) attributes {dimension_semantics = [], scalar_prefetch = 0 : i64, scratch_operands = 0 : i64, tpu.core_type = #tpu.core_type<tc>} {
    %get3A = arith.constant 0 : index
    %get3A_0 = arith.constant 0 : index
    %get3A_1 = vector.load %arg0[%get3A, %get3A_0] : memref<32x10000xf32, #tpu.memory_space<vmem>>, vector<32x10000xf32>
    %reduce_sum3A = arith.constant dense<0.000000e+00> : vector<10000xf32>
    %reduce_sum3A_2 = vector.multi_reduction <add>, %get3A_1, %reduce_sum3A [0] : vector<32x10000xf32> to vector<10000xf32>
    %broadcast_in_dim3A = vector.shape_cast %reduce_sum3A_2 : vector<10000xf32> to vector<1x10000xf32>
    %log3A = math.log %broadcast_in_dim3A : vector<1x10000xf32>
    %swap3A = arith.constant 0 : index
    %swap3A_3 = arith.constant 0 : index
    %swap3A_4 = vector.load %arg1[%swap3A, %swap3A_3] : memref<1x10000xf32, #tpu.memory_space<vmem>>, vector<1x10000xf32>
    tpu.vector_store %arg1[%swap3A, %swap3A_3], %log3A {strides = array<i32>} : memref<1x10000xf32, #tpu.memory_space<vmem>>, vector<1x10000xf32>,
    return
  }
}

</mosaic_0001>

<sc_bundles>
// kernel: kernel.11.cloned.1.call-start
scs
__scs_entry_jumppad:
0x0: {  	(pc) =	sbr.rel $0x88, $3  }
0x1: {  	(tag) =	ssettag $0x0;
	lr =	simm.s32 $0x1  }
0x2: {  	[smem:$0x3F9B] =	sst lr;
	_ =	strace $0xD0000000  }
0x3: {  	_ = 	snop  }
0x4: {  	_ = 	snop  }
0x5: {  	_ = 	snop  }
0x6: {  	_ = 	snop  }
0x7: {  	_ = 	snop  }
__scs_overlays_trampoline_lowered:
0x8: {  	[smem:$0x3FAA] =	sst s0  }
0x9: {  	[smem:$0x3FAB] =	sst s1  }
0xa: {  	[smem:$0x3FAC] =	sst s2  }
0xb: {  	[smem:$0x3FAD] =	sst s3  }
0xc: {  	[smem:$0x3FAE] =	sst s4  }
0xd: {  	[smem:$0x3FAF] =	sst s5  }
0xe: {  	[smem:$0x3FB0] =	sst s6  }
0xf: {  	[smem:$0x3FB1] =	sst s7  }
0x10: {  	[smem:$0x3FB2] =	sst s8  }
0x11: {  	[smem:$0x3FB3] =	sst s9;
	s0 =	simm.s32 @!p0 $0x0  }
0x12: {  	s1 =	sld [smem:$0x3F99];
	s0 =	simm.s32 @p0 $0x1  }
0x13: {  	[smem:$0x3FB4] =	sst s0;
	s0 =	simm.s32 @!p1 $0x0  }
0x14: {  	s2 =	sld [smem:$0x3F98];
	s0 =	simm.s32 @p1 $0x1  }
0x15: {  	[smem:$0x3FB5] =	sst s0;
	s0 =	simm.s32 @!p2 $0x0  }
0x16: {  	s3 =	sld [smem:$0x3FDB];
	s0 =	simm.s32 @p2 $0x1  }
0x17: {  	s4 =	simm.s32 $0x1BF5;
	[smem:$0x3FB7] =	sst s0  }
0x18: {  	s0 =	sld [smem:$0x3F9A];
	_ =	swait.ge [sflag:s4], $0x0  }
0x19: {  	s7 =	sld [smem:$0x3F9B]  }
0x1a: {  	s8 =	sadd.s32 $0xFFFFE003, lr  }
0x1b: {  	s9 =	sadd.s32 $0xFFFFFEF7, lr;
	s5 =	simm.s32 $0xFFFFFFFF;
	p2 =	slt.u32 s8, $0xFFFFF086  }
0x1c: {  	p1 =	slt.u32 s9, $0xF7A;
	s5 =	simm.s32 @!p2 $0x0  }
0x1d: {  	s5 =	simm.s32 @p1 $0x1;
	p0 =	seq.s32 s7, s2  }
0x1e: {  	s7 =	smul.u32 @!p0 $0xF7A, s2;
	p2 =	seq.s32 @!p0 s5, $0x0  }
0x1f: {  	s9 =	smul.u32 $0xF7A, s1;
	s8 =	simm.s32 @!p0 $0x1BF5;
	p2 =	por !p2, p0  }
0x20: {  	[sflag:s8] =	ssyncset.s32 @!p0 $0xFFFFF086;
	s6 =	sadd.s32 @!p0 s3, s7;
	s7 =	simm.s32 @!p0 $0x108  }
0x21: {  	s3 =	sadd.s32 s3, s9;
	s6 =	sadd.s32 @!p0 $0x88, s6;
	s7 =	simm.s32 @p2 $0x1082  }
0x22: {  	[simem:s7], [sflag:s8] =	dma.local @!p0 [hbm:s6], $0xF7A  }
0x23: {  	s9 =	sor.u32 $0xD0000000, s2;
	s6 =	simm.s32 $0x108;
	_ =	swait.ge @!p0 [sflag:s8], $0x0  }
0x24: {  	s3 =	sadd.s32 $0x88, s3;
	s6 =	simm.s32 @!p1 $0x1082;
	[sflag:s4] =	ssyncset.s32 $0xFFFFF086  }
0x25: {  	[simem:s6], [sflag:s4] =	dma.local [hbm:s3], $0xF7A  }
0x26: {  	[smem:$0x3F9B] =	sst s1;
	(tag) =	ssettag s2;
	_ =	strace s9  }
0x27: {  	s1 =	sld [smem:$0x3FAB]  }
0x28: {  	s2 =	sld [smem:$0x3FAC]  }
0x29: {  	s4 =	sld [smem:$0x3FAE]  }
0x2a: {  	p0 =	seq.s32 s5, $0x0;
	s5 =	sld [smem:$0x3FAF]  }
0x2b: {  	s6 =	sld [smem:$0x3FB0]  }
0x2c: {  	s7 =	sld [smem:$0x3FB1]  }
0x2d: {  	s3 =	simm.s32 $0x108;
	s8 =	sld [smem:$0x3FB2]  }
0x2e: {  	s3 =	simm.s32 @!p0 $0x1082;
	s9 =	sld [smem:$0x3FB3]  }
0x2f: {  	lr =	sadd.s32 s0, s3;
	s0 =	sld [smem:$0x3FAA]  }
0x30: {  	s3 =	sld [smem:$0x3FAD]  }
0x31: {  	[smem:$0x3FB6] =	sst s10  }
0x32: {  	s10 =	sld [smem:$0x3FB4];
	_ =	sdelay $0x3  }
0x33: {  	p0 =	seq.s32 s10, $0x1;
	s10 =	sld [smem:$0x3FB6];
	_ =	sdelay $0x3  }
0x34: {  	[smem:$0x3FB6] =	sst s10  }
0x35: {  	s10 =	sld [smem:$0x3FB5];
	_ =	sdelay $0x3  }
0x36: {  	p1 =	seq.s32 s10, $0x1;
	s10 =	sld [smem:$0x3FB6];
	_ =	sdelay $0x3  }
0x37: {  	[smem:$0x3FB6] =	sst s10  }
0x38: {  	s10 =	sld [smem:$0x3FB7]  }
0x39: {  	_ = 	snop;
	(pc) =	sbr.ind lr, $3  }
0x3a: {  	_ = 	snop  }
0x3b: {  	_ = 	snop  }
0x3c: {  	p2 =	seq.s32 s10, $0x1;
	s10 =	sld [smem:$0x3FB6]  }
0x3d: {  	_ =	shalt  }
0x3e: {  	_ =	shalt  }
0x3f: {  	_ =	shalt  }
0x40: {  	_ =	shalt  }
0x41: {  	_ =	shalt  }
0x42: {  	_ =	shalt  }
0x43: {  	_ =	shalt  }
0x44: {  	_ =	shalt  }
0x45: {  	_ =	shalt  }
0x46: {  	_ =	shalt  }
0x47: {  	_ =	shalt  }
0x48: {  	_ =	shalt  }
0x49: {  	_ =	shalt  }
0x4a: {  	_ =	shalt  }
0x4b: {  	_ =	shalt  }
0x4c: {  	_ =	shalt  }
0x4d: {  	_ =	shalt  }
0x4e: {  	_ =	shalt  }
0x4f: {  	_ =	shalt  }
0x50: {  	_ =	shalt  }
0x51: {  	_ =	shalt  }
0x52: {  	_ =	shalt  }
0x53: {  	_ =	shalt  }
0x54: {  	_ =	shalt  }
0x55: {  	_ =	shalt  }
0x56: {  	_ =	shalt  }
0x57: {  	_ =	shalt  }
0x58: {  	_ =	shalt  }
0x59: {  	_ =	shalt  }
0x5a: {  	_ =	shalt  }
0x5b: {  	_ =	shalt  }
0x5c: {  	_ =	shalt  }
0x5d: {  	_ =	shalt  }
0x5e: {  	_ =	shalt  }
0x5f: {  	_ =	shalt  }
0x60: {  	_ =	shalt  }
0x61: {  	_ =	shalt  }
0x62: {  	_ =	shalt  }
0x63: {  	_ =	shalt  }
0x64: {  	_ =	shalt  }
0x65: {  	_ =	shalt  }
0x66: {  	_ =	shalt  }
0x67: {  	_ =	shalt  }
0x68: {  	_ =	shalt  }
0x69: {  	_ =	shalt  }
0x6a: {  	_ =	shalt  }
0x6b: {  	_ =	shalt  }
0x6c: {  	_ =	shalt  }
0x6d: {  	_ =	shalt  }
0x6e: {  	_ =	shalt  }
0x6f: {  	_ =	shalt  }
0x70: {  	_ =	shalt  }
0x71: {  	_ =	shalt  }
0x72: {  	_ =	shalt  }
0x73: {  	_ =	shalt  }
0x74: {  	_ =	shalt  }
0x75: {  	_ =	shalt  }
0x76: {  	_ =	shalt  }
0x77: {  	_ =	shalt  }
0x78: {  	_ =	shalt  }
0x79: {  	_ =	shalt  }
0x7a: {  	_ =	shalt  }
0x7b: {  	_ =	shalt  }
0x7c: {  	_ =	shalt  }
0x7d: {  	_ =	shalt  }
0x7e: {  	_ =	shalt  }
0x7f: {  	_ =	shalt  }
0x80: {  	_ =	shalt  }
0x81: {  	_ =	shalt  }
0x82: {  	_ =	shalt  }
0x83: {  	_ =	shalt  }
0x84: {  	_ =	shalt  }
0x85: {  	_ =	shalt  }
0x86: {  	_ =	shalt  }
0x87: {  	_ =	shalt  }
.Lfunc_end0:
.L_simem_size_0:
called_computation.1_lowered:
.L_overlay_start_0:
0x88: {  	s2 =	sld [smem:$0x3FD9]  }
0x89: {  	s3 =	sld [smem:$0x3FFE];
	_ =	sdelay $0x1  }
0x8a: {  	s1 =	srdreg.scid  }
0x8b: {  	s0 =	sand.u32 $0x1, s1  }
0x8c: {  	s16 =	sshll.u32 s0, $0xA;
	s2 =	sadd.s32 s3, s2  }
0x8d: {  	s2 =	sadd.s32 s2, s16  }
0x8e: {  	[smem:$0x3FC2] =	sst s2  }
0x8f: {  	_ = 	snop  }
0x90: {  	(tm) =	ssettm $0x1  }
0x91: {  	s17 =	sld [smem:$0x3FFB];
	_ =	sdelay $0x3  }
0x92: {  	_ =	strace s17  }
0x93: {  	s2 =	sld [smem:$0x3FFC];
	_ =	sdelay $0x3  }
0x94: {  	_ =	strace s2  }
0x95: {  	s2 =	sld [smem:$0x3FFD];
	_ =	sdelay $0x3  }
0x96: {  	_ =	strace s2  }
0x97: {  	_ =	strace $0x8FFFFFFF  }
0x98: {  	s18 =	sld [smem:$0x3FDB];
	_ =	sdelay $0x1  }
0x99: {  	s19 =	simm.s32 $_scs_section_size  }
0x9a: {  	s4 =	simm.s32 $_size__tile_overlayer_lowered;
	s5 =	simm.s32 $_tile_overlayer_lowered  }
0x9b: {  	s22 =	simm.s32 $0x1BFF;
	s21 =	sshll.u32 s5, $0x1;
	s2 =	sadd.s32 s19, s18  }
0x9c: {  	s6 =	simm.s32 $0x0;
	s20 =	sshll.u32 s4, $0x1;
	s4 =	sadd.s32 s21, s2  }
0x9d: {  	[timem:s6], [sflag:s22] =	dma.local [hbm:s4], s20  }
0x9e: {  	_ =	swait.ge [sflag:s22], s20  }
0x9f: {  	s3 =	ssub.s32 $0x0, s20;
	[sflag:s22] =	ssyncset.done $0x0  }
0xa0: {  	[sflag:s22] =	ssyncadd.s32 s3;
	_ =	sdelay $0x1  }
0xa1: {  	s23 =	simm.s32 $0x1B8B  }
0xa2: {  	_ =	swait.ge [sflag:s23], $0x1  }
0xa3: {  	[sflag:s23] =	ssyncset.done $0x0  }
0xa4: {  	s25 =	simm.s32 $0x1B8E;
	s24 =	sld [smem:$0x3FFE];
	[sflag:s23] =	ssyncadd.s32 $0xFFFFFFFF  }
0xa5: {  	s26 =	simm.s32 $execute0_lowered;
	[smem:$0x3FD2] =	sst s25  }
0xa6: {  	s4 =	sshll.u32 s26, $0x1;
	_ =	strace $0x80000049;
	[dreg:$0x1] =	wrdreg $0xFFFFFFFF  }
0xa7: {  	s28 =	simm.s32 $_size_execute0_lowered;
	s2 =	sadd.s32 s2, s4;
	[dreg:$0x0] =	wrdreg $0x0  }
0xa8: {  	s4 =	sshll.u32 s28, $0x1;
	[dreg:$0x2] =	wrdreg s2  }
0xa9: {  	[dreg:$0x3] =	wrdreg s4  }
0xaa: {  	[dreg:$0x4] =	wrdreg $0xC0  }
0xab: {  	_ =	task [dreg:s6], $0x5FFFF  }
0xac: {  	[dreg:$0x1] =	wrdreg $0xFFFFFFFF  }
0xad: {  	[dreg:$0x0] =	wrdreg $0x60  }
0xae: {  	[dreg:$0x2] =	wrdreg s24  }
0xaf: {  	[dreg:$0x3] =	wrdreg $0x9  }
0xb0: {  	_ =	task.clear_ibuf [dreg:s6], $0x4FFFF;
	_ =	strace $0x90000049  }
0xb1: {  	s29 =	simm.s32 $0x9;
	_ =	strace $0x8000004B  }
0xb2: {  	_ =	swait.ge [sflag:s29], $0x1  }
0xb3: {  	[sflag:s29] =	ssyncadd.s32 $0xFFFFFFFF  }
0xb4: {  	_ =	strace $0x9000004B  }
0xb5: {  	_ =	sfence  }
0xb6: {  	s30 =	sld [smem:$0x0];
	_ =	sdelay $0x2  }
0xb7: {  	s31 =	sshll.u32 s1, $0xD;
	s1 =	sshrl.u32 s1, $0x2  }
0xb8: {  	s3 =	sand.u32 $0x4000, s31;
	s1 =	sadd.s32 s1, s30  }
0xb9: {  	s0 =	sor.u32 s3, s0;
	s1 =	sshll.u32 s1, $0x11  }
0xba: {  	s0 =	sor.u32 s1, s0  }
0xbb: {  	s0 =	sadd.s32 $0x8F2B, s0  }
0xbc: {  	[sflag:s0] =	ssyncadd.remote.s32 $0x1  }
0xbd: {  	_ =	sfence.sel $0xFFFF  }
0xbe: {  	[dreg:$0x0] =	wrdreg $0xFFFFFFFF;
	(pc) =	sbr.abs _section_cstart, $3  }
0xbf: {  	[dreg:$0x1] =	wrdreg $0xFFFFFFFF  }
0xc0: {  	_ =	task.clear_ibuf [dreg:s6], $0x2FFFF;
	_ =	strace $0x9FFFFFFF  }
0xc1: {  	(tm) =	ssettm $0x7FFFFFFF  }
tec
execute0_lowered:
.L_overlay_start_1:
0x0: {  	(tag) =	ssettag $0x1  }
0x1: {  	s6 =	rddreg [dreg:$0x0];
	s2 =	srdreg.scid  }
0x2: {  	s1 =	stileid.u32;
	s0 =	rddreg [dreg:$0x1];
	s11 =	simm.s32 $0x800  }
0x3: {  	s12 =	simm.s32 $0x3780;
	s13 =	simm.s32 $0x80;
	s14 =	simm.s32 $0x400  }
0x4: {  	s4 =	sand.u32 $0x1, s2;
	s3 =	sshll.u32 s1, $0x1;
	s2 =	simm.s32 $0x0  }
0x5: {  	s29 =	sshrl.u32 s1, $0x2;
	s7 =	sor.u32 s4, s3;
	[smem:$0x7FF] =	sst s2  }
0x6: {  	s5 =	smul.u32 $0x13C00, s29;
	s3 =	sadd.s32 $0x63000, s6;
	s30 =	sshll.u32 s7, $0x7  }
0x7: {  	s31 =	ssub.s32 $0x2, s4;
	s4 =	sadd.s32 $0x1000, s6;
	s8 =	sand.u32 $0x380, s30  }
0x8: {  	_ =	strace $0x8000004A;
	s10 =	sshrl.u32 s31, $0x1;
	s5 =	sor.u32 s5, s8  }
0x9: {  	s8 =	ssub.s32 s31, s10;
	s10 =	simm.s32 $0x1;
	s9 =	sshrl.u32 s5, $0x3  }
0xa: {  	s5 =	sadd.s32 $0xAE00, s6;
	s8 =	smax.u32 s8, $0x1;
	s9 =	sadd.s32 s9, s6  }
0xb: {  	v0 =	vimm.f32 $0.0e+00;
	s6 =	smul.u32 $0x2710, s7;
	s7 =	sadd.s32 $0xB400, s9;
	s9 =	simm.s32 $0x1000  }
.LBB2_1:
0xc: {  	s15 =	simm.s32 $0x40;
	s16 =	simm.s32 $0x0  }
.LBB2_2:
0xd: {  	p0 =	sne.s32 s15, $0x9C00;
	[tilespmem:s16+$0x3780] =	vst v0;
	s16 =	smov.u32 s15;
	s15 =	sadd.s32 $0x40, s15  }
.Ltmp0:
0xe: {  	(pc) =	sbr.rel @p0 .LBB2_2-.Ltmp0, $2  }
0xf: {  	_ =	sdelay $0x2  }
0x10: {  	s16 =	sshra.s32 s16, $0x2  }
0x11: {  	[tilespmem:s16+$0x3780] =	vst v0;
	s15 =	simm.s32 $0x0  }
0x12: {  	[tilespmem:s9], [sflag:$0x1] =	stream.linear.gather [hbm4b:s5+s15], $0x2780, $0x38;
	[tilespmem:$0x5F00] =	vst v63  }
0x13: {  	_ =	swait.ge [sflag:s10], $0x2780  }
0x14: {  	[sflag:s10] =	ssyncset.done $0x0  }
0x15: {  	s16 =	simm.s32 $0x0;
	[sflag:s10] =	ssyncadd.s32 $0xFFFFD880  }
.LBB2_4:
0x16: {  	s17 =	smul.u32 $0x7D0, s16;
	_ =	sdelay $0x1  }
0x17: {  	s17 =	sadd.s32 s6, s17  }
0x18: {  	s17 =	sshrl.u32 s17, $0x3  }
0x19: {  	s18 =	sadd.s32 s4, s17  }
0x1a: {  	[tilespmem:s15], [sflag:$0x1] =	stream.linear.gather [hbm4b:s18+s15], $0x7D0, $0x38;
	[tilespmem:$0x5F00] =	vst v63  }
0x1b: {  	_ =	swait.ge [sflag:s10], $0x7D0  }
0x1c: {  	[sflag:s10] =	ssyncset.done $0x0  }
0x1d: {  	s17 =	sadd.s32 s3, s17;
	[sflag:s10] =	ssyncadd.s32 $0xFFFFF830  }
0x1e: {  	[tilespmem:s11], [sflag:$0x1] =	stream.linear.gather [hbm4b:s17+s15], $0x7D0, $0x38;
	[tilespmem:$0x5F00] =	vst v63  }
0x1f: {  	_ =	swait.ge [sflag:s10], $0x7D0  }
0x20: {  	[sflag:s10] =	ssyncset.done $0x0  }
0x21: {  	s18 =	simm.s32 $0x0;
	s17 =	simm.s32 $0x40;
	[sflag:s10] =	ssyncadd.s32 $0xFFFFF830  }
.LBB2_5:
0x22: {  	p0 =	sne.s32 s17, $0x1F00;
	v1 =	vld [tilespmem:s18+$0x0];
	_ =	sdelay $0x7  }
0x23: {  	v2 =	vld.idx.msk [tilespmem:v1+s9+$0x0], $0xffff  }
0x24: {  	v3 =	vld [tilespmem:s18+$0x800];
	_ =	sdelay $0x4  }
0x25: {  	v2 =	vsub.f32 v3, v2;
	_ =	sdelay $0x1  }
0x26: {  	v2 =	vmul.f32 $1.442695020e+00, v2;
	_ =	sdelay $0x1  }
0x27: {  	(erf) = vpow2.f32 v2;
	_ =	sdelay $0x5  }
.Ltmp1:
0x28: {  	(pc) =	sbr.rel @p0 .LBB2_5-.Ltmp1, $3  }
0x29: {  	_ =	sdelay $0x1  }
0x2a: {  	v2 =	vpop (erf)  }
0x2b: {  	s18 =	sshra.s32 s17, $0x2;
	s17 =	sadd.s32 $0x40, s17;
	[tilespmem:v1+s12+$0x0] =	vst.idx.add.f32.msk $0xffff, v2  }
0x2c: {  	v1 =	vld [tilespmem:s18+$0x0];
	_ =	sdelay $0x6  }
0x2d: {  	v3 =	vld [tilespmem:s18+$0x800]  }
0x2e: {  	v2 =	vld.idx.msk [tilespmem:v1+s9+$0x0], $0xffff;
	_ =	sdelay $0x4  }
0x2f: {  	v2 =	vsub.f32 v3, v2;
	_ =	sdelay $0x1  }
0x30: {  	v2 =	vmul.f32 $1.442695020e+00, v2;
	_ =	sdelay $0x1  }
0x31: {  	(erf) = vpow2.f32 v2;
	_ =	sdelay $0x3  }
0x32: {  	s16 =	sadd.s32 $0x1, s16  }
0x33: {  	p0 =	sne.s32 s16, $0x5  }
.Ltmp2:
0x34: {  	_ = 	snop;
	(pc) =	sbr.rel @p0 .LBB2_4-.Ltmp2, $3  }
0x35: {  	_ =	sdelay $0x1  }
0x36: {  	v2 =	vpop (erf)  }
0x37: {  	[tilespmem:v1+s12+$0x0] =	vst.idx.add.f32.msk $0xffff, v2  }
0x38: {  	s2 =	sadd.s32 $0x1, s2  }
0x39: {  	p0 =	sne.s32 s2, s8  }
.Ltmp3:
0x3a: {  	_ = 	snop;
	(pc) =	sbr.rel @p0 .LBB2_1-.Ltmp3, $4  }
0x3b: {  	[hbm4b:s7+s13] =	stream.strided.scatter [tilespmem:s12], [sflag:$0x1], $0x2780, s14, s13, $0x38;
	[tilespmem:$0x5F00] =	vst v63  }
0x3c: {  	_ =	swait.ge [sflag:s10], $0x2780  }
0x3d: {  	[sflag:s10] =	ssyncset.done $0x0  }
0x3e: {  	[sflag:s10] =	ssyncadd.s32 $0xFFFFD880  }
0x3f: {  	_ =	sfence.sel $0x180000  }
0x40: {  	[bflag:$0x0] =	sbarrier.arrive $0xFFFF  }
0x41: {  	p0 =	sne.s32 s1, $0x0;
	_ =	strace $0x9000004A  }
0x42: {  	s0 =	sadd.s32 @!p0 $0x100000, s0;
	[bflag:$0x2] =	sbarrier.arrive $0xFFFF  }
0x43: {  	[sflag:s0] =	ssyncadd.tile.s32 @!p0 $0x1;
	_ =	shalt  }
.Lfunc_end2:
_tile_overlayer_lowered:
.L_overlay_start_2:
0x44: {  	(tag) =	ssettag $0x2  }
0x45: {  	s0 =	rddreg [dreg:$0x0];
	s2 =	stileid.u32  }
0x46: {  	s1 =	rddreg [dreg:$0x1];
	p0 =	sne.s32 s2, $0x0  }
0x47: {  	s3 =	rddreg [dreg:$0x2];
	[bflag:$0x3] =	sbarrier.arrive $0xFFFF;
	s2 =	simm.s32 @!p0 $0x1C01  }
0x48: {  	[timem:s3], [sflag:s2] =	dma.local @!p0 [hbm:s0], s1  }
0x49: {  	s0 =	simm.s32 @!p0 $0x1  }
0x4a: {  	_ =	swait.ge @!p0 [sflag:s0], s1  }
0x4b: {  	s1 =	ssub.s32 @!p0 $0x0, s1;
	[sflag:s0] =	ssyncset.done @!p0 $0x0  }
0x4c: {  	[sflag:s0] =	ssyncadd.s32 @!p0 s1  }
0x4d: {  	[bflag:$0x3] =	sbarrier.arrive $0xFFFF  }
0x4e: {  	_ =	shalt  }

// kernel: kernel.14.cloned.1.call-start
scs
__scs_entry_jumppad:
0x0: {  	(pc) =	sbr.rel $0x88, $3  }
0x1: {  	(tag) =	ssettag $0x0;
	lr =	simm.s32 $0x1  }
0x2: {  	[smem:$0x3F9B] =	sst lr;
	_ =	strace $0xD0000000  }
0x3: {  	_ = 	snop  }
0x4: {  	_ = 	snop  }
0x5: {  	_ = 	snop  }
0x6: {  	_ = 	snop  }
0x7: {  	_ = 	snop  }
__scs_overlays_trampoline_lowered:
0x8: {  	[smem:$0x3FAA] =	sst s0  }
0x9: {  	[smem:$0x3FAB] =	sst s1  }
0xa: {  	[smem:$0x3FAC] =	sst s2  }
0xb: {  	[smem:$0x3FAD] =	sst s3  }
0xc: {  	[smem:$0x3FAE] =	sst s4  }
0xd: {  	[smem:$0x3FAF] =	sst s5  }
0xe: {  	[smem:$0x3FB0] =	sst s6  }
0xf: {  	[smem:$0x3FB1] =	sst s7  }
0x10: {  	[smem:$0x3FB2] =	sst s8  }
0x11: {  	[smem:$0x3FB3] =	sst s9;
	s0 =	simm.s32 @!p0 $0x0  }
0x12: {  	s1 =	sld [smem:$0x3F99];
	s0 =	simm.s32 @p0 $0x1  }
0x13: {  	[smem:$0x3FB4] =	sst s0;
	s0 =	simm.s32 @!p1 $0x0  }
0x14: {  	s2 =	sld [smem:$0x3F98];
	s0 =	simm.s32 @p1 $0x1  }
0x15: {  	[smem:$0x3FB5] =	sst s0;
	s0 =	simm.s32 @!p2 $0x0  }
0x16: {  	s3 =	sld [smem:$0x3FDB];
	s0 =	simm.s32 @p2 $0x1  }
0x17: {  	s4 =	simm.s32 $0x1BF5;
	[smem:$0x3FB7] =	sst s0  }
0x18: {  	s0 =	sld [smem:$0x3F9A];
	_ =	swait.ge [sflag:s4], $0x0  }
0x19: {  	s7 =	sld [smem:$0x3F9B]  }
0x1a: {  	s8 =	sadd.s32 $0xFFFFE003, lr  }
0x1b: {  	s9 =	sadd.s32 $0xFFFFFEF7, lr;
	s5 =	simm.s32 $0xFFFFFFFF;
	p2 =	slt.u32 s8, $0xFFFFF086  }
0x1c: {  	p1 =	slt.u32 s9, $0xF7A;
	s5 =	simm.s32 @!p2 $0x0  }
0x1d: {  	s5 =	simm.s32 @p1 $0x1;
	p0 =	seq.s32 s7, s2  }
0x1e: {  	s7 =	smul.u32 @!p0 $0xF7A, s2;
	p2 =	seq.s32 @!p0 s5, $0x0  }
0x1f: {  	s9 =	smul.u32 $0xF7A, s1;
	s8 =	simm.s32 @!p0 $0x1BF5;
	p2 =	por !p2, p0  }
0x20: {  	[sflag:s8] =	ssyncset.s32 @!p0 $0xFFFFF086;
	s6 =	sadd.s32 @!p0 s3, s7;
	s7 =	simm.s32 @!p0 $0x108  }
0x21: {  	s3 =	sadd.s32 s3, s9;
	s6 =	sadd.s32 @!p0 $0x88, s6;
	s7 =	simm.s32 @p2 $0x1082  }
0x22: {  	[simem:s7], [sflag:s8] =	dma.local @!p0 [hbm:s6], $0xF7A  }
0x23: {  	s9 =	sor.u32 $0xD0000000, s2;
	s6 =	simm.s32 $0x108;
	_ =	swait.ge @!p0 [sflag:s8], $0x0  }
0x24: {  	s3 =	sadd.s32 $0x88, s3;
	s6 =	simm.s32 @!p1 $0x1082;
	[sflag:s4] =	ssyncset.s32 $0xFFFFF086  }
0x25: {  	[simem:s6], [sflag:s4] =	dma.local [hbm:s3], $0xF7A  }
0x26: {  	[smem:$0x3F9B] =	sst s1;
	(tag) =	ssettag s2;
	_ =	strace s9  }
0x27: {  	s1 =	sld [smem:$0x3FAB]  }
0x28: {  	s2 =	sld [smem:$0x3FAC]  }
0x29: {  	s4 =	sld [smem:$0x3FAE]  }
0x2a: {  	p0 =	seq.s32 s5, $0x0;
	s5 =	sld [smem:$0x3FAF]  }
0x2b: {  	s6 =	sld [smem:$0x3FB0]  }
0x2c: {  	s7 =	sld [smem:$0x3FB1]  }
0x2d: {  	s3 =	simm.s32 $0x108;
	s8 =	sld [smem:$0x3FB2]  }
0x2e: {  	s3 =	simm.s32 @!p0 $0x1082;
	s9 =	sld [smem:$0x3FB3]  }
0x2f: {  	lr =	sadd.s32 s0, s3;
	s0 =	sld [smem:$0x3FAA]  }
0x30: {  	s3 =	sld [smem:$0x3FAD]  }
0x31: {  	[smem:$0x3FB6] =	sst s10  }
0x32: {  	s10 =	sld [smem:$0x3FB4];
	_ =	sdelay $0x3  }
0x33: {  	p0 =	seq.s32 s10, $0x1;
	s10 =	sld [smem:$0x3FB6];
	_ =	sdelay $0x3  }
0x34: {  	[smem:$0x3FB6] =	sst s10  }
0x35: {  	s10 =	sld [smem:$0x3FB5];
	_ =	sdelay $0x3  }
0x36: {  	p1 =	seq.s32 s10, $0x1;
	s10 =	sld [smem:$0x3FB6];
	_ =	sdelay $0x3  }
0x37: {  	[smem:$0x3FB6] =	sst s10  }
0x38: {  	s10 =	sld [smem:$0x3FB7]  }
0x39: {  	_ = 	snop;
	(pc) =	sbr.ind lr, $3  }
0x3a: {  	_ = 	snop  }
0x3b: {  	_ = 	snop  }
0x3c: {  	p2 =	seq.s32 s10, $0x1;
	s10 =	sld [smem:$0x3FB6]  }
0x3d: {  	_ =	shalt  }
0x3e: {  	_ =	shalt  }
0x3f: {  	_ =	shalt  }
0x40: {  	_ =	shalt  }
0x41: {  	_ =	shalt  }
0x42: {  	_ =	shalt  }
0x43: {  	_ =	shalt  }
0x44: {  	_ =	shalt  }
0x45: {  	_ =	shalt  }
0x46: {  	_ =	shalt  }
0x47: {  	_ =	shalt  }
0x48: {  	_ =	shalt  }
0x49: {  	_ =	shalt  }
0x4a: {  	_ =	shalt  }
0x4b: {  	_ =	shalt  }
0x4c: {  	_ =	shalt  }
0x4d: {  	_ =	shalt  }
0x4e: {  	_ =	shalt  }
0x4f: {  	_ =	shalt  }
0x50: {  	_ =	shalt  }
0x51: {  	_ =	shalt  }
0x52: {  	_ =	shalt  }
0x53: {  	_ =	shalt  }
0x54: {  	_ =	shalt  }
0x55: {  	_ =	shalt  }
0x56: {  	_ =	shalt  }
0x57: {  	_ =	shalt  }
0x58: {  	_ =	shalt  }
0x59: {  	_ =	shalt  }
0x5a: {  	_ =	shalt  }
0x5b: {  	_ =	shalt  }
0x5c: {  	_ =	shalt  }
0x5d: {  	_ =	shalt  }
0x5e: {  	_ =	shalt  }
0x5f: {  	_ =	shalt  }
0x60: {  	_ =	shalt  }
0x61: {  	_ =	shalt  }
0x62: {  	_ =	shalt  }
0x63: {  	_ =	shalt  }
0x64: {  	_ =	shalt  }
0x65: {  	_ =	shalt  }
0x66: {  	_ =	shalt  }
0x67: {  	_ =	shalt  }
0x68: {  	_ =	shalt  }
0x69: {  	_ =	shalt  }
0x6a: {  	_ =	shalt  }
0x6b: {  	_ =	shalt  }
0x6c: {  	_ =	shalt  }
0x6d: {  	_ =	shalt  }
0x6e: {  	_ =	shalt  }
0x6f: {  	_ =	shalt  }
0x70: {  	_ =	shalt  }
0x71: {  	_ =	shalt  }
0x72: {  	_ =	shalt  }
0x73: {  	_ =	shalt  }
0x74: {  	_ =	shalt  }
0x75: {  	_ =	shalt  }
0x76: {  	_ =	shalt  }
0x77: {  	_ =	shalt  }
0x78: {  	_ =	shalt  }
0x79: {  	_ =	shalt  }
0x7a: {  	_ =	shalt  }
0x7b: {  	_ =	shalt  }
0x7c: {  	_ =	shalt  }
0x7d: {  	_ =	shalt  }
0x7e: {  	_ =	shalt  }
0x7f: {  	_ =	shalt  }
0x80: {  	_ =	shalt  }
0x81: {  	_ =	shalt  }
0x82: {  	_ =	shalt  }
0x83: {  	_ =	shalt  }
0x84: {  	_ =	shalt  }
0x85: {  	_ =	shalt  }
0x86: {  	_ =	shalt  }
0x87: {  	_ =	shalt  }
.Lfunc_end0:
.L_simem_size_0:
called_computation.2_lowered:
.L_overlay_start_0:
0x88: {  	s2 =	sld [smem:$0x3FD9]  }
0x89: {  	s3 =	sld [smem:$0x3FFE];
	_ =	sdelay $0x1  }
0x8a: {  	s1 =	srdreg.scid  }
0x8b: {  	s0 =	sand.u32 $0x1, s1  }
0x8c: {  	s17 =	sshll.u32 s0, $0xA;
	s2 =	sadd.s32 s3, s2  }
0x8d: {  	s2 =	sadd.s32 s2, s17  }
0x8e: {  	[smem:$0x3FC2] =	sst s2  }
0x8f: {  	_ = 	snop  }
0x90: {  	s2 =	sld [smem:$0x3FD0];
	(tm) =	ssettm $0x1  }
0x91: {  	s18 =	sld [smem:$0x3FFB];
	_ =	sdelay $0x3  }
0x92: {  	_ =	strace s18  }
0x93: {  	s3 =	sld [smem:$0x3FFC];
	_ =	sdelay $0x3  }
0x94: {  	_ =	strace s3  }
0x95: {  	s3 =	sld [smem:$0x3FFD];
	_ =	sdelay $0x3  }
0x96: {  	_ =	strace s3  }
0x97: {  	_ =	strace $0x8FFFFFFF  }
0x98: {  	s19 =	sld [smem:$0x3FDB];
	_ =	sdelay $0x1  }
0x99: {  	s4 =	simm.s32 $_scs_section_size  }
0x9a: {  	s5 =	simm.s32 $_size__tile_overlayer_lowered;
	s6 =	simm.s32 $_tile_overlayer_lowered  }
0x9b: {  	s22 =	simm.s32 $0x1BFF;
	s21 =	sshll.u32 s6, $0x1;
	s3 =	sadd.s32 s4, s19  }
0x9c: {  	s7 =	simm.s32 $0x0;
	s20 =	sshll.u32 s5, $0x1;
	s5 =	sadd.s32 s21, s3  }
0x9d: {  	[timem:s7], [sflag:s22] =	dma.local [hbm:s5], s20  }
0x9e: {  	_ =	swait.ge [sflag:s22], s20  }
0x9f: {  	s4 =	ssub.s32 $0x0, s20;
	[sflag:s22] =	ssyncset.done $0x0  }
0xa0: {  	[sflag:s22] =	ssyncadd.s32 s4;
	_ =	sdelay $0x1  }
0xa1: {  	s23 =	simm.s32 $0x1B8B  }
0xa2: {  	_ =	swait.ge [sflag:s23], $0x1  }
0xa3: {  	[sflag:s23] =	ssyncset.done $0x0  }
0xa4: {  	s25 =	simm.s32 $0x1B8E;
	s24 =	sld [smem:$0x3FFE];
	[sflag:s23] =	ssyncadd.s32 $0xFFFFFFFF  }
0xa5: {  	s26 =	simm.s32 $execute0_lowered;
	[smem:$0x3FD2] =	sst s25  }
0xa6: {  	s5 =	sshll.u32 s26, $0x1;
	_ =	strace $0x8000004C;
	[dreg:$0x1] =	wrdreg $0xFFFFFFFF  }
0xa7: {  	s28 =	simm.s32 $_size_execute0_lowered;
	s3 =	sadd.s32 s3, s5;
	[dreg:$0x0] =	wrdreg $0x0  }
0xa8: {  	s5 =	sshll.u32 s28, $0x1;
	[dreg:$0x2] =	wrdreg s3  }
0xa9: {  	[dreg:$0x3] =	wrdreg s5  }
0xaa: {  	[dreg:$0x4] =	wrdreg $0xC0  }
0xab: {  	_ =	task [dreg:s7], $0x5FFFF  }
0xac: {  	[dreg:$0x1] =	wrdreg $0xFFFFFFFF  }
0xad: {  	[dreg:$0x0] =	wrdreg $0x60  }
0xae: {  	[dreg:$0x2] =	wrdreg s24  }
0xaf: {  	[dreg:$0x3] =	wrdreg s2  }
0xb0: {  	[dreg:$0x4] =	wrdreg $0x9  }
0xb1: {  	_ =	task.clear_ibuf [dreg:s7], $0x5FFFF;
	_ =	strace $0x9000004C  }
0xb2: {  	s29 =	simm.s32 $0x9;
	_ =	strace $0x8000004E  }
0xb3: {  	_ =	swait.ge [sflag:s29], $0x1  }
0xb4: {  	[sflag:s29] =	ssyncadd.s32 $0xFFFFFFFF  }
0xb5: {  	_ =	strace $0x9000004E  }
0xb6: {  	_ =	sfence  }
0xb7: {  	s30 =	sld [smem:$0x0];
	_ =	sdelay $0x2  }
0xb8: {  	s31 =	sshll.u32 s1, $0xD;
	s1 =	sshrl.u32 s1, $0x2  }
0xb9: {  	s3 =	sand.u32 $0x4000, s31;
	s1 =	sadd.s32 s1, s30  }
0xba: {  	s0 =	sor.u32 s3, s0;
	s1 =	sshll.u32 s1, $0x11  }
0xbb: {  	s0 =	sor.u32 s1, s0  }
0xbc: {  	s0 =	sadd.s32 $0x8F2B, s0  }
0xbd: {  	[sflag:s0] =	ssyncadd.remote.s32 $0x1  }
0xbe: {  	_ =	sfence.sel $0xFFFF  }
0xbf: {  	[dreg:$0x0] =	wrdreg $0xFFFFFFFF;
	(pc) =	sbr.abs _section_cstart, $3  }
0xc0: {  	[dreg:$0x1] =	wrdreg $0xFFFFFFFF  }
0xc1: {  	_ =	task.clear_ibuf [dreg:s7], $0x2FFFF;
	_ =	strace $0x9FFFFFFF  }
0xc2: {  	(tm) =	ssettm $0x7FFFFFFF  }
0xc3: {  	_ =	shalt  }
tec
execute0_lowered:
.L_overlay_start_1:
0x0: {  	(tag) =	ssettag $0x1  }
0x1: {  	s7 =	rddreg [dreg:$0x0]  }
0x2: {  	s1 =	rddreg [dreg:$0x1]  }
0x3: {  	s0 =	rddreg [dreg:$0x2];
	s2 =	simm.s32 $0x0;
	s3 =	srdreg.scid  }
0x4: {  	s12 =	simm.s32 $0x3F80;
	s13 =	simm.s32 $0x800;
	s14 =	simm.s32 $0x1000  }
0x5: {  	s15 =	simm.s32 $0x0;
	[smem:$0x7FF] =	sst s2;
	s8 =	sand.u32 $0x1, s3  }
0x6: {  	s4 =	sadd.s32 $0x63000, s7;
	s3 =	stileid.u32;
	s5 =	sadd.s32 $0x1000, s7  }
0x7: {  	s6 =	sadd.s32 $0xAE00, s7;
	s7 =	sadd.s32 $0xB400, s7;
	s9 =	ssub.s32 $0x2, s8  }
0x8: {  	_ =	strace $0x8000004D;
	s11 =	sshll.u32 s3, $0x1;
	s10 =	sshrl.u32 s9, $0x1  }
0x9: {  	s8 =	sor.u32 s8, s11;
	s11 =	simm.s32 $0x1;
	s9 =	ssub.s32 s9, s10  }
0xa: {  	s8 =	smul.u32 $0x2710, s8;
	s10 =	simm.s32 $0x1800;
	s9 =	smax.u32 s9, $0x1  }
.LBB2_1:
0xb: {  	[tilespmem:s10], [sflag:$0x1] =	stream.linear.gather [hbm4b:s6+s2], $0x2780, $0x38;
	[tilespmem:$0x6700] =	vst v63  }
0xc: {  	_ =	swait.ge [sflag:s11], $0x2780  }
0xd: {  	[sflag:s11] =	ssyncset.done $0x0  }
0xe: {  	[sflag:s11] =	ssyncadd.s32 $0xFFFFD880  }
0xf: {  	[tilespmem:s12], [sflag:$0x1] =	stream.linear.gather [hbm4b:s7+s2], $0x2780, $0x38;
	[tilespmem:$0x6700] =	vst v63  }
0x10: {  	_ =	swait.ge [sflag:s11], $0x2780  }
0x11: {  	[sflag:s11] =	ssyncset.done $0x0  }
0x12: {  	s16 =	simm.s32 $0x0;
	[sflag:s11] =	ssyncadd.s32 $0xFFFFD880  }
.LBB2_2:
0x13: {  	s17 =	smul.u32 $0x7D0, s16;
	_ =	sdelay $0x1  }
0x14: {  	s17 =	sadd.s32 s8, s17  }
0x15: {  	s17 =	sshrl.u32 s17, $0x3  }
0x16: {  	s19 =	simm.s32 $0x0;
	s18 =	sadd.s32 s5, s17  }
0x17: {  	[tilespmem:s19], [sflag:$0x1] =	stream.linear.gather [hbm4b:s18+s19], $0x7D0, $0x38;
	[tilespmem:$0x6700] =	vst v63  }
0x18: {  	_ =	swait.ge [sflag:s11], $0x7D0  }
0x19: {  	[sflag:s11] =	ssyncset.done $0x0  }
0x1a: {  	s31 =	sadd.s32 s4, s17;
	[sflag:s11] =	ssyncadd.s32 $0xFFFFF830  }
0x1b: {  	[tilespmem:s13], [sflag:$0x1] =	stream.linear.gather [hbm4b:s31+s19], $0x7D0, $0x38;
	[tilespmem:$0x6700] =	vst v63  }
0x1c: {  	_ =	swait.ge [sflag:s11], $0x7D0  }
0x1d: {  	[sflag:s11] =	ssyncset.done $0x0  }
0x1e: {  	s18 =	simm.s32 $0x0;
	[sflag:s11] =	ssyncadd.s32 $0xFFFFF830  }
0x1f: {  	v2 =	vld [tilespmem:s18+$0x0];
	_ =	sdelay $0x6  }
0x20: {  	v1 =	vld [tilespmem:s18+$0x800]  }
0x21: {  	v0 =	vld.idx.msk [tilespmem:v2+s10+$0x0], $0xffff  }
0x22: {  	s20 =	simm.s32 $0x80;
	s19 =	simm.s32 $0x10;
	v2 =	vld.idx.msk [tilespmem:v2+s12+$0x0], $0xffff  }
.LBB2_3:
0x23: {  	p0 =	sne.s32 s20, $0x1F00;
	v3 =	vld [tilespmem:s19+$0x0];
	_ =	sdelay $0x2  }
0x24: {  	v0 =	vsub.f32 v1, v0;
	_ =	sdelay $0x1  }
0x25: {  	v0 =	vsub.f32 v0, v2  }
.Ltmp0:
0x26: {  	(pc) =	sbr.rel @p0 .LBB2_3-.Ltmp0, $4  }
0x27: {  	[tilespmem:s18+$0x1000] =	vst v0;
	s18 =	smov.u32 s19  }
0x28: {  	v0 =	vld.idx.msk [tilespmem:v3+s10+$0x0], $0xffff  }
0x29: {  	v1 =	vld [tilespmem:s18+$0x800]  }
0x2a: {  	s19 =	sshra.s32 s20, $0x2;
	s20 =	sadd.s32 $0x40, s20;
	v2 =	vld.idx.msk [tilespmem:v3+s12+$0x0], $0xffff  }
0x2b: {  	v3 =	vld [tilespmem:s19+$0x0];
	_ =	sdelay $0x2  }
0x2c: {  	v0 =	vsub.f32 v1, v0;
	_ =	sdelay $0x1  }
0x2d: {  	v0 =	vsub.f32 v0, v2;
	_ =	sdelay $0x1  }
0x2e: {  	[tilespmem:s18+$0x1000] =	vst v0  }
0x2f: {  	v0 =	vld.idx.msk [tilespmem:v3+s10+$0x0], $0xffff  }
0x30: {  	v62 =	vld [tilespmem:s19+$0x800];
	_ =	sdelay $0x1  }
0x31: {  	v63 =	vld.idx.msk [tilespmem:v3+s12+$0x0], $0xffff;
	_ =	sdelay $0x2  }
0x32: {  	v0 =	vsub.f32 v62, v0;
	_ =	sdelay $0x1  }
0x33: {  	s16 =	sadd.s32 $0x1, s16;
	v0 =	vsub.f32 v0, v63  }
0x34: {  	p0 =	sne.s32 s16, $0x5  }
.Ltmp1:
0x35: {  	s17 =	sadd.s32 s1, s17;
	[tilespmem:s19+$0x1000] =	vst v0;
	(pc) =	sbr.rel @p0 .LBB2_2-.Ltmp1, $4  }
0x36: {  	[hbm4b:s17+s2] =	stream.linear.scatter [tilespmem:s14], [sflag:$0x1], $0x7D0, $0x38;
	[tilespmem:$0x6700] =	vst v63  }
0x37: {  	_ =	swait.ge [sflag:s11], $0x7D0  }
0x38: {  	[sflag:s11] =	ssyncset.done $0x0  }
0x39: {  	[sflag:s11] =	ssyncadd.s32 $0xFFFFF830  }
0x3a: {  	s15 =	sadd.s32 $0x1, s15  }
0x3b: {  	p0 =	sne.s32 s15, s9  }
.Ltmp2:
0x3c: {  	_ = 	snop;
	(pc) =	sbr.rel @p0 .LBB2_1-.Ltmp2, $1  }
0x3d: {  	_ =	sdelay $0x3  }
0x3e: {  	_ =	sfence.sel $0x180000  }
0x3f: {  	[bflag:$0x0] =	sbarrier.arrive $0xFFFF  }
0x40: {  	p0 =	sne.s32 s3, $0x0;
	_ =	strace $0x9000004D  }
0x41: {  	s0 =	sadd.s32 @!p0 $0x100000, s0;
	[bflag:$0x2] =	sbarrier.arrive $0xFFFF  }
0x42: {  	[sflag:s0] =	ssyncadd.tile.s32 @!p0 $0x1;
	_ =	shalt  }
.Lfunc_end2:
_tile_overlayer_lowered:
.L_overlay_start_2:
0x43: {  	(tag) =	ssettag $0x2  }
0x44: {  	s0 =	rddreg [dreg:$0x0];
	s2 =	stileid.u32  }
0x45: {  	s1 =	rddreg [dreg:$0x1];
	p0 =	sne.s32 s2, $0x0  }
0x46: {  	s3 =	rddreg [dreg:$0x2];
	[bflag:$0x3] =	sbarrier.arrive $0xFFFF;
	s2 =	simm.s32 @!p0 $0x1C01  }
0x47: {  	[timem:s3], [sflag:s2] =	dma.local @!p0 [hbm:s0], s1  }
0x48: {  	s0 =	simm.s32 @!p0 $0x1  }
0x49: {  	_ =	swait.ge @!p0 [sflag:s0], s1  }
0x4a: {  	s1 =	ssub.s32 @!p0 $0x0, s1;
	[sflag:s0] =	ssyncset.done @!p0 $0x0  }
0x4b: {  	[sflag:s0] =	ssyncadd.s32 @!p0 s1  }
0x4c: {  	[bflag:$0x3] =	sbarrier.arrive $0xFFFF  }
0x4d: {  	_ =	shalt  }

// kernel: kernel.8.cloned.1.call-start
scs
__scs_entry_jumppad:
0x0: {  	(pc) =	sbr.rel $0x88, $3  }
0x1: {  	(tag) =	ssettag $0x0;
	lr =	simm.s32 $0x1  }
0x2: {  	[smem:$0x3F9B] =	sst lr;
	_ =	strace $0xD0000000  }
0x3: {  	_ = 	snop  }
0x4: {  	_ = 	snop  }
0x5: {  	_ = 	snop  }
0x6: {  	_ = 	snop  }
0x7: {  	_ = 	snop  }
__scs_overlays_trampoline_lowered:
0x8: {  	[smem:$0x3FAA] =	sst s0  }
0x9: {  	[smem:$0x3FAB] =	sst s1  }
0xa: {  	[smem:$0x3FAC] =	sst s2  }
0xb: {  	[smem:$0x3FAD] =	sst s3  }
0xc: {  	[smem:$0x3FAE] =	sst s4  }
0xd: {  	[smem:$0x3FAF] =	sst s5  }
0xe: {  	[smem:$0x3FB0] =	sst s6  }
0xf: {  	[smem:$0x3FB1] =	sst s7  }
0x10: {  	[smem:$0x3FB2] =	sst s8  }
0x11: {  	[smem:$0x3FB3] =	sst s9;
	s0 =	simm.s32 @!p0 $0x0  }
0x12: {  	s1 =	sld [smem:$0x3F99];
	s0 =	simm.s32 @p0 $0x1  }
0x13: {  	[smem:$0x3FB4] =	sst s0;
	s0 =	simm.s32 @!p1 $0x0  }
0x14: {  	s2 =	sld [smem:$0x3F98];
	s0 =	simm.s32 @p1 $0x1  }
0x15: {  	[smem:$0x3FB5] =	sst s0;
	s0 =	simm.s32 @!p2 $0x0  }
0x16: {  	s3 =	sld [smem:$0x3FDB];
	s0 =	simm.s32 @p2 $0x1  }
0x17: {  	s4 =	simm.s32 $0x1BF5;
	[smem:$0x3FB7] =	sst s0  }
0x18: {  	s0 =	sld [smem:$0x3F9A];
	_ =	swait.ge [sflag:s4], $0x0  }
0x19: {  	s7 =	sld [smem:$0x3F9B]  }
0x1a: {  	s8 =	sadd.s32 $0xFFFFE003, lr  }
0x1b: {  	s9 =	sadd.s32 $0xFFFFFEF7, lr;
	s5 =	simm.s32 $0xFFFFFFFF;
	p2 =	slt.u32 s8, $0xFFFFF086  }
0x1c: {  	p1 =	slt.u32 s9, $0xF7A;
	s5 =	simm.s32 @!p2 $0x0  }
0x1d: {  	s5 =	simm.s32 @p1 $0x1;
	p0 =	seq.s32 s7, s2  }
0x1e: {  	s7 =	smul.u32 @!p0 $0xF7A, s2;
	p2 =	seq.s32 @!p0 s5, $0x0  }
0x1f: {  	s9 =	smul.u32 $0xF7A, s1;
	s8 =	simm.s32 @!p0 $0x1BF5;
	p2 =	por !p2, p0  }
0x20: {  	[sflag:s8] =	ssyncset.s32 @!p0 $0xFFFFF086;
	s6 =	sadd.s32 @!p0 s3, s7;
	s7 =	simm.s32 @!p0 $0x108  }
0x21: {  	s3 =	sadd.s32 s3, s9;
	s6 =	sadd.s32 @!p0 $0x88, s6;
	s7 =	simm.s32 @p2 $0x1082  }
0x22: {  	[simem:s7], [sflag:s8] =	dma.local @!p0 [hbm:s6], $0xF7A  }
0x23: {  	s9 =	sor.u32 $0xD0000000, s2;
	s6 =	simm.s32 $0x108;
	_ =	swait.ge @!p0 [sflag:s8], $0x0  }
0x24: {  	s3 =	sadd.s32 $0x88, s3;
	s6 =	simm.s32 @!p1 $0x1082;
	[sflag:s4] =	ssyncset.s32 $0xFFFFF086  }
0x25: {  	[simem:s6], [sflag:s4] =	dma.local [hbm:s3], $0xF7A  }
0x26: {  	[smem:$0x3F9B] =	sst s1;
	(tag) =	ssettag s2;
	_ =	strace s9  }
0x27: {  	s1 =	sld [smem:$0x3FAB]  }
0x28: {  	s2 =	sld [smem:$0x3FAC]  }
0x29: {  	s4 =	sld [smem:$0x3FAE]  }
0x2a: {  	p0 =	seq.s32 s5, $0x0;
	s5 =	sld [smem:$0x3FAF]  }
0x2b: {  	s6 =	sld [smem:$0x3FB0]  }
0x2c: {  	s7 =	sld [smem:$0x3FB1]  }
0x2d: {  	s3 =	simm.s32 $0x108;
	s8 =	sld [smem:$0x3FB2]  }
0x2e: {  	s3 =	simm.s32 @!p0 $0x1082;
	s9 =	sld [smem:$0x3FB3]  }
0x2f: {  	lr =	sadd.s32 s0, s3;
	s0 =	sld [smem:$0x3FAA]  }
0x30: {  	s3 =	sld [smem:$0x3FAD]  }
0x31: {  	[smem:$0x3FB6] =	sst s10  }
0x32: {  	s10 =	sld [smem:$0x3FB4];
	_ =	sdelay $0x3  }
0x33: {  	p0 =	seq.s32 s10, $0x1;
	s10 =	sld [smem:$0x3FB6];
	_ =	sdelay $0x3  }
0x34: {  	[smem:$0x3FB6] =	sst s10  }
0x35: {  	s10 =	sld [smem:$0x3FB5];
	_ =	sdelay $0x3  }
0x36: {  	p1 =	seq.s32 s10, $0x1;
	s10 =	sld [smem:$0x3FB6];
	_ =	sdelay $0x3  }
0x37: {  	[smem:$0x3FB6] =	sst s10  }
0x38: {  	s10 =	sld [smem:$0x3FB7]  }
0x39: {  	_ = 	snop;
	(pc) =	sbr.ind lr, $3  }
0x3a: {  	_ = 	snop  }
0x3b: {  	_ = 	snop  }
0x3c: {  	p2 =	seq.s32 s10, $0x1;
	s10 =	sld [smem:$0x3FB6]  }
0x3d: {  	_ =	shalt  }
0x3e: {  	_ =	shalt  }
0x3f: {  	_ =	shalt  }
0x40: {  	_ =	shalt  }
0x41: {  	_ =	shalt  }
0x42: {  	_ =	shalt  }
0x43: {  	_ =	shalt  }
0x44: {  	_ =	shalt  }
0x45: {  	_ =	shalt  }
0x46: {  	_ =	shalt  }
0x47: {  	_ =	shalt  }
0x48: {  	_ =	shalt  }
0x49: {  	_ =	shalt  }
0x4a: {  	_ =	shalt  }
0x4b: {  	_ =	shalt  }
0x4c: {  	_ =	shalt  }
0x4d: {  	_ =	shalt  }
0x4e: {  	_ =	shalt  }
0x4f: {  	_ =	shalt  }
0x50: {  	_ =	shalt  }
0x51: {  	_ =	shalt  }
0x52: {  	_ =	shalt  }
0x53: {  	_ =	shalt  }
0x54: {  	_ =	shalt  }
0x55: {  	_ =	shalt  }
0x56: {  	_ =	shalt  }
0x57: {  	_ =	shalt  }
0x58: {  	_ =	shalt  }
0x59: {  	_ =	shalt  }
0x5a: {  	_ =	shalt  }
0x5b: {  	_ =	shalt  }
0x5c: {  	_ =	shalt  }
0x5d: {  	_ =	shalt  }
0x5e: {  	_ =	shalt  }
0x5f: {  	_ =	shalt  }
0x60: {  	_ =	shalt  }
0x61: {  	_ =	shalt  }
0x62: {  	_ =	shalt  }
0x63: {  	_ =	shalt  }
0x64: {  	_ =	shalt  }
0x65: {  	_ =	shalt  }
0x66: {  	_ =	shalt  }
0x67: {  	_ =	shalt  }
0x68: {  	_ =	shalt  }
0x69: {  	_ =	shalt  }
0x6a: {  	_ =	shalt  }
0x6b: {  	_ =	shalt  }
0x6c: {  	_ =	shalt  }
0x6d: {  	_ =	shalt  }
0x6e: {  	_ =	shalt  }
0x6f: {  	_ =	shalt  }
0x70: {  	_ =	shalt  }
0x71: {  	_ =	shalt  }
0x72: {  	_ =	shalt  }
0x73: {  	_ =	shalt  }
0x74: {  	_ =	shalt  }
0x75: {  	_ =	shalt  }
0x76: {  	_ =	shalt  }
0x77: {  	_ =	shalt  }
0x78: {  	_ =	shalt  }
0x79: {  	_ =	shalt  }
0x7a: {  	_ =	shalt  }
0x7b: {  	_ =	shalt  }
0x7c: {  	_ =	shalt  }
0x7d: {  	_ =	shalt  }
0x7e: {  	_ =	shalt  }
0x7f: {  	_ =	shalt  }
0x80: {  	_ =	shalt  }
0x81: {  	_ =	shalt  }
0x82: {  	_ =	shalt  }
0x83: {  	_ =	shalt  }
0x84: {  	_ =	shalt  }
0x85: {  	_ =	shalt  }
0x86: {  	_ =	shalt  }
0x87: {  	_ =	shalt  }
.Lfunc_end0:
.L_simem_size_0:
called_computation_lowered:
.L_overlay_start_0:
0x88: {  	s2 =	sld [smem:$0x3FD9]  }
0x89: {  	s3 =	sld [smem:$0x3FFE];
	_ =	sdelay $0x1  }
0x8a: {  	s1 =	srdreg.scid  }
0x8b: {  	s0 =	sand.u32 $0x1, s1  }
0x8c: {  	s17 =	sshll.u32 s0, $0xA;
	s2 =	sadd.s32 s3, s2  }
0x8d: {  	s2 =	sadd.s32 s2, s17  }
0x8e: {  	[smem:$0x3FC2] =	sst s2  }
0x8f: {  	_ = 	snop  }
0x90: {  	s2 =	sld [smem:$0x3FD0];
	(tm) =	ssettm $0x1  }
0x91: {  	s18 =	sld [smem:$0x3FFB];
	_ =	sdelay $0x3  }
0x92: {  	_ =	strace s18  }
0x93: {  	s3 =	sld [smem:$0x3FFC];
	_ =	sdelay $0x3  }
0x94: {  	_ =	strace s3  }
0x95: {  	s3 =	sld [smem:$0x3FFD];
	_ =	sdelay $0x3  }
0x96: {  	_ =	strace s3  }
0x97: {  	_ =	strace $0x8FFFFFFF  }
0x98: {  	s19 =	sld [smem:$0x3FDB];
	_ =	sdelay $0x1  }
0x99: {  	s4 =	simm.s32 $_scs_section_size  }
0x9a: {  	s5 =	simm.s32 $_size__tile_overlayer_lowered;
	s6 =	simm.s32 $_tile_overlayer_lowered  }
0x9b: {  	s22 =	simm.s32 $0x1BFF;
	s21 =	sshll.u32 s6, $0x1;
	s3 =	sadd.s32 s4, s19  }
0x9c: {  	s7 =	simm.s32 $0x0;
	s20 =	sshll.u32 s5, $0x1;
	s5 =	sadd.s32 s21, s3  }
0x9d: {  	[timem:s7], [sflag:s22] =	dma.local [hbm:s5], s20  }
0x9e: {  	_ =	swait.ge [sflag:s22], s20  }
0x9f: {  	s4 =	ssub.s32 $0x0, s20;
	[sflag:s22] =	ssyncset.done $0x0  }
0xa0: {  	[sflag:s22] =	ssyncadd.s32 s4;
	_ =	sdelay $0x1  }
0xa1: {  	s23 =	simm.s32 $0x1B8B  }
0xa2: {  	_ =	swait.ge [sflag:s23], $0x1  }
0xa3: {  	[sflag:s23] =	ssyncset.done $0x0  }
0xa4: {  	s25 =	simm.s32 $0x1B8E;
	s24 =	sld [smem:$0x3FFE];
	[sflag:s23] =	ssyncadd.s32 $0xFFFFFFFF  }
0xa5: {  	s26 =	simm.s32 $execute0_lowered;
	[smem:$0x3FD2] =	sst s25  }
0xa6: {  	s5 =	sshll.u32 s26, $0x1;
	_ =	strace $0x80000046;
	[dreg:$0x1] =	wrdreg $0xFFFFFFFF  }
0xa7: {  	s28 =	simm.s32 $_size_execute0_lowered;
	s3 =	sadd.s32 s3, s5;
	[dreg:$0x0] =	wrdreg $0x0  }
0xa8: {  	s5 =	sshll.u32 s28, $0x1;
	[dreg:$0x2] =	wrdreg s3  }
0xa9: {  	[dreg:$0x3] =	wrdreg s5  }
0xaa: {  	[dreg:$0x4] =	wrdreg $0xC0  }
0xab: {  	_ =	task [dreg:s7], $0x5FFFF  }
0xac: {  	[dreg:$0x1] =	wrdreg $0xFFFFFFFF  }
0xad: {  	[dreg:$0x0] =	wrdreg $0x60  }
0xae: {  	[dreg:$0x2] =	wrdreg s24  }
0xaf: {  	[dreg:$0x3] =	wrdreg s2  }
0xb0: {  	[dreg:$0x4] =	wrdreg $0x9  }
0xb1: {  	_ =	task.clear_ibuf [dreg:s7], $0x5FFFF;
	_ =	strace $0x90000046  }
0xb2: {  	s29 =	simm.s32 $0x9;
	_ =	strace $0x80000048  }
0xb3: {  	_ =	swait.ge [sflag:s29], $0x1  }
0xb4: {  	[sflag:s29] =	ssyncadd.s32 $0xFFFFFFFF  }
0xb5: {  	_ =	strace $0x90000048  }
0xb6: {  	_ =	sfence  }
0xb7: {  	s30 =	sld [smem:$0x0];
	_ =	sdelay $0x2  }
0xb8: {  	s31 =	sshll.u32 s1, $0xD;
	s1 =	sshrl.u32 s1, $0x2  }
0xb9: {  	s3 =	sand.u32 $0x4000, s31;
	s1 =	sadd.s32 s1, s30  }
0xba: {  	s0 =	sor.u32 s3, s0;
	s1 =	sshll.u32 s1, $0x11  }
0xbb: {  	s0 =	sor.u32 s1, s0  }
0xbc: {  	s0 =	sadd.s32 $0x8F2B, s0  }
0xbd: {  	[sflag:s0] =	ssyncadd.remote.s32 $0x1  }
0xbe: {  	_ =	sfence.sel $0xFFFF  }
0xbf: {  	[dreg:$0x0] =	wrdreg $0xFFFFFFFF;
	(pc) =	sbr.abs _section_cstart, $3  }
0xc0: {  	[dreg:$0x1] =	wrdreg $0xFFFFFFFF  }
0xc1: {  	_ =	task.clear_ibuf [dreg:s7], $0x2FFFF;
	_ =	strace $0x9FFFFFFF  }
0xc2: {  	(tm) =	ssettm $0x7FFFFFFF  }
0xc3: {  	_ =	shalt  }
tec
execute0_lowered:
.L_overlay_start_1:
0x0: {  	(tag) =	ssettag $0x1  }
0x1: {  	s0 =	rddreg [dreg:$0x0];
	s1 =	simm.s32 $0x0  }
0x2: {  	[smem:$0x7FF] =	sst s1  }
0x3: {  	s2 =	rddreg [dreg:$0x1];
	v0 =	vimm.f32 $1.000000000e+00;
	_ =	strace $0x80000047  }
0x4: {  	(xrf0) =	vmax.scan.msk.f32 $0xffff, v0;
	_ =	sdelay $0x5  }
0x5: {  	v0, _, _ =	vpop (xrf0)  }
0x6: {  	(v2sf) =	vpush v0, $0xF;
	_ =	sdelay $0x1  }
0x7: {  	s3 =	srdreg.scid;
	s4 =	stileid.u32;
	s12 =	simm.s32 $0x2780  }
0x8: {  	s13 =	simm.s32 $0x10;
	s16 =	simm.s32 $0x5700;
	s17 =	simm.s32 $0x2790  }
0x9: {  	s18 =	simm.s32 $0x7700;
	s19 =	simm.s32 $0x20;
	s20 =	simm.s32 $0x5F00  }
0xa: {  	s21 =	simm.s32 $0x27A0;
	s22 =	simm.s32 $0x7F00;
	s23 =	simm.s32 $0x1  }
0xb: {  	s24 =	simm.s32 $0x2;
	s28 =	simm.s32 $0x80;
	s29 =	simm.s32 $0x400  }
0xc: {  	s30 =	simm.s32 $0x0;
	s6 =	sand.u32 $0x1, s3;
	s25 =	sshll.u32 s4, $0x1  }
0xd: {  	s7 =	sshrl.u32 s4, $0x2;
	s4 =	sadd.s32 $0xAE00, s0;
	s5 =	sor.u32 s6, s25  }
0xe: {  	s7 =	smul.u32 $0x13C00, s7;
	s26 =	ssub.s32 $0x2, s6;
	s6 =	sadd.s32 $0x63000, s0  }
0xf: {  	v38 =	vimm.f32 $-3.000000010e+38;
	s25 =	simm.s32 $0x8F80;
	s3 =	smul.u32 $0x2710, s5;
	s8 =	sshll.u32 s5, $0x7  }
0x10: {  	vm0 =	vmmov $0xffff;
	v63 =	vimm.s32 $0x0;
	vm1 =	vmmov $0x1;
	s5 =	sadd.s32 $0x32000, s0;
	s11 =	sshrl.u32 s26, $0x1;
	s8 =	sand.u32 $0x380, s8  }
.Ltmp0:
0x11: {  	vm2 =	vmmov $0x3;
	vm3 =	vmmov $0x7;
	vm4 =	vmmov $0xf;
	s11 =	ssub.s32 s26, s11;
	s7 =	sor.u32 s7, s8;
	(pc) =	sbr.rel .LBB2_1-.Ltmp0, $4  }
0x12: {  	vm5 =	vmmov $0x1f;
	vm6 =	vmmov $0x3f;
	vm7 =	vmmov $0x7f;
	s26 =	simm.s32 $0x3;
	s9 =	sshrl.u32 s3, $0x3;
	s7 =	sshrl.u32 s7, $0x3  }
0x13: {  	vm8 =	vmmov $0xff;
	vm9 =	vmmov $0x1ff;
	vm10 =	vmmov $0x3ff;
	s10 =	sadd.s32 s9, s0;
	s8 =	sadd.s32 s2, s9;
	s0 =	sadd.s32 s7, s0  }
0x14: {  	vm11 =	vmmov $0x7ff;
	vm12 =	vmmov $0xfff;
	s7 =	sadd.s32 $0x1000, s10;
	s10 =	smax.u32 s11, $0x1;
	v0 =	vsel vm0, $0xFFFFFFFF, v63;
	s31 =	spop (v2sf)  }
0x15: {  	vm13 =	vmmov $0x1fff;
	vm14 =	vmmov $0x3fff;
	vm15 =	vmmov $0x7fff;
	s11 =	simm.s32 $0x4;
	s9 =	sadd.s32 $0x59200, s0;
	[tilespmem:$0x1FFF0] =	vst v0;
	p0 =	sgt.f32 s31, $0.0e+00  }
.LBB2_8:
0x16: {  	_ =	swait.ge [sflag:s26], $0x10  }
0x17: {  	[sflag:s26] =	ssyncset.done $0x0  }
0x18: {  	[sflag:s26] =	ssyncadd.s32 $0xFFFFFFF0  }
0x19: {  	_ =	swait.ge [sflag:s26], $0x10  }
0x1a: {  	[sflag:s26] =	ssyncset.done $0x0  }
0x1b: {  	[sflag:s26] =	ssyncadd.s32 $0xFFFFFFF0  }
0x1c: {  	_ =	swait.ge [sflag:s26], $0x10  }
0x1d: {  	[sflag:s26] =	ssyncset.done $0x0  }
0x1e: {  	[sflag:s26] =	ssyncadd.s32 $0xFFFFFFF0  }
0x1f: {  	s30 =	sadd.s32 $0x1, s30;
	_ =	swait.ge [sflag:s26], $0x10  }
0x20: {  	p1 =	sne.s32 s30, s10;
	[sflag:s26] =	ssyncset.done $0x0  }
.Ltmp1:
0x21: {  	[sflag:s26] =	ssyncadd.s32 $0xFFFFFFF0;
	(pc) =	sbr.rel @!p1 .LBB2_9-.Ltmp1, $4  }
0x22: {  	[hbm4b:s9+s28] =	stream.strided.scatter [tilespmem:s25], [sflag:$0x4], $0x2780, s29, s28, $0x38;
	[tilespmem:$0xB700] =	vst v63  }
0x23: {  	_ =	swait.ge [sflag:s11], $0x2780  }
0x24: {  	[sflag:s11] =	ssyncset.done $0x0  }
0x25: {  	[sflag:s11] =	ssyncadd.s32 $0xFFFFD880  }
.LBB2_1:
0x26: {  	s0 =	simm.s32 $0x40;
	s2 =	simm.s32 $0x0  }
.LBB2_2:
0x27: {  	p1 =	sne.s32 s0, $0x9C00;
	[tilespmem:s2+$0x8F80] =	vst v38;
	s2 =	smov.u32 s0;
	s0 =	sadd.s32 $0x40, s0  }
.Ltmp2:
0x28: {  	(pc) =	sbr.rel @p1 .LBB2_2-.Ltmp2, $2  }
0x29: {  	_ =	sdelay $0x2  }
0x2a: {  	s2 =	sshra.s32 s2, $0x2  }
0x2b: {  	[tilespmem:s2+$0x8F80] =	vst v38;
	s31 =	simm.s32 $0x0  }
0x2c: {  	[tilespmem:s31], [sflag:$0x4] =	stream.linear.gather [hbm4b:s7+s31], $0x2710, $0x38;
	[tilespmem:$0xB700] =	vst v63  }
0x2d: {  	_ =	swait.ge [sflag:s11], $0x2710  }
0x2e: {  	[sflag:s11] =	ssyncset.done $0x0  }
0x2f: {  	[sflag:s11] =	ssyncadd.s32 $0xFFFFD8F0  }
0x30: {  	[tilespmem:s12], [sflag:$0x4] =	stream.linear.gather [hbm4b:s8+s31], $0x2710, $0x38;
	[tilespmem:$0xB700] =	vst v63  }
0x31: {  	_ =	swait.ge [sflag:s11], $0x2710  }
0x32: {  	[sflag:s11] =	ssyncset.done $0x0  }
0x33: {  	s0 =	simm.s32 $0x4F00;
	[sflag:s11] =	ssyncadd.s32 $0xFFFFD8F0  }
0x34: {  	[tilespmem:s0], [sflag:$0x1] =	stream.indirect.gather [hbm4b:s4+s13], $0x80, s31, s13, $0xb8;
	[tilespmem:$0xB700] =	vst v63  }
0x35: {  	s15 =	simm.s32 $0x6F00  }
0x36: {  	[tilespmem:s15], [sflag:$0x2] =	stream.indirect.gather [hbm4b:s5+s13], $0x80, s12, s13, $0xb8;
	[tilespmem:$0xB700] =	vst v63  }
0x37: {  	_ = 	snop  }
0x38: {  	[tilespmem:s16], [sflag:$0x1] =	stream.indirect.gather [hbm4b:s4+s13], $0x80, s13, s13, $0xb8;
	[tilespmem:$0xB700] =	vst v63  }
0x39: {  	_ = 	snop  }
0x3a: {  	[tilespmem:s18], [sflag:$0x2] =	stream.indirect.gather [hbm4b:s5+s13], $0x80, s17, s13, $0xb8;
	[tilespmem:$0xB700] =	vst v63  }
.Ltmp3:
0x3b: {  	_ = 	snop;
	(pc) =	sbr.rel .LBB2_4-.Ltmp3, $4  }
0x3c: {  	_ = 	snop  }
0x3d: {  	[tilespmem:s20], [sflag:$0x1] =	stream.indirect.gather [hbm4b:s4+s13], $0x80, s19, s13, $0xb8;
	[tilespmem:$0xB700] =	vst v63  }
0x3e: {  	_ = 	snop  }
0x3f: {  	[tilespmem:s22], [sflag:$0x2] =	stream.indirect.gather [hbm4b:s5+s13], $0x80, s21, s13, $0xb8;
	[tilespmem:$0xB700] =	vst v63  }
.LBB2_7:
0x40: {  	s31 =	sadd.s32 $0x1, s31  }
0x41: {  	p1 =	sne.s32 s31, $0x271  }
.Ltmp4:
0x42: {  	_ = 	snop;
	(pc) =	sbr.rel @!p1 .LBB2_8-.Ltmp4, $4  }
0x43: {  	s0 =	sadd.s32 s3, s0  }
0x44: {  	s0 =	sshrl.u32 s0, $0x3  }
0x45: {  	s2 =	sor.u32 $0x8F00, s2;
	s0 =	sadd.s32 s6, s0  }
0x46: {  	[hbm4b:s0+s1] =	stream.linear.scatter [tilespmem:s2], [sflag:$0x3], $0x10, $0x38;
	[tilespmem:$0xB700] =	vst v63  }
.LBB2_4:
0x47: {  	p1 =	sgt.u32 s31, $0x26D  }
0x48: {  	s0 =	sadd.s32 @!p1 $0x3, s31  }
0x49: {  	s2 =	sshll.u32 @!p1 s0, $0xB  }
0x4a: {  	s2 =	sand.u32 @!p1 $0x1800, s2  }
0x4b: {  	s15 =	simm.s32 @!p1 $0x10;
	s0 =	sshll.u32 @!p1 s0, $0x4;
	s14 =	sadd.s32 @!p1 $0x4F00, s2  }
0x4c: {  	[tilespmem:s14], [sflag:$0x1] =	stream.indirect.gather @!p1 [hbm4b:s4+s15], $0x80, s0, s15, $0xb8;
	[tilespmem:$0xB700] =	vst v63  }
0x4d: {  	s2 =	sadd.s32 @!p1 $0x6F00, s2;
	s0 =	sadd.s32 @!p1 $0x2780, s0  }
0x4e: {  	[tilespmem:s2], [sflag:$0x2] =	stream.indirect.gather @!p1 [hbm4b:s5+s15], $0x80, s0, s15, $0xb8;
	[tilespmem:$0xB700] =	vst v63  }
0x4f: {  	_ =	swait.ge [sflag:s23], $0x800  }
0x50: {  	[sflag:s23] =	ssyncset.done $0x0  }
0x51: {  	[sflag:s23] =	ssyncadd.s32 $0xFFFFF800  }
0x52: {  	_ =	swait.ge [sflag:s24], $0x800  }
0x53: {  	p1 =	slt.u32 s31, $0x4;
	[sflag:s24] =	ssyncset.done $0x0  }
0x54: {  	s14 =	simm.s32 @!p1 $0x3;
	[sflag:s24] =	ssyncadd.s32 $0xFFFFF800  }
0x55: {  	s0 =	sshll.u32 s31, $0x4;
	_ =	swait.ge @!p1 [sflag:s14], $0x10  }
0x56: {  	s2 =	sand.u32 $0x30, s0;
	[sflag:s14] =	ssyncset.done @!p1 $0x0  }
0x57: {  	s15 =	sshll.u32 s2, $0x7;
	[sflag:s14] =	ssyncadd.s32 @!p1 $0xFFFFFFF0  }
0x58: {  	v37 =	vld [tilespmem:s15+$0x4F00]  }
0x59: {  	v26 =	vld [tilespmem:s15+$0x6F00]  }
0x5a: {  	v55 =	vld [tilespmem:s15+$0x4F10]  }
0x5b: {  	v27 =	vld [tilespmem:s15+$0x6F10]  }
0x5c: {  	v28 =	vld [tilespmem:s15+$0x4F20]  }
0x5d: {  	v14 =	vld [tilespmem:s15+$0x6F20]  }
0x5e: {  	v29 =	vld [tilespmem:s15+$0x4F30]  }
0x5f: {  	v15 =	vld [tilespmem:s15+$0x6F30]  }
0x60: {  	v16 =	vld [tilespmem:s15+$0x4F40]  }
0x61: {  	v10 =	vld [tilespmem:s15+$0x6F40]  }
0x62: {  	v17 =	vld [tilespmem:s15+$0x4F50]  }
0x63: {  	v11 =	vld [tilespmem:s15+$0x6F50]  }
0x64: {  	v4 =	vld [tilespmem:s15+$0x4F60]  }
0x65: {  	v2 =	vld [tilespmem:s15+$0x6F60]  }
0x66: {  	v5 =	vld [tilespmem:s15+$0x4F70]  }
0x67: {  	v3 =	vld [tilespmem:s15+$0x6F70]  }
0x68: {  	v30 =	vld [tilespmem:s15+$0x4F80]  }
0x69: {  	v18 =	vld [tilespmem:s15+$0x6F80]  }
0x6a: {  	v19 =	vld [tilespmem:s15+$0x4F90]  }
0x6b: {  	v6 =	vld [tilespmem:s15+$0x6F90]  }
0x6c: {  	v31 =	vld [tilespmem:s15+$0x4FA0]  }
0x6d: {  	v20 =	vld [tilespmem:s15+$0x6FA0]  }
0x6e: {  	v21 =	vld [tilespmem:s15+$0x4FB0]  }
0x6f: {  	v7 =	vld [tilespmem:s15+$0x6FB0]  }
0x70: {  	v24 =	vld [tilespmem:s15+$0x4FC0]  }
0x71: {  	v22 =	vld [tilespmem:s15+$0x6FC0]  }
0x72: {  	v23 =	vld [tilespmem:s15+$0x4FD0]  }
0x73: {  	v8 =	vld [tilespmem:s15+$0x6FD0]  }
0x74: {  	v25 =	vld [tilespmem:s15+$0x4FE0]  }
0x75: {  	v12 =	vld [tilespmem:s15+$0x6FE0]  }
0x76: {  	v13 =	vld [tilespmem:s15+$0x4FF0]  }
0x77: {  	v9 =	vld [tilespmem:s15+$0x6FF0]  }
0x78: {  	v49 =	vld [tilespmem:s15+$0x5000]  }
0x79: {  	v44 =	vld [tilespmem:s15+$0x7000]  }
0x7a: {  	v39 =	vld [tilespmem:s15+$0x5010]  }
0x7b: {  	v1 =	vld [tilespmem:s15+$0x7010]  }
0x7c: {  	v51 =	vld [tilespmem:s15+$0x5020]  }
0x7d: {  	v40 =	vld [tilespmem:s15+$0x7020]  }
0x7e: {  	v41 =	vld [tilespmem:s15+$0x5030]  }
0x7f: {  	v33 =	vld [tilespmem:s15+$0x7030]  }
0x80: {  	v47 =	vld [tilespmem:s15+$0x5040]  }
0x81: {  	v42 =	vld [tilespmem:s15+$0x7040]  }
0x82: {  	v43 =	vld [tilespmem:s15+$0x5050]  }
0x83: {  	v34 =	vld [tilespmem:s15+$0x7050]  }
0x84: {  	v0 =	vld [tilespmem:s15+$0x5060]  }
0x85: {  	v45 =	vld [tilespmem:s15+$0x5090]  }
0x86: {  	v35 =	vld [tilespmem:s15+$0x7060]  }
0x87: {  	v36 =	vld [tilespmem:s15+$0x5070]  }
0x88: {  	v32 =	vld [tilespmem:s15+$0x7070]  }
0x89: {  	v53 =	vld [tilespmem:s15+$0x5080]  }
0x8a: {  	v48 =	vld [tilespmem:s15+$0x7080];
	[tilespmem:$0x1F7C0] =	vst v45  }
0x8b: {  	v57 =	vld [tilespmem:s15+$0x5100];
	_ =	sdelay $0x4  }
0x8c: {  	[tilespmem:$0x1F7E0] =	vst v57;
	v57 =	vld [tilespmem:s15+$0x7100];
	_ =	sdelay $0x4  }
0x8d: {  	[tilespmem:$0x1F7F0] =	vst v57;
	v57 =	vld [tilespmem:s15+$0x5110];
	_ =	sdelay $0x4  }
0x8e: {  	[tilespmem:$0x1F800] =	vst v57;
	v57 =	vld [tilespmem:s15+$0x7110];
	_ =	sdelay $0x4  }
0x8f: {  	[tilespmem:$0x1F810] =	vst v57;
	v57 =	vld [tilespmem:s15+$0x5120];
	_ =	sdelay $0x4  }
0x90: {  	[tilespmem:$0x1F820] =	vst v57;
	v57 =	vld [tilespmem:s15+$0x7120];
	_ =	sdelay $0x4  }
0x91: {  	[tilespmem:$0x1F830] =	vst v57;
	v57 =	vld [tilespmem:s15+$0x5130];
	_ =	sdelay $0x4  }
0x92: {  	[tilespmem:$0x1F840] =	vst v57;
	v57 =	vld [tilespmem:s15+$0x7130];
	_ =	sdelay $0x4  }
0x93: {  	[tilespmem:$0x1F850] =	vst v57;
	v57 =	vld [tilespmem:s15+$0x5140];
	_ =	sdelay $0x4  }
0x94: {  	[tilespmem:$0x1F860] =	vst v57;
	v57 =	vld [tilespmem:s15+$0x7140];
	_ =	sdelay $0x4  }
0x95: {  	[tilespmem:$0x1F870] =	vst v57;
	v57 =	vld [tilespmem:s15+$0x5150];
	_ =	sdelay $0x4  }
0x96: {  	[tilespmem:$0x1F880] =	vst v57;
	v57 =	vld [tilespmem:s15+$0x7150];
	_ =	sdelay $0x4  }
0x97: {  	[tilespmem:$0x1F890] =	vst v57;
	v57 =	vld [tilespmem:s15+$0x5160];
	_ =	sdelay $0x4  }
0x98: {  	[tilespmem:$0x1F8A0] =	vst v57;
	v57 =	vld [tilespmem:s15+$0x7160];
	_ =	sdelay $0x4  }
0x99: {  	[tilespmem:$0x1F8B0] =	vst v57;
	v57 =	vld [tilespmem:s15+$0x5170];
	_ =	sdelay $0x4  }
0x9a: {  	[tilespmem:$0x1F8C0] =	vst v57;
	v57 =	vld [tilespmem:s15+$0x7170];
	_ =	sdelay $0x4  }
0x9b: {  	[tilespmem:$0x1F8D0] =	vst v57;
	v57 =	vld [tilespmem:s15+$0x5180];
	_ =	sdelay $0x4  }
0x9c: {  	[tilespmem:$0x1F8E0] =	vst v57;
	v57 =	vld [tilespmem:s15+$0x7180];
	_ =	sdelay $0x4  }
0x9d: {  	[tilespmem:$0x1F8F0] =	vst v57;
	v57 =	vld [tilespmem:s15+$0x5190];
	_ =	sdelay $0x4  }
0x9e: {  	[tilespmem:$0x1F900] =	vst v57;
	v57 =	vld [tilespmem:s15+$0x7190];
	_ =	sdelay $0x4  }
0x9f: {  	[tilespmem:$0x1F910] =	vst v57;
	v57 =	vld [tilespmem:s15+$0x51A0];
	_ =	sdelay $0x4  }
0xa0: {  	[tilespmem:$0x1F920] =	vst v57;
	v57 =	vld [tilespmem:s15+$0x71A0];
	_ =	sdelay $0x4  }
0xa1: {  	[tilespmem:$0x1F930] =	vst v57;
	v57 =	vld [tilespmem:s15+$0x51B0];
	_ =	sdelay $0x4  }
0xa2: {  	[tilespmem:$0x1F940] =	vst v57;
	v57 =	vld [tilespmem:s15+$0x71B0];
	_ =	sdelay $0x4  }
0xa3: {  	[tilespmem:$0x1F950] =	vst v57;
	v57 =	vld [tilespmem:s15+$0x51C0];
	_ =	sdelay $0x4  }
0xa4: {  	[tilespmem:$0x1F960] =	vst v57;
	v57 =	vld [tilespmem:s15+$0x71C0];
	_ =	sdelay $0x4  }
0xa5: {  	[tilespmem:$0x1F970] =	vst v57;
	v57 =	vld [tilespmem:s15+$0x51D0];
	_ =	sdelay $0x4  }
0xa6: {  	[tilespmem:$0x1F980] =	vst v57;
	v57 =	vld [tilespmem:s15+$0x71D0];
	_ =	sdelay $0x4  }
0xa7: {  	[tilespmem:$0x1F990] =	vst v57;
	v57 =	vld [tilespmem:s15+$0x51E0];
	_ =	sdelay $0x4  }
0xa8: {  	[tilespmem:$0x1F9A0] =	vst v57;
	v57 =	vld [tilespmem:s15+$0x71E0];
	_ =	sdelay $0x4  }
0xa9: {  	[tilespmem:$0x1F9B0] =	vst v57;
	v57 =	vld [tilespmem:s15+$0x51F0];
	_ =	sdelay $0x4  }
0xaa: {  	[tilespmem:$0x1F9C0] =	vst v57;
	v57 =	vld [tilespmem:s15+$0x71F0];
	_ =	sdelay $0x4  }
0xab: {  	[tilespmem:$0x1F9D0] =	vst v57;
	v57 =	vld [tilespmem:s15+$0x5200];
	_ =	sdelay $0x4  }
0xac: {  	[tilespmem:$0x1F9E0] =	vst v57;
	v57 =	vld [tilespmem:s15+$0x7200];
	_ =	sdelay $0x4  }
0xad: {  	[tilespmem:$0x1F9F0] =	vst v57;
	v57 =	vld [tilespmem:s15+$0x5210];
	_ =	sdelay $0x4  }
0xae: {  	[tilespmem:$0x1FA00] =	vst v57;
	v57 =	vld [tilespmem:s15+$0x7210];
	_ =	sdelay $0x4  }
0xaf: {  	[tilespmem:$0x1FA10] =	vst v57;
	v57 =	vld [tilespmem:s15+$0x5220];
	_ =	sdelay $0x2  }
0xb0: {  	v2 =	vmul.f32 v2, v4;
	v4 =	vld [tilespmem:s15+$0x54A0];
	_ =	sdelay $0x1  }
0xb1: {  	v26 =	vmul.f32 v26, v37;
	v27 =	vmul.f32 v27, v55;
	[tilespmem:$0x1FA20] =	vst v57;
	v57 =	vld [tilespmem:s15+$0x7220]  }
0xb2: {  	v14 =	vmul.f32 v14, v28;
	v15 =	vmul.f32 v15, v29  }
0xb3: {  	v10 =	vmul.f32 v10, v16;
	v11 =	vmul.f32 v11, v17  }
0xb4: {  	v3 =	vmul.f32 v3, v5;
	v5 =	vadd.f32 v15, v14;
	[tilespmem:$0x1FEF0] =	vst v4;
	v4 =	vadd.f32 v27, v26  }
0xb5: {  	v7 =	vmul.f32 v7, v21;
	v39 =	vmul.f32 v1, v39;
	v1 =	vld [tilespmem:s15+$0x74E0];
	v10 =	vadd.f32 v11, v10  }
0xb6: {  	v2 =	vadd.f32 v3, v2;
	v4 =	vadd.f32 v5, v4;
	v5 =	vmul.f32 v20, v31;
	[tilespmem:$0x1FA30] =	vst v57;
	v57 =	vld [tilespmem:s15+$0x5230];
	_ =	sdelay $0x1  }
0xb7: {  	v2 =	vadd.f32 v2, v10;
	v5 =	vadd.f32 v7, v5;
	v7 =	vld [tilespmem:s15+$0x54D0]  }
0xb8: {  	v18 =	vmul.f32 v18, v30;
	v6 =	vmul.f32 v6, v19  }
0xb9: {  	v28 =	vmul.f32 v22, v24;
	v8 =	vmul.f32 v8, v23;
	[tilespmem:$0x1FF80] =	vst v1;
	v1 =	vadd.f32 v2, v4  }
0xba: {  	v9 =	vmul.f32 v9, v13;
	v3 =	vmul.f32 v12, v25;
	[tilespmem:$0x1FA40] =	vst v57;
	v57 =	vld [tilespmem:s15+$0x7230]  }
0xbb: {  	v6 =	vadd.f32 v6, v18;
	[tilespmem:$0x1FFA0] =	vst v1;
	v1 =	vld [tilespmem:s15+$0x54F0]  }
0xbc: {  	v54 =	vld [tilespmem:s15+$0x7090];
	v3 =	vadd.f32 v9, v3;
	[tilespmem:$0x1FF50] =	vst v7;
	v7 =	vadd.f32 v8, v28  }
0xbd: {  	v45 =	vld [tilespmem:s15+$0x50D0]  }
0xbe: {  	v5 =	vadd.f32 v5, v6;
	v6 =	vld [tilespmem:s15+$0x54E0];
	v3 =	vadd.f32 v3, v7  }
0xbf: {  	[tilespmem:$0x1FA50] =	vst v57;
	v57 =	vld [tilespmem:s15+$0x5240]  }
0xc0: {  	[tilespmem:$0x1FF90] =	vst v1;
	v1 =	vadd.f32 v3, v5;
	v5 =	vmul.f32 v34, v43;
	v43 =	vmul.f32 v35, v0;
	v0 =	vld [tilespmem:$0x1F7C0];
	_ =	sdelay $0x1  }
0xc1: {  	[tilespmem:$0x1F7D0] =	vst v45;
	v2 =	vmul.f32 v40, v51  }
0xc2: {  	v60 =	vld [tilespmem:s15+$0x70D0];
	v4 =	vmul.f32 v33, v41;
	[tilespmem:$0x1FF70] =	vst v6;
	v6 =	vmul.f32 v44, v49  }
0xc3: {  	v44 =	vmul.f32 v32, v36;
	v3 =	vmul.f32 v42, v47;
	[tilespmem:$0x1FA60] =	vst v57;
	v57 =	vld [tilespmem:s15+$0x7240]  }
0xc4: {  	v4 =	vadd.f32 v4, v2;
	v6 =	vadd.f32 v39, v6;
	v49 =	vmul.f32 v54, v0;
	v0 =	vld [tilespmem:$0x1F7D0]  }
0xc5: {  	v47 =	vmul.f32 v48, v53;
	v3 =	vadd.f32 v5, v3;
	v48 =	vadd.f32 v44, v43;
	_ =	sdelay $0x1  }
0xc6: {  	v4 =	vadd.f32 v4, v6;
	v3 =	vadd.f32 v48, v3  }
0xc7: {  	[tilespmem:$0x1FA70] =	vst v57;
	v57 =	vld [tilespmem:s15+$0x5250]  }
0xc8: {  	v54 =	vmul.f32 v60, v0;
	v0 =	vadd.f32 v3, v4  }
0xc9: {  	[tilespmem:$0x1FFB0] =	vst v1;
	v1 =	vld [tilespmem:$0x1F7F0]  }
0xca: {  	[tilespmem:$0x1FFC0] =	vst v0;
	v0 =	vld [tilespmem:$0x1F7E0];
	_ =	sdelay $0x1  }
0xcb: {  	[tilespmem:$0x1FA80] =	vst v57;
	v57 =	vld [tilespmem:s15+$0x7250];
	_ =	sdelay $0x2  }
0xcc: {  	v3 =	vmul.f32 v1, v0;
	v0 =	vld [tilespmem:$0x1F800]  }
0xcd: {  	v1 =	vld [tilespmem:$0x1F810]  }
0xce: {  	[tilespmem:$0x1FA90] =	vst v57;
	v57 =	vld [tilespmem:s15+$0x5260];
	_ =	sdelay $0x1  }
0xcf: {  	v59 =	vld [tilespmem:s15+$0x50C0]  }
0xd0: {  	v52 =	vld [tilespmem:s15+$0x70C0]  }
0xd1: {  	v4 =	vmul.f32 v1, v0;
	v0 =	vld [tilespmem:$0x1F820]  }
0xd2: {  	[tilespmem:$0x1FAA0] =	vst v57;
	v57 =	vld [tilespmem:s15+$0x7260]  }
0xd3: {  	v1 =	vld [tilespmem:$0x1F830];
	_ =	sdelay $0x2  }
0xd4: {  	v63 =	vld [tilespmem:s15+$0x50B0]  }
0xd5: {  	[tilespmem:$0x1FAB0] =	vst v57;
	v57 =	vld [tilespmem:s15+$0x5270]  }
0xd6: {  	v53 =	vmul.f32 v52, v59;
	v59 =	vmul.f32 v1, v0;
	v0 =	vld [tilespmem:$0x1F840]  }
0xd7: {  	v1 =	vld [tilespmem:$0x1F850]  }
0xd8: {  	v58 =	vld [tilespmem:s15+$0x70B0]  }
0xd9: {  	v62 =	vld [tilespmem:s15+$0x50F0]  }
0xda: {  	[tilespmem:$0x1FAC0] =	vst v57;
	v57 =	vld [tilespmem:s15+$0x7270]  }
0xdb: {  	v46 =	vld [tilespmem:s15+$0x70F0]  }
0xdc: {  	v60 =	vmul.f32 v1, v0;
	v0 =	vld [tilespmem:$0x1F860]  }
0xdd: {  	v1 =	vld [tilespmem:$0x1F870];
	_ =	sdelay $0x1  }
0xde: {  	[tilespmem:$0x1FAD0] =	vst v57;
	v57 =	vld [tilespmem:s15+$0x5280];
	_ =	sdelay $0x1  }
0xdf: {  	v29 =	vld [tilespmem:s15+$0x7490];
	v51 =	vmul.f32 v58, v63  }
0xe0: {  	v58 =	vmul.f32 v46, v62;
	v62 =	vmul.f32 v1, v0;
	v0 =	vld [tilespmem:$0x1F880]  }
0xe1: {  	v1 =	vld [tilespmem:$0x1F890]  }
0xe2: {  	[tilespmem:$0x1FAE0] =	vst v57;
	v57 =	vld [tilespmem:s15+$0x7280];
	_ =	sdelay $0x2  }
0xe3: {  	[tilespmem:$0x1FEE0] =	vst v29;
	v29 =	vld [tilespmem:s15+$0x54C0]  }
0xe4: {  	v63 =	vmul.f32 v1, v0;
	v0 =	vld [tilespmem:$0x1F8A0]  }
0xe5: {  	[tilespmem:$0x1FAF0] =	vst v57;
	v57 =	vld [tilespmem:s15+$0x5290]  }
0xe6: {  	v1 =	vld [tilespmem:$0x1F8B0];
	_ =	sdelay $0x1  }
0xe7: {  	v56 =	vld [tilespmem:s15+$0x50A0]  }
0xe8: {  	v30 =	vld [tilespmem:s15+$0x74C0]  }
0xe9: {  	[tilespmem:$0x1FB00] =	vst v57;
	v57 =	vld [tilespmem:s15+$0x7290]  }
0xea: {  	[tilespmem:$0x1FF30] =	vst v29;
	v29 =	vmul.f32 v1, v0;
	v0 =	vld [tilespmem:$0x1F8C0]  }
0xeb: {  	v1 =	vld [tilespmem:$0x1F8D0]  }
0xec: {  	v50 =	vld [tilespmem:s15+$0x70A0]  }
0xed: {  	v61 =	vld [tilespmem:s15+$0x50E0]  }
0xee: {  	[tilespmem:$0x1FB10] =	vst v57;
	v57 =	vld [tilespmem:s15+$0x52A0]  }
0xef: {  	v45 =	vld [tilespmem:s15+$0x70E0]  }
0xf0: {  	[tilespmem:$0x1FF40] =	vst v30;
	v30 =	vmul.f32 v1, v0;
	v0 =	vld [tilespmem:$0x1F8E0]  }
0xf1: {  	v1 =	vld [tilespmem:$0x1F8F0];
	_ =	sdelay $0x1  }
0xf2: {  	[tilespmem:$0x1FB20] =	vst v57;
	v57 =	vld [tilespmem:s15+$0x72A0];
	_ =	sdelay $0x1  }
0xf3: {  	v50 =	vmul.f32 v50, v56  }
0xf4: {  	v56 =	vmul.f32 v45, v61;
	v33 =	vmul.f32 v1, v0;
	v0 =	vld [tilespmem:$0x1F900]  }
0xf5: {  	v1 =	vld [tilespmem:$0x1F910]  }
0xf6: {  	v14 =	vadd.f32 v51, v50;
	v28 =	vadd.f32 v58, v56;
	[tilespmem:$0x1FB30] =	vst v57;
	v57 =	vld [tilespmem:s15+$0x52B0]  }
0xf7: {  	v13 =	vadd.f32 v49, v47;
	v61 =	vadd.f32 v54, v53;
	_ =	sdelay $0x1  }
0xf8: {  	v13 =	vadd.f32 v14, v13;
	v21 =	vadd.f32 v28, v61;
	_ =	sdelay $0x1  }
0xf9: {  	v34 =	vmul.f32 v1, v0;
	v0 =	vadd.f32 v21, v13;
	[tilespmem:$0x1FB40] =	vst v57;
	v57 =	vld [tilespmem:s15+$0x72B0];
	_ =	sdelay $0x1  }
0xfa: {  	[tilespmem:$0x1FFD0] =	vst v0;
	v0 =	vld [tilespmem:$0x1F920]  }
0xfb: {  	v1 =	vld [tilespmem:$0x1F930]  }
0xfc: {  	v31 =	vld [tilespmem:s15+$0x74D0]  }
0xfd: {  	[tilespmem:$0x1FB50] =	vst v57;
	v57 =	vld [tilespmem:s15+$0x52C0];
	_ =	sdelay $0x2  }
0xfe: {  	v35 =	vmul.f32 v1, v0;
	v0 =	vld [tilespmem:$0x1F940]  }
0xff: {  	[tilespmem:$0x1FF60] =	vst v31;
	v3 =	vadd.f32 v4, v3;
	v4 =	vadd.f32 v60, v59;
	v1 =	vld [tilespmem:$0x1F950]  }
0x100: {  	v31 =	vadd.f32 v63, v62;
	v32 =	vadd.f32 v30, v29;
	[tilespmem:$0x1FB60] =	vst v57;
	v57 =	vld [tilespmem:s15+$0x72C0];
	_ =	sdelay $0x1  }
0x101: {  	v4 =	vadd.f32 v4, v3;
	v22 =	vadd.f32 v32, v31;
	_ =	sdelay $0x1  }
0x102: {  	v36 =	vmul.f32 v1, v0;
	v0 =	vadd.f32 v22, v4  }
0x103: {  	[tilespmem:$0x1FB70] =	vst v57;
	v57 =	vld [tilespmem:s15+$0x52D0]  }
0x104: {  	[tilespmem:$0x1FFE0] =	vst v0;
	v0 =	vld [tilespmem:$0x1F960]  }
0x105: {  	v1 =	vld [tilespmem:$0x1F970];
	_ =	sdelay $0x2  }
0x106: {  	[tilespmem:$0x1FB80] =	vst v57;
	v57 =	vld [tilespmem:s15+$0x72D0];
	_ =	sdelay $0x1  }
0x107: {  	v39 =	vmul.f32 v1, v0;
	v0 =	vld [tilespmem:$0x1F980]  }
0x108: {  	v1 =	vld [tilespmem:$0x1F990];
	_ =	sdelay $0x1  }
0x109: {  	[tilespmem:$0x1FB90] =	vst v57;
	v57 =	vld [tilespmem:s15+$0x52E0];
	_ =	sdelay $0x2  }
0x10a: {  	v40 =	vmul.f32 v1, v0;
	v0 =	vld [tilespmem:$0x1F9A0]  }
0x10b: {  	v1 =	vld [tilespmem:$0x1F9B0]  }
0x10c: {  	[tilespmem:$0x1FBA0] =	vst v57;
	v57 =	vld [tilespmem:s15+$0x72E0];
	_ =	sdelay $0x3  }
0x10d: {  	v41 =	vmul.f32 v1, v0;
	v0 =	vld [tilespmem:$0x1F9C0]  }
0x10e: {  	[tilespmem:$0x1FBB0] =	vst v57;
	v57 =	vld [tilespmem:s15+$0x52F0]  }
0x10f: {  	v1 =	vld [tilespmem:$0x1F9D0];
	_ =	sdelay $0x3  }
0x110: {  	[tilespmem:$0x1FBC0] =	vst v57;
	v57 =	vld [tilespmem:s15+$0x72F0]  }
0x111: {  	v42 =	vmul.f32 v1, v0;
	v0 =	vld [tilespmem:$0x1F9E0]  }
0x112: {  	v1 =	vld [tilespmem:$0x1F9F0];
	_ =	sdelay $0x2  }
0x113: {  	[tilespmem:$0x1FBD0] =	vst v57;
	v57 =	vld [tilespmem:s15+$0x5300];
	_ =	sdelay $0x1  }
0x114: {  	v44 =	vmul.f32 v1, v0;
	v0 =	vld [tilespmem:$0x1FA00]  }
0x115: {  	v1 =	vld [tilespmem:$0x1FA10];
	_ =	sdelay $0x1  }
0x116: {  	[tilespmem:$0x1FBE0] =	vst v57;
	v57 =	vld [tilespmem:s15+$0x7300];
	_ =	sdelay $0x2  }
0x117: {  	v45 =	vmul.f32 v1, v0;
	v0 =	vld [tilespmem:$0x1FA20]  }
0x118: {  	v1 =	vld [tilespmem:$0x1FA30]  }
0x119: {  	[tilespmem:$0x1FBF0] =	vst v57;
	v57 =	vld [tilespmem:s15+$0x5310];
	_ =	sdelay $0x3  }
0x11a: {  	v46 =	vmul.f32 v1, v0;
	v0 =	vld [tilespmem:$0x1FA40]  }
0x11b: {  	[tilespmem:$0x1FC00] =	vst v57;
	v57 =	vld [tilespmem:s15+$0x7310]  }
0x11c: {  	v1 =	vld [tilespmem:$0x1FA50];
	_ =	sdelay $0x3  }
0x11d: {  	[tilespmem:$0x1FC10] =	vst v57;
	v57 =	vld [tilespmem:s15+$0x5320]  }
0x11e: {  	v47 =	vmul.f32 v1, v0;
	v0 =	vld [tilespmem:$0x1FA60]  }
0x11f: {  	v1 =	vld [tilespmem:$0x1FA70];
	_ =	sdelay $0x2  }
0x120: {  	[tilespmem:$0x1FC20] =	vst v57;
	v57 =	vld [tilespmem:s15+$0x7320];
	_ =	sdelay $0x1  }
0x121: {  	v48 =	vmul.f32 v1, v0;
	v0 =	vld [tilespmem:$0x1FA80]  }
0x122: {  	v1 =	vld [tilespmem:$0x1FA90];
	_ =	sdelay $0x1  }
0x123: {  	[tilespmem:$0x1FC30] =	vst v57;
	v57 =	vld [tilespmem:s15+$0x5330];
	_ =	sdelay $0x2  }
0x124: {  	v49 =	vmul.f32 v1, v0;
	v0 =	vld [tilespmem:$0x1FAA0]  }
0x125: {  	v1 =	vld [tilespmem:$0x1FAB0]  }
0x126: {  	[tilespmem:$0x1FC40] =	vst v57;
	v57 =	vld [tilespmem:s15+$0x7330];
	_ =	sdelay $0x3  }
0x127: {  	v50 =	vmul.f32 v1, v0;
	v0 =	vld [tilespmem:$0x1FAC0]  }
0x128: {  	[tilespmem:$0x1FC50] =	vst v57;
	v57 =	vld [tilespmem:s15+$0x5340]  }
0x129: {  	v1 =	vld [tilespmem:$0x1FAD0];
	_ =	sdelay $0x3  }
0x12a: {  	[tilespmem:$0x1FC60] =	vst v57;
	v57 =	vld [tilespmem:s15+$0x7340]  }
0x12b: {  	v51 =	vmul.f32 v1, v0;
	v0 =	vld [tilespmem:$0x1FAE0]  }
0x12c: {  	v1 =	vld [tilespmem:$0x1FAF0];
	_ =	sdelay $0x2  }
0x12d: {  	[tilespmem:$0x1FC70] =	vst v57;
	v57 =	vld [tilespmem:s15+$0x5350];
	_ =	sdelay $0x1  }
0x12e: {  	v52 =	vmul.f32 v1, v0;
	v0 =	vld [tilespmem:$0x1FB00]  }
0x12f: {  	v1 =	vld [tilespmem:$0x1FB10];
	_ =	sdelay $0x1  }
0x130: {  	[tilespmem:$0x1FC80] =	vst v57;
	v57 =	vld [tilespmem:s15+$0x7350];
	_ =	sdelay $0x2  }
0x131: {  	v53 =	vmul.f32 v1, v0;
	v0 =	vld [tilespmem:$0x1FB20]  }
0x132: {  	v1 =	vld [tilespmem:$0x1FB30]  }
0x133: {  	[tilespmem:$0x1FC90] =	vst v57;
	v57 =	vld [tilespmem:s15+$0x5360];
	_ =	sdelay $0x3  }
0x134: {  	v54 =	vmul.f32 v1, v0;
	v0 =	vld [tilespmem:$0x1FB40]  }
0x135: {  	[tilespmem:$0x1FCA0] =	vst v57;
	v57 =	vld [tilespmem:s15+$0x7360]  }
0x136: {  	v1 =	vld [tilespmem:$0x1FB50];
	_ =	sdelay $0x3  }
0x137: {  	[tilespmem:$0x1FCB0] =	vst v57;
	v57 =	vld [tilespmem:s15+$0x5370]  }
0x138: {  	v56 =	vmul.f32 v1, v0;
	v0 =	vld [tilespmem:$0x1FB60]  }
0x139: {  	v1 =	vld [tilespmem:$0x1FB70];
	_ =	sdelay $0x2  }
0x13a: {  	[tilespmem:$0x1FCC0] =	vst v57;
	v57 =	vld [tilespmem:s15+$0x7370];
	_ =	sdelay $0x1  }
0x13b: {  	v58 =	vmul.f32 v1, v0;
	v0 =	vld [tilespmem:$0x1FB80]  }
0x13c: {  	v1 =	vld [tilespmem:$0x1FB90];
	_ =	sdelay $0x1  }
0x13d: {  	[tilespmem:$0x1FCD0] =	vst v57;
	v57 =	vld [tilespmem:s15+$0x5380];
	_ =	sdelay $0x2  }
0x13e: {  	v59 =	vmul.f32 v1, v0;
	v0 =	vld [tilespmem:$0x1FBA0]  }
0x13f: {  	v1 =	vld [tilespmem:$0x1FBB0]  }
0x140: {  	[tilespmem:$0x1FCE0] =	vst v57;
	v57 =	vld [tilespmem:s15+$0x7380];
	_ =	sdelay $0x3  }
0x141: {  	v60 =	vmul.f32 v1, v0;
	v0 =	vld [tilespmem:$0x1FBC0]  }
0x142: {  	[tilespmem:$0x1FCF0] =	vst v57;
	v57 =	vld [tilespmem:s15+$0x5390]  }
0x143: {  	v1 =	vld [tilespmem:$0x1FBD0];
	_ =	sdelay $0x3  }
0x144: {  	[tilespmem:$0x1FD00] =	vst v57;
	v57 =	vld [tilespmem:s15+$0x7390]  }
0x145: {  	v61 =	vmul.f32 v1, v0;
	v0 =	vld [tilespmem:$0x1FBE0]  }
0x146: {  	v1 =	vld [tilespmem:$0x1FBF0];
	_ =	sdelay $0x2  }
0x147: {  	[tilespmem:$0x1FD10] =	vst v57;
	v57 =	vld [tilespmem:s15+$0x53A0];
	_ =	sdelay $0x1  }
0x148: {  	v62 =	vmul.f32 v1, v0;
	v0 =	vld [tilespmem:$0x1FC00]  }
0x149: {  	v1 =	vld [tilespmem:$0x1FC10];
	_ =	sdelay $0x1  }
0x14a: {  	[tilespmem:$0x1FD20] =	vst v57;
	v57 =	vld [tilespmem:s15+$0x73A0];
	_ =	sdelay $0x2  }
0x14b: {  	v63 =	vmul.f32 v1, v0;
	v0 =	vld [tilespmem:$0x1FC20]  }
0x14c: {  	v24 =	vadd.f32 v34, v33;
	v13 =	vadd.f32 v36, v35;
	v1 =	vld [tilespmem:$0x1FC30]  }
0x14d: {  	v43 =	vadd.f32 v40, v39;
	v29 =	vadd.f32 v42, v41;
	[tilespmem:$0x1FD30] =	vst v57;
	v57 =	vld [tilespmem:s15+$0x53B0];
	_ =	sdelay $0x1  }
0x14e: {  	v13 =	vadd.f32 v13, v24;
	v25 =	vadd.f32 v29, v43;
	_ =	sdelay $0x1  }
0x14f: {  	v13 =	vadd.f32 v25, v13;
	v25 =	vadd.f32 v53, v52;
	v52 =	vmul.f32 v1, v0;
	v0 =	vld [tilespmem:$0x1FC40]  }
0x150: {  	[tilespmem:$0x1FD40] =	vst v57;
	v57 =	vld [tilespmem:s15+$0x73B0]  }
0x151: {  	v1 =	vld [tilespmem:$0x1FC50];
	_ =	sdelay $0x3  }
0x152: {  	[tilespmem:$0x1FD50] =	vst v57;
	v57 =	vld [tilespmem:s15+$0x53C0]  }
0x153: {  	v53 =	vmul.f32 v1, v0;
	v0 =	vld [tilespmem:$0x1FC60]  }
0x154: {  	v1 =	vld [tilespmem:$0x1FC70];
	_ =	sdelay $0x2  }
0x155: {  	v30 =	vadd.f32 v45, v44;
	v24 =	vadd.f32 v47, v46;
	[tilespmem:$0x1FD60] =	vst v57;
	v57 =	vld [tilespmem:s15+$0x73C0];
	_ =	sdelay $0x1  }
0x156: {  	v24 =	vadd.f32 v24, v30;
	v30 =	vadd.f32 v56, v54;
	v54 =	vmul.f32 v1, v0;
	v0 =	vld [tilespmem:$0x1FC80]  }
0x157: {  	v1 =	vld [tilespmem:$0x1FC90];
	_ =	sdelay $0x1  }
0x158: {  	[tilespmem:$0x1FD70] =	vst v57;
	v57 =	vld [tilespmem:s15+$0x53D0];
	_ =	sdelay $0x2  }
0x159: {  	v56 =	vmul.f32 v1, v0;
	v0 =	vld [tilespmem:$0x1FCA0]  }
0x15a: {  	v1 =	vld [tilespmem:$0x1FCB0]  }
0x15b: {  	[tilespmem:$0x1FD80] =	vst v57;
	v57 =	vld [tilespmem:s15+$0x73D0];
	_ =	sdelay $0x3  }
0x15c: {  	v34 =	vadd.f32 v59, v58;
	v58 =	vmul.f32 v1, v0;
	v0 =	vld [tilespmem:$0x1FCC0]  }
0x15d: {  	[tilespmem:$0x1FD90] =	vst v57;
	v57 =	vld [tilespmem:s15+$0x53E0]  }
0x15e: {  	v1 =	vld [tilespmem:$0x1FCD0];
	_ =	sdelay $0x3  }
0x15f: {  	[tilespmem:$0x1FDA0] =	vst v57;
	v57 =	vld [tilespmem:s15+$0x73E0]  }
0x160: {  	v59 =	vmul.f32 v1, v0;
	v0 =	vld [tilespmem:$0x1FCE0]  }
0x161: {  	v1 =	vld [tilespmem:$0x1FCF0];
	_ =	sdelay $0x2  }
0x162: {  	[tilespmem:$0x1FDB0] =	vst v57;
	v57 =	vld [tilespmem:s15+$0x53F0];
	_ =	sdelay $0x1  }
0x163: {  	v36 =	vadd.f32 v61, v60;
	v60 =	vmul.f32 v1, v0;
	v0 =	vld [tilespmem:$0x1FD00]  }
0x164: {  	v1 =	vld [tilespmem:$0x1FD10];
	_ =	sdelay $0x1  }
0x165: {  	[tilespmem:$0x1FDC0] =	vst v57;
	v57 =	vld [tilespmem:s15+$0x73F0];
	_ =	sdelay $0x2  }
0x166: {  	v61 =	vmul.f32 v1, v0;
	v0 =	vld [tilespmem:$0x1FD20]  }
0x167: {  	v1 =	vld [tilespmem:$0x1FD30]  }
0x168: {  	[tilespmem:$0x1FDD0] =	vst v57;
	v57 =	vld [tilespmem:s15+$0x5400];
	_ =	sdelay $0x1  }
0x169: {  	v33 =	vadd.f32 v49, v48;
	v35 =	vadd.f32 v51, v50;
	_ =	sdelay $0x1  }
0x16a: {  	v33 =	vadd.f32 v35, v33;
	v35 =	vadd.f32 v63, v62;
	v62 =	vmul.f32 v1, v0;
	v0 =	vld [tilespmem:$0x1FD40]  }
0x16b: {  	[tilespmem:$0x1FDE0] =	vst v57;
	v57 =	vld [tilespmem:s15+$0x7400]  }
0x16c: {  	v1 =	vld [tilespmem:$0x1FD50];
	_ =	sdelay $0x1  }
0x16d: {  	v37 =	vld [tilespmem:s15+$0x7480]  }
0x16e: {  	v55 =	vld [tilespmem:s15+$0x5490]  }
0x16f: {  	[tilespmem:$0x1FDF0] =	vst v57;
	v57 =	vld [tilespmem:s15+$0x5410]  }
0x170: {  	v63 =	vmul.f32 v1, v0;
	v0 =	vld [tilespmem:$0x1FD60]  }
0x171: {  	v1 =	vld [tilespmem:$0x1FD70]  }
0x172: {  	v17 =	vld [tilespmem:s15+$0x74A0]  }
0x173: {  	v16 =	vld [tilespmem:s15+$0x7540]  }
0x174: {  	[tilespmem:$0x1FE00] =	vst v57;
	v57 =	vld [tilespmem:s15+$0x7410]  }
0x175: {  	v19 =	vld [tilespmem:s15+$0x5560]  }
0x176: {  	v24 =	vadd.f32 v33, v24;
	v33 =	vadd.f32 v53, v52;
	v52 =	vmul.f32 v1, v0;
	v0 =	vld [tilespmem:$0x1FD80]  }
0x177: {  	v25 =	vadd.f32 v30, v25;
	v34 =	vadd.f32 v36, v34;
	v1 =	vld [tilespmem:$0x1FD90]  }
0x178: {  	v23 =	vld [tilespmem:s15+$0x7570]  }
0x179: {  	v25 =	vadd.f32 v34, v25;
	[tilespmem:$0x1FE10] =	vst v57;
	v57 =	vld [tilespmem:s15+$0x5420]  }
0x17a: {  	v11 =	vld [tilespmem:s15+$0x7520];
	v34 =	vadd.f32 v56, v54;
	v48 =	vadd.f32 v59, v58  }
0x17b: {  	v12 =	vld [tilespmem:s15+$0x5530]  }
0x17c: {  	v34 =	vadd.f32 v48, v34;
	v48 =	vmul.f32 v1, v0;
	v0 =	vld [tilespmem:$0x1FDA0]  }
0x17d: {  	v1 =	vld [tilespmem:$0x1FDB0]  }
0x17e: {  	[tilespmem:$0x1FE20] =	vst v57;
	v57 =	vld [tilespmem:s15+$0x7420]  }
0x17f: {  	v15 =	vld [tilespmem:s15+$0x5540]  }
0x180: {  	v18 =	vld [tilespmem:s15+$0x7550]  }
0x181: {  	v10 =	vld [tilespmem:s15+$0x5500]  }
0x182: {  	v54 =	vmul.f32 v1, v0;
	v0 =	vld [tilespmem:$0x1FDC0]  }
0x183: {  	[tilespmem:$0x1FE30] =	vst v57;
	v57 =	vld [tilespmem:s15+$0x5430]  }
0x184: {  	v1 =	vld [tilespmem:$0x1FDD0]  }
0x185: {  	v9 =	vld [tilespmem:s15+$0x5520]  }
0x186: {  	v26 =	vld [tilespmem:s15+$0x54B0]  }
0x187: {  	v27 =	vld [tilespmem:s15+$0x74B0]  }
0x188: {  	[tilespmem:$0x1FE40] =	vst v57;
	v57 =	vld [tilespmem:s15+$0x7430]  }
0x189: {  	v58 =	vmul.f32 v1, v0;
	v0 =	vld [tilespmem:$0x1FDE0]  }
0x18a: {  	v1 =	vld [tilespmem:$0x1FDF0]  }
0x18b: {  	[tilespmem:$0x1FF00] =	vst v17;
	v17 =	vld [tilespmem:s15+$0x5550]  }
0x18c: {  	v20 =	vld [tilespmem:s15+$0x7560]  }
0x18d: {  	v33 =	vadd.f32 v33, v35;
	[tilespmem:$0x1FE50] =	vst v57;
	v57 =	vld [tilespmem:s15+$0x5440]  }
0x18e: {  	[tilespmem:$0x1FF10] =	vst v26;
	v26 =	vld [tilespmem:s15+$0x7580]  }
0x18f: {  	v33 =	vadd.f32 v34, v33;
	v34 =	vmul.f32 v1, v0;
	v0 =	vld [tilespmem:$0x1FE00]  }
0x190: {  	v1 =	vld [tilespmem:$0x1FE10]  }
0x191: {  	[tilespmem:$0x1FF20] =	vst v27;
	v27 =	vld [tilespmem:s15+$0x5590]  }
0x192: {  	[tilespmem:$0x1FE60] =	vst v57;
	v57 =	vld [tilespmem:s15+$0x7440]  }
0x193: {  	v2 =	vld [tilespmem:s15+$0x7640]  }
0x194: {  	v7 =	vld [tilespmem:s15+$0x7500]  }
0x195: {  	v50 =	vmul.f32 v1, v0;
	v0 =	vld [tilespmem:$0x1FE20]  }
0x196: {  	v1 =	vld [tilespmem:$0x1FE30]  }
0x197: {  	[tilespmem:$0x1FE70] =	vst v57;
	v57 =	vld [tilespmem:s15+$0x5450]  }
0x198: {  	v5 =	vld [tilespmem:s15+$0x5510]  }
0x199: {  	v6 =	vld [tilespmem:s15+$0x7510];
	v43 =	vadd.f32 v61, v60;
	v35 =	vadd.f32 v63, v62  }
0x19a: {  	v8 =	vld [tilespmem:s15+$0x74F0]  }
0x19b: {  	v35 =	vadd.f32 v35, v43;
	v43 =	vmul.f32 v1, v0;
	v0 =	vld [tilespmem:$0x1FE40]  }
0x19c: {  	[tilespmem:$0x1FE80] =	vst v57;
	v57 =	vld [tilespmem:s15+$0x7450]  }
0x19d: {  	v1 =	vld [tilespmem:$0x1FE50]  }
0x19e: {  	v7 =	vmul.f32 v7, v10;
	v10 =	vld [tilespmem:s15+$0x7680];
	v5 =	vmul.f32 v6, v5  }
0x19f: {  	v14 =	vld [tilespmem:s15+$0x7530]  }
0x1a0: {  	v5 =	vadd.f32 v5, v7;
	v7 =	vld [tilespmem:s15+$0x76A0]  }
0x1a1: {  	[tilespmem:$0x1FE90] =	vst v57;
	v57 =	vld [tilespmem:s15+$0x5460]  }
0x1a2: {  	v60 =	vmul.f32 v1, v0;
	v0 =	vld [tilespmem:$0x1FE60]  }
0x1a3: {  	v1 =	vld [tilespmem:$0x1FE70]  }
0x1a4: {  	v28 =	vld [tilespmem:s15+$0x7590]  }
0x1a5: {  	v6 =	vmul.f32 v11, v9;
	v11 =	vmul.f32 v14, v12;
	v14 =	vld [tilespmem:s15+$0x7690]  }
0x1a6: {  	[tilespmem:$0x1FEA0] =	vst v57;
	v57 =	vld [tilespmem:s15+$0x7460]  }
0x1a7: {  	v3 =	vld [tilespmem:s15+$0x55B0]  }
0x1a8: {  	v48 =	vadd.f32 v48, v52;
	v52 =	vmul.f32 v1, v0;
	v0 =	vld [tilespmem:$0x1FE80]  }
0x1a9: {  	v1 =	vld [tilespmem:$0x1FE90]  }
0x1aa: {  	v31 =	vld [tilespmem:s15+$0x75A0]  }
0x1ab: {  	[tilespmem:$0x1FEB0] =	vst v57;
	v57 =	vld [tilespmem:s15+$0x5470]  }
0x1ac: {  	v32 =	vld [tilespmem:s15+$0x55D0]  }
0x1ad: {  	v21 =	vld [tilespmem:s15+$0x5570]  }
0x1ae: {  	v62 =	vmul.f32 v1, v0;
	v0 =	vld [tilespmem:$0x1FEA0]  }
0x1af: {  	v1 =	vld [tilespmem:$0x1FEB0]  }
0x1b0: {  	[tilespmem:$0x1FEC0] =	vst v57;
	v57 =	vld [tilespmem:s15+$0x7470]  }
0x1b1: {  	v22 =	vld [tilespmem:s15+$0x5580]  }
0x1b2: {  	v4 =	vld [tilespmem:$0x1FF80]  }
0x1b3: {  	v40 =	vld [tilespmem:s15+$0x75B0]  }
0x1b4: {  	v29 =	vld [tilespmem:s15+$0x55A0]  }
0x1b5: {  	v54 =	vadd.f32 v58, v54;
	v58 =	vmul.f32 v1, v0;
	v0 =	vld [tilespmem:$0x1FEC0];
	[tilespmem:$0x1FED0] =	vst v57  }
0x1b6: {  	v1 =	vld [tilespmem:$0x1FED0]  }
0x1b7: {  	v39 =	vld [tilespmem:s15+$0x75D0]  }
0x1b8: {  	v6 =	vadd.f32 v11, v6;
	v3 =	vmul.f32 v40, v3;
	v40 =	vld [tilespmem:s15+$0x76D0]  }
0x1b9: {  	v42 =	vld [tilespmem:s15+$0x55C0]  }
0x1ba: {  	v5 =	vadd.f32 v6, v5;
	v6 =	vmul.f32 v31, v29;
	v57 =	vld [tilespmem:s15+$0x5480]  }
0x1bb: {  	v1 =	vmul.f32 v1, v0;
	v0 =	vld [tilespmem:$0x1FEE0]  }
0x1bc: {  	v41 =	vld [tilespmem:s15+$0x75E0];
	v3 =	vadd.f32 v3, v6  }
0x1bd: {  	v6 =	vld [tilespmem:s15+$0x56D0];
	v52 =	vadd.f32 v62, v52;
	v1 =	vadd.f32 v1, v58  }
0x1be: {  	v44 =	vld [tilespmem:s15+$0x75C0]  }
0x1bf: {  	v1 =	vadd.f32 v1, v52;
	v52 =	vmul.f32 v37, v57;
	v57 =	vld [tilespmem:$0x1FF00]  }
0x1c0: {  	v48 =	vadd.f32 v54, v48;
	v54 =	vmul.f32 v0, v55;
	v0 =	vld [tilespmem:$0x1FEF0]  }
0x1c1: {  	v45 =	vld [tilespmem:s15+$0x55F0]  }
0x1c2: {  	v47 =	vld [tilespmem:s15+$0x75F0]  }
0x1c3: {  	v46 =	vld [tilespmem:s15+$0x7600]  }
0x1c4: {  	v62 =	vld [tilespmem:$0x1FF20]  }
0x1c5: {  	v35 =	vadd.f32 v48, v35;
	v48 =	vmul.f32 v57, v0;
	v0 =	vld [tilespmem:$0x1FF10]  }
0x1c6: {  	v51 =	vld [tilespmem:s15+$0x5610]  }
0x1c7: {  	v36 =	vld [tilespmem:s15+$0x5600]  }
0x1c8: {  	v53 =	vld [tilespmem:s15+$0x7610]  }
0x1c9: {  	v55 =	vld [tilespmem:$0x1FF40]  }
0x1ca: {  	v62 =	vmul.f32 v62, v0;
	v0 =	vld [tilespmem:$0x1FF30]  }
0x1cb: {  	v49 =	vld [tilespmem:s15+$0x7620];
	v34 =	vadd.f32 v50, v34;
	v43 =	vadd.f32 v60, v43  }
0x1cc: {  	v44 =	vmul.f32 v44, v42;
	v30 =	vld [tilespmem:s15+$0x55E0]  }
0x1cd: {  	v42 =	vmul.f32 v46, v36;
	v46 =	vmul.f32 v53, v51;
	v51 =	vld [tilespmem:s15+$0x56F0];
	v34 =	vadd.f32 v43, v34  }
0x1ce: {  	v57 =	vld [tilespmem:$0x1FF60]  }
0x1cf: {  	v1 =	vadd.f32 v1, v34;
	v34 =	vmul.f32 v55, v0;
	v0 =	vld [tilespmem:$0x1FF50]  }
0x1d0: {  	v53 =	vld [tilespmem:s15+$0x76F0]  }
0x1d1: {  	v56 =	vld [tilespmem:s15+$0x5620]  }
0x1d2: {  	v59 =	vld [tilespmem:s15+$0x5630]  }
0x1d3: {  	v61 =	vld [tilespmem:s15+$0x7630]  }
0x1d4: {  	v55 =	vmul.f32 v57, v0;
	v0 =	vld [tilespmem:$0x1FF70]  }
0x1d5: {  	v63 =	vld [tilespmem:s15+$0x5640]  }
0x1d6: {  	v50 =	vld [tilespmem:s15+$0x5650];
	v52 =	vadd.f32 v54, v52;
	v48 =	vadd.f32 v62, v48  }
0x1d7: {  	v60 =	vld [tilespmem:s15+$0x7660]  }
0x1d8: {  	v43 =	vld [tilespmem:s15+$0x5660];
	v9 =	vadd.f32 v48, v52;
	v48 =	vmul.f32 v16, v15;
	v52 =	vmul.f32 v18, v17  }
0x1d9: {  	v0 =	vmul.f32 v4, v0;
	v4 =	vld [tilespmem:$0x1FF90]  }
0x1da: {  	v58 =	vld [tilespmem:s15+$0x7650];
	v62 =	vmul.f32 v23, v21;
	v12 =	vadd.f32 v52, v48  }
0x1db: {  	v48 =	vmul.f32 v39, v32;
	v32 =	vld [tilespmem:$0x1FFA0];
	v34 =	vadd.f32 v55, v34;
	v55 =	vmul.f32 v20, v19  }
0x1dc: {  	v52 =	vmul.f32 v41, v30;
	v41 =	vld [tilespmem:$0x1FFB0]  }
0x1dd: {  	v16 =	vadd.f32 v62, v55;
	v55 =	vmul.f32 v47, v45;
	v45 =	vld [tilespmem:$0x1FFC0]  }
0x1de: {  	v8 =	vmul.f32 v8, v4;
	v4 =	vld [tilespmem:$0x1FFD0]  }
0x1df: {  	v37 =	vld [tilespmem:s15+$0x5670]  }
0x1e0: {  	v17 =	vld [tilespmem:s15+$0x56A0];
	(xrf2) =	vadd.scan.msk.f32 $0xffff, v32  }
0x1e1: {  	v54 =	vld [tilespmem:s15+$0x5680];
	(xrf2) =	vadd.scan.msk.f32 $0xffff, v41  }
0x1e2: {  	v57 =	vld [tilespmem:s15+$0x7670];
	(xrf2) =	vadd.scan.msk.f32 $0xffff, v45  }
0x1e3: {  	v0 =	vadd.f32 v8, v0;
	(xrf2) =	vadd.scan.msk.f32 $0xffff, v4;
	v4 =	vld [tilespmem:$0x1FFE0]  }
0x1e4: {  	v6 =	vmul.f32 v40, v6;
	v19 =	vld [tilespmem:s15+$0x56B0]  }
0x1e5: {  	v2 =	vmul.f32 v2, v63;
	v7 =	vmul.f32 v7, v17;
	v20 =	vld [tilespmem:s15+$0x76B0];
	v0 =	vadd.f32 v0, v34  }
0x1e6: {  	v62 =	vld [tilespmem:s15+$0x76C0];
	v47 =	vmul.f32 v49, v56;
	v49 =	vmul.f32 v61, v59  }
0x1e7: {  	v8 =	vld [tilespmem:s15+$0x5690];
	v34 =	vmul.f32 v28, v27;
	v0 =	vadd.f32 v0, v9;
	v9 =	vmul.f32 v26, v22  }
0x1e8: {  	v39 =	vadd.f32 v55, v52;
	v12 =	vadd.f32 v16, v12;
	v52 =	vmul.f32 v60, v43;
	v22 =	vld [tilespmem:s15+$0x56C0];
	(xrf2) =	vadd.scan.msk.f32 $0xffff, v4  }
0x1e9: {  	v55 =	vmul.f32 v57, v37;
	v9 =	vadd.f32 v34, v9;
	v34 =	vadd.f32 v48, v44;
	v44 =	vld [tilespmem:s15+$0x56E0];
	(xrf2) =	vadd.scan.msk.f32 $0xffff, v13  }
0x1ea: {  	v5 =	vadd.f32 v12, v5;
	v12 =	vadd.f32 v49, v47;
	v48 =	vld [tilespmem:s15+$0x76E0];
	v4 =	vmul.f32 v58, v50;
	(xrf2) =	vadd.scan.msk.f32 $0xffff, v24  }
0x1eb: {  	v60 =	vmul.f32 v53, v51;
	v56 =	vadd.f32 v55, v52;
	v3 =	vadd.f32 v3, v9;
	(xrf2) =	vadd.scan.msk.f32 $0xffff, v25  }
0x1ec: {  	v57 =	vmul.f32 v20, v19;
	v9 =	vadd.f32 v46, v42;
	v2 =	vadd.f32 v4, v2;
	(xrf2) =	vadd.scan.msk.f32 $0xffff, v33  }
0x1ed: {  	v8 =	vmul.f32 v14, v8;
	v4 =	vmul.f32 v10, v54;
	(xrf2) =	vadd.scan.msk.f32 $0xffff, v35  }
0x1ee: {  	v61, _, _ =	vpop (xrf2);
	v58 =	vmul.f32 v62, v22;
	v9 =	vadd.f32 v12, v9;
	v2 =	vadd.f32 v56, v2;
	(xrf2) =	vadd.scan.msk.f32 $0xffff, v1  }
0x1ef: {  	v59 =	vmul.f32 v48, v44;
	v1 =	vadd.f32 v8, v4;
	v4 =	vadd.f32 v57, v7;
	v7, _, _ =	vpop (xrf2);
	(xrf2) =	vadd.scan.msk.f32 $0xffff, v0  }
0x1f0: {  	v11 =	vadd.f32 v39, v34;
	v2 =	vadd.f32 v2, v9;
	v62, _, _ =	vpop (xrf2);
	(xrf2) =	vadd.scan.msk.f32 $0xffff, v5;
	v5 =	vbroadcast v61, $0xF  }
0x1f1: {  	v0 =	vadd.f32 v6, v58;
	v6 =	vadd.f32 v60, v59  }
0x1f2: {  	v3 =	vadd.f32 v11, v3;
	v7 =	vbroadcast v7, $0xF  }
0x1f3: {  	v8 =	vbroadcast v62, $0xF;
	v63, _, _ =	vpop (xrf2);
	v1 =	vadd.f32 v4, v1;
	v0 =	vadd.f32 v6, v0  }
0x1f4: {  	(xrf2) =	vadd.scan.msk.f32 $0xffff, v3;
	v4 =	vbroadcast v63, $0xF;
	v3 =	vsel vm1, v5, v7;
	v5, _, _ =	vpop (xrf2)  }
0x1f5: {  	v3 =	vsel vm2, v3, v8;
	v0 =	vadd.f32 v0, v1;
	(xrf2) =	vadd.scan.msk.f32 $0xffff, v2;
	v2, _, _ =	vpop (xrf2);
	v5 =	vbroadcast v5, $0xF  }
0x1f6: {  	v3 =	vsel vm3, v3, v4;
	v2 =	vbroadcast v2, $0xF  }
0x1f7: {  	v1, _, _ =	vpop (xrf2);
	v3 =	vsel vm4, v3, v5  }
0x1f8: {  	v1 =	vbroadcast v1, $0xF;
	v4, _, _ =	vpop (xrf2);
	v2 =	vsel vm5, v3, v2  }
0x1f9: {  	(xrf2) =	vadd.scan.msk.f32 $0xffff, v0;
	v0, _, _ =	vpop (xrf2);
	v3 =	vbroadcast v4, $0xF  }
0x1fa: {  	v4, _, _ =	vpop (xrf2);
	v1 =	vsel vm6, v2, v1;
	v0 =	vbroadcast v0, $0xF  }
0x1fb: {  	v1 =	vsel vm7, v1, v3;
	v3 =	vbroadcast v4, $0xF;
	v2, _, _ =	vpop (xrf2)  }
0x1fc: {  	v0 =	vsel vm8, v1, v0;
	v4, _, _ =	vpop (xrf2);
	v1 =	vbroadcast v2, $0xF  }
0x1fd: {  	v0 =	vsel vm9, v0, v3;
	v2, _, _ =	vpop (xrf2);
	v3 =	vbroadcast v4, $0xF  }
0x1fe: {  	v4, _, _ =	vpop (xrf2);
	v0 =	vsel vm10, v0, v1;
	v1 =	vbroadcast v2, $0xF  }
0x1ff: {  	v2, _, _ =	vpop (xrf2);
	v0 =	vsel vm11, v0, v3  }
0x200: {  	v0 =	vsel vm12, v0, v1;
	v1 =	vbroadcast v2, $0xF  }
0x201: {  	v3 =	vbroadcast v4, $0xF  }
.Ltmp5:
0x202: {  	_ = 	snop;
	(pc) =	sbr.rel @!p0 .LBB2_7-.Ltmp5, $4  }
0x203: {  	v0 =	vsel vm13, v0, v3  }
0x204: {  	v0 =	vsel vm14, v0, v1;
	v1, _, _ =	vpop (xrf2)  }
0x205: {  	v2 =	vsel vm15, v0, v1  }
0x206: {  	v4 =	vimm.f32 $0.0e+00;
	[tilespmem:s2+$0x8F00] =	vst v2  }
0x207: {  	v3 =	vld [tilespmem:s0+$0x0];
	_ =	sdelay $0x1  }
0x208: {  	v0 =	vld [tilespmem:$0x1FFF0];
	_ =	sdelay $0x4  }
0x209: {  	vm0 =	vnez.u8 v0  }
.LBB2_6:
0x20a: {  	v0 =	vld.idx.msk [tilespmem:v3+s25+$0x0], $0xffff;
	_ =	sdelay $0x4  }
0x20b: {  	v0 =	vmax.f32 v0, v2  }
0x20c: {  	[tilespmem:v3+s25+$0x0] =	vst.idx.msk vm0, v0  }
0x20d: {  	v1 =	vld.idx.msk [tilespmem:v3+s25+$0x0], $0xffff;
	_ =	sdelay $0x4  }
0x20e: {  	vm0 =	vlt.f32 v1, v0  }
0x20f: {  	v0 =	vsel vm0, $0x3F800000, v4  }
0x210: {  	(xrf0) =	vmax.scan.msk.f32 $0xffff, v0;
	_ =	sdelay $0x5  }
0x211: {  	v0, _, _ =	vpop (xrf0)  }
0x212: {  	(v2sf) =	vpush v0, $0xF;
	_ =	sdelay $0xe  }
0x213: {  	s14 =	spop (v2sf)  }
0x214: {  	p1 =	sgt.f32 s14, $0.0e+00  }
.Ltmp6:
0x215: {  	_ = 	snop;
	(pc) =	sbr.rel @p1 .LBB2_6-.Ltmp6, $1  }
0x216: {  	_ =	sdelay $0x3  }
.Ltmp7:
0x217: {  	_ = 	snop;
	(pc) =	sbr.rel .LBB2_7-.Ltmp7, $1  }
0x218: {  	_ =	sdelay $0x3  }
.LBB2_9:
0x219: {  	_ =	sfence.sel $0x180000  }
0x21a: {  	[bflag:$0x0] =	sbarrier.arrive $0xFFFF  }
0x21b: {  	_ =	strace $0x90000047  }
0x21c: {  	s0 =	stileid.u32;
	[bflag:$0x2] =	sbarrier.arrive $0xFFFF  }
0x21d: {  	p0 =	sne.s32 s0, $0x0;
	s0 =	rddreg [dreg:$0x2]  }
0x21e: {  	s0 =	sadd.s32 @!p0 $0x100000, s0  }
0x21f: {  	[sflag:s0] =	ssyncadd.tile.s32 @!p0 $0x1;
	_ =	shalt  }
.Lfunc_end2:
_tile_overlayer_lowered:
.L_overlay_start_2:
0x220: {  	(tag) =	ssettag $0x2  }
0x221: {  	s0 =	rddreg [dreg:$0x0];
	s2 =	stileid.u32  }
0x222: {  	s1 =	rddreg [dreg:$0x1];
	p0 =	sne.s32 s2, $0x0  }
0x223: {  	s3 =	rddreg [dreg:$0x2];
	[bflag:$0x3] =	sbarrier.arrive $0xFFFF;
	s2 =	simm.s32 @!p0 $0x1C04  }
0x224: {  	[timem:s3], [sflag:s2] =	dma.local @!p0 [hbm:s0], s1  }
0x225: {  	s0 =	simm.s32 @!p0 $0x4  }
0x226: {  	_ =	swait.ge @!p0 [sflag:s0], s1  }
0x227: {  	s1 =	ssub.s32 @!p0 $0x0, s1;
	[sflag:s0] =	ssyncset.done @!p0 $0x0  }
0x228: {  	[sflag:s0] =	ssyncadd.s32 @!p0 s1  }
0x229: {  	[bflag:$0x3] =	sbarrier.arrive $0xFFFF  }
0x22a: {  	_ =	shalt  }

</sc_bundles>
